<compile_context>
chip_gen: v7x
topology: tpu7x:2x2x1
jax: 0.10.2.dev20260603
libtpu: 0.0.44.dev20260713+nightly
codegen_flags: <defaults>
</compile_context>

<pallas_src>
import functools
import jax
import jax.numpy as jnp
from jax import lax
from jax.experimental import pallas as pl
from jax.experimental.pallas import tpu as pltpu
from jax.experimental.pallas import tpu_sc as plsc

N = 100000
E = 1600000
H = 32
NW = 32
CHUNK = E // NW
B = 80
NB = CHUNK // B


def _sc_edge_body(a_hbm, c_hbm, src_hbm, dst_hbm, x_hbm, stats_hbm,
                  idx_s, idx_d, arows, crows, xblk, stat_v, sem_a, sem_c):
    wid = lax.axis_index("s") * 2 + lax.axis_index("c")
    zero = jnp.zeros((16,), jnp.float32)

    def blk(i, carry):
        s0, s1, q0, q1 = carry
        base = wid * CHUNK + i * B
        pltpu.sync_copy(src_hbm.at[pl.ds(base, B)], idx_s)
        pltpu.sync_copy(dst_hbm.at[pl.ds(base, B)], idx_d)
        cp_a = pltpu.async_copy(a_hbm.at[idx_s], arows, sem_a)
        cp_c = pltpu.async_copy(c_hbm.at[idx_d], crows, sem_c)
        cp_a.wait()
        cp_c.wait()

        def row(r, c2):
            t0, t1, u0, u1 = c2
            x0 = arows[r, pl.ds(0, 16)] + crows[r, pl.ds(0, 16)]
            x1 = arows[r, pl.ds(16, 16)] + crows[r, pl.ds(16, 16)]
            xblk[r, pl.ds(0, 16)] = x0
            xblk[r, pl.ds(16, 16)] = x1
            return (t0 + x0, t1 + x1, u0 + x0 * x0, u1 + x1 * x1)

        carry = lax.fori_loop(0, B, row, (s0, s1, q0, q1), unroll=8)
        pltpu.sync_copy(xblk, x_hbm.at[pl.ds(base, B)])
        return carry

    s0, s1, q0, q1 = lax.fori_loop(0, NB, blk, (zero, zero, zero, zero))
    stat_v[0, :] = s0
    stat_v[1, :] = s1
    stat_v[2, :] = q0
    stat_v[3, :] = q1
    pltpu.sync_copy(stat_v, stats_hbm.at[wid])


def _sc_edge_pass(a, c, src, dst):
    mesh = plsc.VectorSubcoreMesh(core_axis_name="c", subcore_axis_name="s")
    fn = pl.kernel(
        _sc_edge_body,
        out_type=(
            jax.ShapeDtypeStruct((E, H), jnp.float32),
            jax.ShapeDtypeStruct((NW, 4, 16), jnp.float32),
        ),
        mesh=mesh,
        compiler_params=pltpu.CompilerParams(use_tc_tiling_on_sc=False),
        scratch_types=(
            pltpu.VMEM((B,), jnp.int32),
            pltpu.VMEM((B,), jnp.int32),
            pltpu.VMEM((B, H), jnp.float32),
            pltpu.VMEM((B, H), jnp.float32),
            pltpu.VMEM((B, H), jnp.float32),
            pltpu.VMEM((4, 16), jnp.float32),
            pltpu.SemaphoreType.DMA,
            pltpu.SemaphoreType.DMA,
        ),
    )
    return fn(a, c, src, dst)


def _tables_body(h_ref, pos_ref, wh_ref, wp_ref, b1_ref, a_ref, c_ref):
    pw = jnp.dot(pos_ref[...], wp_ref[...], preferred_element_type=jnp.float32)
    a_ref[...] = jnp.dot(h_ref[...], wh_ref[...],
                         preferred_element_type=jnp.float32) + pw
    c_ref[...] = b1_ref[...] - pw


def _tables(h, pos, wh, wp, b1):
    nb = 50
    blk = N // nb
    f = h.shape[1]
    return pl.pallas_call(
        _tables_body,
        grid=(nb,),
        in_specs=[
            pl.BlockSpec((blk, f), lambda i: (i, 0)),
            pl.BlockSpec((blk, 3), lambda i: (i, 0)),
            pl.BlockSpec((f, H), lambda i: (0, 0)),
            pl.BlockSpec((3, H), lambda i: (0, 0)),
            pl.BlockSpec((1, H), lambda i: (0, 0)),
        ],
        out_specs=[
            pl.BlockSpec((blk, H), lambda i: (i, 0)),
            pl.BlockSpec((blk, H), lambda i: (i, 0)),
        ],
        out_shape=[
            jax.ShapeDtypeStruct((N, H), jnp.float32),
            jax.ShapeDtypeStruct((N, H), jnp.float32),
        ],
    )(h, pos, wh, wp, b1.reshape(1, H))


EBLK = 8000
ENB = E // EBLK


def _mlp1_body(x_ref, s_ref, t_ref, w2_ref, b2_ref, r_ref):
    y = jnp.maximum(x_ref[...] * s_ref[...] + t_ref[...], 0.0)
    z = jnp.dot(y, w2_ref[...], preferred_element_type=jnp.float32) + b2_ref[...]
    r_ref[...] = jnp.maximum(z, 0.0)


def _mlp1(x, s, t, w2, b2):
    return pl.pallas_call(
        _mlp1_body,
        grid=(ENB,),
        in_specs=[
            pl.BlockSpec((EBLK, H), lambda i: (i, 0)),
            pl.BlockSpec((1, H), lambda i: (0, 0)),
            pl.BlockSpec((1, H), lambda i: (0, 0)),
            pl.BlockSpec((H, H), lambda i: (0, 0)),
            pl.BlockSpec((1, H), lambda i: (0, 0)),
        ],
        out_specs=pl.BlockSpec((EBLK, H), lambda i: (i, 0)),
        out_shape=jax.ShapeDtypeStruct((E, H), jnp.float32),
    )(x, s.reshape(1, H), t.reshape(1, H), w2, b2.reshape(1, H))


def _mlp2_body(x_ref, dst_ref, bnd_ref, s_ref, t_ref, w2_ref, b2_ref, o_ref):
    @pl.when(pl.program_id(0) == 0)
    def _():
        o_ref[...] = jnp.zeros_like(o_ref)

    y = jnp.maximum(x_ref[...] * s_ref[...] + t_ref[...], 0.0)
    zt = lax.dot_general(w2_ref[...], y, (((0,), (1,)), ((), ())),
                         preferred_element_type=jnp.float32)
    rt = jnp.maximum(zt + b2_ref[...], 0.0)
    d = dst_ref[0]
    gid = jnp.zeros(d.shape, jnp.int32)
    for g in range(1, 16):
        gid = gid + jnp.where(d >= bnd_ref[g], 1, 0)
    for g in range(16):
        m = gid == g
        cmax = jnp.max(jnp.where(m, rt, 0.0), axis=1, keepdims=True)
        o_ref[:, pl.ds(g, 1)] = jnp.maximum(o_ref[:, pl.ds(g, 1)], cmax)


def _mlp2_pool(x, dst3d, bnd, s, t, w2, b2):
    return pl.pallas_call(
        _mlp2_body,
        grid=(ENB,),
        in_specs=[
            pl.BlockSpec((EBLK, H), lambda i: (i, 0)),
            pl.BlockSpec((1, 1, EBLK), lambda i: (i, 0, 0)),
            pl.BlockSpec(memory_space=pltpu.SMEM),
            pl.BlockSpec((1, H), lambda i: (0, 0)),
            pl.BlockSpec((1, H), lambda i: (0, 0)),
            pl.BlockSpec((H, H), lambda i: (0, 0)),
            pl.BlockSpec((H, 1), lambda i: (0, 0)),
        ],
        out_specs=pl.BlockSpec((H, 16), lambda i: (0, 0)),
        out_shape=jax.ShapeDtypeStruct((H, 16), jnp.float32),
    )(x, dst3d, bnd, s.reshape(1, H), t.reshape(1, H), w2, b2.reshape(H, 1))


def _cls_body(gh_ref, ph_ref, w_ref, b_ref, o_ref):
    feat = jnp.concatenate([gh_ref[...], ph_ref[...]], axis=-1)
    o_ref[...] = jnp.dot(feat, w_ref[...],
                         preferred_element_type=jnp.float32) + b_ref[...]


def _classifier(gh, ph, w, b):
    return pl.pallas_call(
        _cls_body,
        out_shape=jax.ShapeDtypeStruct((16, 10), jnp.float32),
    )(gh, ph, w, b.reshape(1, 10))


def _bn_fold(stats, g, be):
    sums = jnp.concatenate([stats[:, 0].sum(0), stats[:, 1].sum(0)])
    sqs = jnp.concatenate([stats[:, 2].sum(0), stats[:, 3].sum(0)])
    mean = sums / E
    var = sqs / E - mean * mean
    s = g * lax.rsqrt(var + 1e-5)
    t = be - mean * s
    return s, t


def kernel(pos, ph, edge_index, batch,
           c1_w1, c1_b1, c1_g, c1_be, c1_w2, c1_b2,
           c2_w1, c2_b1, c2_g, c2_be, c2_w2, c2_b2,
           cls_w, cls_b):
    src = edge_index[0]
    dst = edge_index[1]

    a1, c1t = _tables(pos, pos, c1_w1[:3], c1_w1[3:6], c1_b1)
    x1, st1 = _sc_edge_pass(a1, c1t, src, dst)
    s1, t1 = _bn_fold(st1, c1_g, c1_be)
    r1 = _mlp1(x1, s1, t1, c1_w2, c1_b2)
    h = jax.ops.segment_max(r1, dst, num_segments=N)
    h = jnp.where(jnp.isneginf(h), 0.0, h)

    a2, c2t = _tables(h, pos, c2_w1[:H], c2_w1[H:H + 3], c2_b1)
    x2, st2 = _sc_edge_pass(a2, c2t, src, dst)
    s2, t2 = _bn_fold(st2, c2_g, c2_be)
    bnd = jnp.searchsorted(batch, jnp.arange(16, dtype=jnp.int32)).astype(jnp.int32)
    dst3d = dst.reshape(ENB, 1, EBLK)
    ght = _mlp2_pool(x2, dst3d, bnd, s2, t2, c2_w2, c2_b2)

    return _classifier(ght.T, ph, cls_w, cls_b)

# --- scband reference (transcript-rebuilt; emitter-appended) ---
"""Pipeline reference for scband-phpoint-net-89541478187053 (READ-ONLY COPY).

The authoritative reference and input builder live on the scoring server;
editing this copy changes nothing except your own understanding.
"""

import jax, jax.numpy as jnp
import numpy as np

N = 100000
E = 1600000
G = 16
H = 32
PH = 64
NC = 10


def setup_inputs(seed: int = 0) -> dict:
    key = jax.random.key(seed)
    ks = jax.random.split(key, 20)
    pos = jax.random.normal(ks[0], (N, 3), dtype=jnp.float32)
    ph = jax.random.normal(ks[1], (G, PH), dtype=jnp.float32)
    edge_index = jax.random.randint(ks[2], (2, E), 0, N, dtype=jnp.int32)
    batch = jnp.sort(jax.random.randint(ks[3], (N,), 0, G, dtype=jnp.int32))

    def lin_w(k, fi, fo):
        return (jax.random.normal(k, (fi, fo), dtype=jnp.float32) / np.sqrt(fi)).astype(jnp.float32)

    inp = {
        'pos': pos, 'ph': ph, 'edge_index': edge_index, 'batch': batch,
        # conv1: mlp = Linear(3+3, H) -> BN(H) -> ReLU -> Linear(H, H)
        'c1_w1': lin_w(ks[4], 6, H), 'c1_b1': jnp.zeros((H,), jnp.float32),
        'c1_g': jnp.ones((H,), jnp.float32), 'c1_be': jnp.zeros((H,), jnp.float32),
        'c1_w2': lin_w(ks[5], H, H), 'c1_b2': jnp.zeros((H,), jnp.float32),
        # conv2: mlp = Linear(H+3, H) -> BN(H) -> ReLU -> Linear(H, H)
        'c2_w1': lin_w(ks[6], H + 3, H), 'c2_b1': jnp.zeros((H,), jnp.float32),
        'c2_g': jnp.ones((H,), jnp.float32), 'c2_be': jnp.zeros((H,), jnp.float32),
        'c2_w2': lin_w(ks[7], H, H), 'c2_b2': jnp.zeros((H,), jnp.float32),
        # classifier Linear(H+PH, NC)
        'cls_w': lin_w(ks[8], H + PH, NC), 'cls_b': jnp.zeros((NC,), jnp.float32),
    }
    return inp


def _pointnet_layer(h, pos, src, dst, w1, b1, g, be, w2, b2):
    # message: mlp(cat([h_j, pos_j - pos_i]))
    h_j = jnp.take(h, src, axis=0)
    pos_j = jnp.take(pos, src, axis=0)
    pos_i = jnp.take(pos, dst, axis=0)
    edge_feat = jnp.concatenate([h_j, pos_j - pos_i], axis=-1)
    x = edge_feat @ w1 + b1
    # BatchNorm1d in training mode: normalize over the edge (batch) dimension
    mean = jnp.mean(x, axis=0)
    var = jnp.var(x, axis=0)
    x = (x - mean) / jnp.sqrt(var + 1e-5) * g + be
    x = jax.nn.relu(x)
    x = x @ w2 + b2
    # aggr='max' over destination nodes
    out = jax.ops.segment_max(x, dst, num_segments=N)
    out = jnp.where(jnp.isneginf(out), 0.0, out)
    return out


def reference(pos, ph, edge_index, batch,
              c1_w1, c1_b1, c1_g, c1_be, c1_w2, c1_b2,
              c2_w1, c2_b1, c2_g, c2_be, c2_w2, c2_b2,
              cls_w, cls_b):
    src = edge_index[0]
    dst = edge_index[1]
    h = _pointnet_layer(pos, pos, src, dst, c1_w1, c1_b1, c1_g, c1_be, c1_w2, c1_b2)
    h = jax.nn.relu(h)
    h = _pointnet_layer(h, pos, src, dst, c2_w1, c2_b1, c2_g, c2_be, c2_w2, c2_b2)
    h = jax.nn.relu(h)
    # global_max_pool
    g_h = jax.ops.segment_max(h, batch, num_segments=G)
    g_h = jnp.where(jnp.isneginf(g_h), 0.0, g_h)
    out = jnp.concatenate([g_h, ph], axis=-1) @ cls_w + cls_b
    return out

if __name__ == "__main__":
    import jax
    _d = setup_inputs()
    print(jax.jit(kernel)(*tuple(_d.values())))

</pallas_src>

<mosaic_0001>
#map = affine_map<(d0, d1) -> (0, 0)>
#map1 = affine_map<(d0, d1) -> (0)>
#map2 = affine_map<(d0, d1) -> (0, 0, 0)>
module attributes {stable_mosaic.version = 14 : i64} {
  func.func @_sc_edge_body(%arg0: i32, %arg1: i32, %arg2: memref<100000x32xf32, #tpu.memory_space<hbm>>, %arg3: memref<100000x32xf32, #tpu.memory_space<hbm>>, %arg4: memref<1600000xi32, #tpu.memory_space<hbm>>, %arg5: memref<1600000xi32, #tpu.memory_space<hbm>>, %arg6: memref<1600000x32xf32, #tpu.memory_space<hbm>>, %arg7: memref<32x4x16xf32, #tpu.memory_space<hbm>>, %arg8: memref<80xi32, #tpu.memory_space<vmem>>, %arg9: memref<80xi32, #tpu.memory_space<vmem>>, %arg10: memref<80x32xf32, #tpu.memory_space<vmem>>, %arg11: memref<80x32xf32, #tpu.memory_space<vmem>>, %arg12: memref<80x32xf32, #tpu.memory_space<vmem>>, %arg13: memref<4x16xf32, #tpu.memory_space<vmem>>, %arg14: memref<!tpu.dma_semaphore, #tpu.memory_space<semaphore_mem>>, %arg15: memref<!tpu.dma_semaphore, #tpu.memory_space<semaphore_mem>>) attributes {dimension_semantics = [#tpu.dimension_semantics<core_parallel>, #tpu.dimension_semantics<subcore_parallel>], iteration_bounds = array<i64: 2, 16>, scalar_prefetch = 0 : i64, scratch_operands = 8 : i64, tpu.core_type = #tpu.core_type<sc_vector_subcore>, window_params = [{transform_indices = #map}, {transform_indices = #map}, {transform_indices = #map1}, {transform_indices = #map1}, {transform_indices = #map}, {transform_indices = #map2}]} {
    %mul3A = arith.constant 2 : i32
    %mul3A_0 = arith.muli %arg1, %mul3A : i32
    %add3A = arith.addi %mul3A_0, %arg0 : i32
    %broadcast_in_dim3A = arith.constant 0.000000e+00 : f32
    %broadcast_in_dim3A_1 = vector.broadcast %broadcast_in_dim3A : f32 to vector<16xf32>
    %scan3A = arith.constant 0 : i32
    %scan3A_2 = arith.constant 625 : i32
    %scan3A_3 = arith.addi %scan3A, %scan3A_2 : i32
    %scan3A_4 = arith.constant 1 : i32
    %scan3A_5:4 = scf.for %scan3A_30 = %scan3A to %scan3A_3 step %scan3A_4 iter_args(%scan3A_31 = %broadcast_in_dim3A_1, %scan3A_32 = %broadcast_in_dim3A_1, %scan3A_33 = %broadcast_in_dim3A_1, %scan3A_34 = %broadcast_in_dim3A_1) -> (vector<16xf32>, vector<16xf32>, vector<16xf32>, vector<16xf32>)  : i32 {
      %mul3A_35 = arith.constant 50000 : i32
      %mul3A_36 = arith.muli %add3A, %mul3A_35 : i32
      %mul3A_37 = arith.constant 80 : i32
      %mul3A_38 = arith.muli %scan3A_30, %mul3A_37 : i32
      %add3A_39 = arith.addi %mul3A_36, %mul3A_38 : i32
      "tpu.region"() ({
        %run_scoped3A = tpu.sem_alloc : memref<!tpu.dma_semaphore, #tpu.memory_space<semaphore_mem>>
        %dma_start3A_56 = tpu.memref_slice %arg4[%add3A_39] : memref<1600000xi32, #tpu.memory_space<hbm>> -> memref<80xi32, #tpu.memory_space<hbm>>
        %dma_start3A_57 = tpu.memref_slice %arg4[%add3A_39] : memref<1600000xi32, #tpu.memory_space<hbm>> -> memref<80xi32, #tpu.memory_space<hbm>>
        tpu.enqueue_dma source(%dma_start3A_57 : memref<80xi32, #tpu.memory_space<hbm>>) target(%arg8 : memref<80xi32, #tpu.memory_space<vmem>>) target_semaphore(%run_scoped3A : memref<!tpu.dma_semaphore, #tpu.memory_space<semaphore_mem>>)
        %dma_wait3A_58 = tpu.memref_slice %arg4[%add3A_39] : memref<1600000xi32, #tpu.memory_space<hbm>> -> memref<80xi32, #tpu.memory_space<hbm>>
        %dma_wait3A_59 = tpu.memref_slice %arg4[%add3A_39] : memref<1600000xi32, #tpu.memory_space<hbm>> -> memref<80xi32, #tpu.memory_space<hbm>>
        tpu.wait_dma2 semaphore(%run_scoped3A : memref<!tpu.dma_semaphore, #tpu.memory_space<semaphore_mem>>) src(%dma_wait3A_59 : memref<80xi32, #tpu.memory_space<hbm>>) dst(%arg8 : memref<80xi32, #tpu.memory_space<vmem>>)
        tpu.yield
      }) : () -> ()
      "tpu.region"() ({
        %run_scoped3A = tpu.sem_alloc : memref<!tpu.dma_semaphore, #tpu.memory_space<semaphore_mem>>
        %dma_start3A_56 = tpu.memref_slice %arg5[%add3A_39] : memref<1600000xi32, #tpu.memory_space<hbm>> -> memref<80xi32, #tpu.memory_space<hbm>>
        %dma_start3A_57 = tpu.memref_slice %arg5[%add3A_39] : memref<1600000xi32, #tpu.memory_space<hbm>> -> memref<80xi32, #tpu.memory_space<hbm>>
        tpu.enqueue_dma source(%dma_start3A_57 : memref<80xi32, #tpu.memory_space<hbm>>) target(%arg9 : memref<80xi32, #tpu.memory_space<vmem>>) target_semaphore(%run_scoped3A : memref<!tpu.dma_semaphore, #tpu.memory_space<semaphore_mem>>)
        %dma_wait3A_58 = tpu.memref_slice %arg5[%add3A_39] : memref<1600000xi32, #tpu.memory_space<hbm>> -> memref<80xi32, #tpu.memory_space<hbm>>
        %dma_wait3A_59 = tpu.memref_slice %arg5[%add3A_39] : memref<1600000xi32, #tpu.memory_space<hbm>> -> memref<80xi32, #tpu.memory_space<hbm>>
        tpu.wait_dma2 semaphore(%run_scoped3A : memref<!tpu.dma_semaphore, #tpu.memory_space<semaphore_mem>>) src(%dma_wait3A_59 : memref<80xi32, #tpu.memory_space<hbm>>) dst(%arg9 : memref<80xi32, #tpu.memory_space<vmem>>)
        tpu.yield
      }) : () -> ()
      %dma_start3A = arith.constant 0 : i32
      %dma_start3A_40 = arith.constant 0 : i32
      %dma_start3A_41 = tpu.memref_slice %arg2[%dma_start3A, %dma_start3A_40] : memref<100000x32xf32, #tpu.memory_space<hbm>> -> memref<100000x32xf32, #tpu.memory_space<hbm>>
      tpu.enqueue_indirect_dma source(%dma_start3A_41 : memref<100000x32xf32, #tpu.memory_space<hbm>>) target(%arg10 : memref<80x32xf32, #tpu.memory_space<vmem>>) offsets(%arg8 : memref<80xi32, #tpu.memory_space<vmem>>) semaphore(%arg14 : memref<!tpu.dma_semaphore, #tpu.memory_space<semaphore_mem>>)
      %dma_start3A_42 = arith.constant 0 : i32
      %dma_start3A_43 = arith.constant 0 : i32
      %dma_start3A_44 = tpu.memref_slice %arg3[%dma_start3A_42, %dma_start3A_43] : memref<100000x32xf32, #tpu.memory_space<hbm>> -> memref<100000x32xf32, #tpu.memory_space<hbm>>
      tpu.enqueue_indirect_dma source(%dma_start3A_44 : memref<100000x32xf32, #tpu.memory_space<hbm>>) target(%arg11 : memref<80x32xf32, #tpu.memory_space<vmem>>) offsets(%arg9 : memref<80xi32, #tpu.memory_space<vmem>>) semaphore(%arg15 : memref<!tpu.dma_semaphore, #tpu.memory_space<semaphore_mem>>)
      %dma_wait3A = arith.constant 0 : i32
      %dma_wait3A_45 = arith.constant 0 : i32
      %dma_wait3A_46 = tpu.memref_slice %arg2[%dma_wait3A, %dma_wait3A_45] : memref<100000x32xf32, #tpu.memory_space<hbm>> -> memref<100000x32xf32, #tpu.memory_space<hbm>>
      tpu.wait_indirect_dma semaphore(%arg14 : memref<!tpu.dma_semaphore, #tpu.memory_space<semaphore_mem>>) src(%dma_wait3A_46 : memref<100000x32xf32, #tpu.memory_space<hbm>>) dst(%arg10 : memref<80x32xf32, #tpu.memory_space<vmem>>)
      %dma_wait3A_47 = arith.constant 0 : i32
      %dma_wait3A_48 = arith.constant 0 : i32
      %dma_wait3A_49 = tpu.memref_slice %arg3[%dma_wait3A_47, %dma_wait3A_48] : memref<100000x32xf32, #tpu.memory_space<hbm>> -> memref<100000x32xf32, #tpu.memory_space<hbm>>
      tpu.wait_indirect_dma semaphore(%arg15 : memref<!tpu.dma_semaphore, #tpu.memory_space<semaphore_mem>>) src(%dma_wait3A_49 : memref<100000x32xf32, #tpu.memory_space<hbm>>) dst(%arg11 : memref<80x32xf32, #tpu.memory_space<vmem>>)
      %scan3A_50 = arith.constant 0 : i32
      %scan3A_51 = arith.constant 80 : i32
      %scan3A_52 = arith.addi %scan3A_50, %scan3A_51 : i32
      %scan3A_53 = arith.constant 8 : i32
      %scan3A_54:4 = scf.for %scan3A_56 = %scan3A_50 to %scan3A_52 step %scan3A_53 iter_args(%scan3A_57 = %scan3A_31, %scan3A_58 = %scan3A_32, %scan3A_59 = %scan3A_33, %scan3A_60 = %scan3A_34) -> (vector<16xf32>, vector<16xf32>, vector<16xf32>, vector<16xf32>)  : i32 {
        %get3A = arith.index_cast %scan3A_56 : i32 to index
        %get3A_61 = arith.constant 0 : index
        %get3A_62 = tpu.vector_load %arg10[%get3A, %get3A_61] {strides = array<i32>} : memref<80x32xf32, #tpu.memory_space<vmem>>, vector<1x16xf32>,
        %get3A_63 = vector.shape_cast %get3A_62 : vector<1x16xf32> to vector<16xf32>
        %get3A_64 = arith.index_cast %scan3A_56 : i32 to index
        %get3A_65 = arith.constant 0 : index
        %get3A_66 = tpu.vector_load %arg11[%get3A_64, %get3A_65] {strides = array<i32>} : memref<80x32xf32, #tpu.memory_space<vmem>>, vector<1x16xf32>,
        %get3A_67 = vector.shape_cast %get3A_66 : vector<1x16xf32> to vector<16xf32>
        %add3A_68 = arith.addf %get3A_63, %get3A_67 : vector<16xf32>
        %get3A_69 = arith.index_cast %scan3A_56 : i32 to index
        %get3A_70 = arith.constant 16 : index
        %get3A_71 = tpu.vector_load %arg10[%get3A_69, %get3A_70] {strides = array<i32>} : memref<80x32xf32, #tpu.memory_space<vmem>>, vector<1x16xf32>,
        %get3A_72 = vector.shape_cast %get3A_71 : vector<1x16xf32> to vector<16xf32>
        %get3A_73 = arith.index_cast %scan3A_56 : i32 to index
        %get3A_74 = arith.constant 16 : index
        %get3A_75 = tpu.vector_load %arg11[%get3A_73, %get3A_74] {strides = array<i32>} : memref<80x32xf32, #tpu.memory_space<vmem>>, vector<1x16xf32>,
        %get3A_76 = vector.shape_cast %get3A_75 : vector<1x16xf32> to vector<16xf32>
        %add3A_77 = arith.addf %get3A_72, %get3A_76 : vector<16xf32>
        %swap3A_78 = arith.index_cast %scan3A_56 : i32 to index
        %swap3A_79 = arith.constant 0 : index
        %swap3A_80 = tpu.vector_load %arg12[%swap3A_78, %swap3A_79] {strides = array<i32>} : memref<80x32xf32, #tpu.memory_space<vmem>>, vector<1x16xf32>,
        %swap3A_81 = vector.shape_cast %swap3A_80 : vector<1x16xf32> to vector<16xf32>
        %swap3A_82 = vector.shape_cast %add3A_68 : vector<16xf32> to vector<1x16xf32>
        tpu.vector_store %arg12[%swap3A_78, %swap3A_79], %swap3A_82 {strides = array<i32>} : memref<80x32xf32, #tpu.memory_space<vmem>>, vector<1x16xf32>,
        %swap3A_83 = arith.index_cast %scan3A_56 : i32 to index
        %swap3A_84 = arith.constant 16 : index
        %swap3A_85 = tpu.vector_load %arg12[%swap3A_83, %swap3A_84] {strides = array<i32>} : memref<80x32xf32, #tpu.memory_space<vmem>>, vector<1x16xf32>,
        %swap3A_86 = vector.shape_cast %swap3A_85 : vector<1x16xf32> to vector<16xf32>
        %swap3A_87 = vector.shape_cast %add3A_77 : vector<16xf32> to vector<1x16xf32>
        tpu.vector_store %arg12[%swap3A_83, %swap3A_84], %swap3A_87 {strides = array<i32>} : memref<80x32xf32, #tpu.memory_space<vmem>>, vector<1x16xf32>,
        %add3A_88 = arith.addf %scan3A_57, %add3A_68 : vector<16xf32>
        %add3A_89 = arith.addf %scan3A_58, %add3A_77 : vector<16xf32>
        %mul3A_90 = arith.mulf %add3A_68, %add3A_68 : vector<16xf32>
        %add3A_91 = arith.addf %scan3A_59, %mul3A_90 : vector<16xf32>
        %mul3A_92 = arith.mulf %add3A_77, %add3A_77 : vector<16xf32>
        %add3A_93 = arith.addf %scan3A_60, %mul3A_92 : vector<16xf32>
        %scan3A_94 = arith.constant 1 : i32
        %scan3A_95 = arith.addi %scan3A_56, %scan3A_94 : i32
        %get3A_96 = arith.index_cast %scan3A_95 : i32 to index
        %get3A_97 = arith.constant 0 : index
        %get3A_98 = tpu.vector_load %arg10[%get3A_96, %get3A_97] {strides = array<i32>} : memref<80x32xf32, #tpu.memory_space<vmem>>, vector<1x16xf32>,
        %get3A_99 = vector.shape_cast %get3A_98 : vector<1x16xf32> to vector<16xf32>
        %get3A_100 = arith.index_cast %scan3A_95 : i32 to index
        %get3A_101 = arith.constant 0 : index
        %get3A_102 = tpu.vector_load %arg11[%get3A_100, %get3A_101] {strides = array<i32>} : memref<80x32xf32, #tpu.memory_space<vmem>>, vector<1x16xf32>,
        %get3A_103 = vector.shape_cast %get3A_102 : vector<1x16xf32> to vector<16xf32>
        %add3A_104 = arith.addf %get3A_99, %get3A_103 : vector<16xf32>
        %get3A_105 = arith.index_cast %scan3A_95 : i32 to index
        %get3A_106 = arith.constant 16 : index
        %get3A_107 = tpu.vector_load %arg10[%get3A_105, %get3A_106] {strides = array<i32>} : memref<80x32xf32, #tpu.memory_space<vmem>>, vector<1x16xf32>,
        %get3A_108 = vector.shape_cast %get3A_107 : vector<1x16xf32> to vector<16xf32>
        %get3A_109 = arith.index_cast %scan3A_95 : i32 to index
        %get3A_110 = arith.constant 16 : index
        %get3A_111 = tpu.vector_load %arg11[%get3A_109, %get3A_110] {strides = array<i32>} : memref<80x32xf32, #tpu.memory_space<vmem>>, vector<1x16xf32>,
        %get3A_112 = vector.shape_cast %get3A_111 : vector<1x16xf32> to vector<16xf32>
        %add3A_113 = arith.addf %get3A_108, %get3A_112 : vector<16xf32>
        %swap3A_114 = arith.index_cast %scan3A_95 : i32 to index
        %swap3A_115 = arith.constant 0 : index
        %swap3A_116 = tpu.vector_load %arg12[%swap3A_114, %swap3A_115] {strides = array<i32>} : memref<80x32xf32, #tpu.memory_space<vmem>>, vector<1x16xf32>,
        %swap3A_117 = vector.shape_cast %swap3A_116 : vector<1x16xf32> to vector<16xf32>
        %swap3A_118 = vector.shape_cast %add3A_104 : vector<16xf32> to vector<1x16xf32>
        tpu.vector_store %arg12[%swap3A_114, %swap3A_115], %swap3A_118 {strides = array<i32>} : memref<80x32xf32, #tpu.memory_space<vmem>>, vector<1x16xf32>,
        %swap3A_119 = arith.index_cast %scan3A_95 : i32 to index
        %swap3A_120 = arith.constant 16 : index
        %swap3A_121 = tpu.vector_load %arg12[%swap3A_119, %swap3A_120] {strides = array<i32>} : memref<80x32xf32, #tpu.memory_space<vmem>>, vector<1x16xf32>,
        %swap3A_122 = vector.shape_cast %swap3A_121 : vector<1x16xf32> to vector<16xf32>
        %swap3A_123 = vector.shape_cast %add3A_113 : vector<16xf32> to vector<1x16xf32>
        tpu.vector_store %arg12[%swap3A_119, %swap3A_120], %swap3A_123 {strides = array<i32>} : memref<80x32xf32, #tpu.memory_space<vmem>>, vector<1x16xf32>,
        %add3A_124 = arith.addf %add3A_88, %add3A_104 : vector<16xf32>
        %add3A_125 = arith.addf %add3A_89, %add3A_113 : vector<16xf32>
        %mul3A_126 = arith.mulf %add3A_104, %add3A_104 : vector<16xf32>
        %add3A_127 = arith.addf %add3A_91, %mul3A_126 : vector<16xf32>
        %mul3A_128 = arith.mulf %add3A_113, %add3A_113 : vector<16xf32>
        %add3A_129 = arith.addf %add3A_93, %mul3A_128 : vector<16xf32>
        %scan3A_130 = arith.constant 2 : i32
        %scan3A_131 = arith.addi %scan3A_56, %scan3A_130 : i32
        %get3A_132 = arith.index_cast %scan3A_131 : i32 to index
        %get3A_133 = arith.constant 0 : index
        %get3A_134 = tpu.vector_load %arg10[%get3A_132, %get3A_133] {strides = array<i32>} : memref<80x32xf32, #tpu.memory_space<vmem>>, vector<1x16xf32>,
        %get3A_135 = vector.shape_cast %get3A_134 : vector<1x16xf32> to vector<16xf32>
        %get3A_136 = arith.index_cast %scan3A_131 : i32 to index
        %get3A_137 = arith.constant 0 : index
        %get3A_138 = tpu.vector_load %arg11[%get3A_136, %get3A_137] {strides = array<i32>} : memref<80x32xf32, #tpu.memory_space<vmem>>, vector<1x16xf32>,
        %get3A_139 = vector.shape_cast %get3A_138 : vector<1x16xf32> to vector<16xf32>
        %add3A_140 = arith.addf %get3A_135, %get3A_139 : vector<16xf32>
        %get3A_141 = arith.index_cast %scan3A_131 : i32 to index
        %get3A_142 = arith.constant 16 : index
        %get3A_143 = tpu.vector_load %arg10[%get3A_141, %get3A_142] {strides = array<i32>} : memref<80x32xf32, #tpu.memory_space<vmem>>, vector<1x16xf32>,
        %get3A_144 = vector.shape_cast %get3A_143 : vector<1x16xf32> to vector<16xf32>
        %get3A_145 = arith.index_cast %scan3A_131 : i32 to index
        %get3A_146 = arith.constant 16 : index
        %get3A_147 = tpu.vector_load %arg11[%get3A_145, %get3A_146] {strides = array<i32>} : memref<80x32xf32, #tpu.memory_space<vmem>>, vector<1x16xf32>,
        %get3A_148 = vector.shape_cast %get3A_147 : vector<1x16xf32> to vector<16xf32>
        %add3A_149 = arith.addf %get3A_144, %get3A_148 : vector<16xf32>
        %swap3A_150 = arith.index_cast %scan3A_131 : i32 to index
        %swap3A_151 = arith.constant 0 : index
        %swap3A_152 = tpu.vector_load %arg12[%swap3A_150, %swap3A_151] {strides = array<i32>} : memref<80x32xf32, #tpu.memory_space<vmem>>, vector<1x16xf32>,
        %swap3A_153 = vector.shape_cast %swap3A_152 : vector<1x16xf32> to vector<16xf32>
        %swap3A_154 = vector.shape_cast %add3A_140 : vector<16xf32> to vector<1x16xf32>
        tpu.vector_store %arg12[%swap3A_150, %swap3A_151], %swap3A_154 {strides = array<i32>} : memref<80x32xf32, #tpu.memory_space<vmem>>, vector<1x16xf32>,
        %swap3A_155 = arith.index_cast %scan3A_131 : i32 to index
        %swap3A_156 = arith.constant 16 : index
        %swap3A_157 = tpu.vector_load %arg12[%swap3A_155, %swap3A_156] {strides = array<i32>} : memref<80x32xf32, #tpu.memory_space<vmem>>, vector<1x16xf32>,
        %swap3A_158 = vector.shape_cast %swap3A_157 : vector<1x16xf32> to vector<16xf32>
        %swap3A_159 = vector.shape_cast %add3A_149 : vector<16xf32> to vector<1x16xf32>
        tpu.vector_store %arg12[%swap3A_155, %swap3A_156], %swap3A_159 {strides = array<i32>} : memref<80x32xf32, #tpu.memory_space<vmem>>, vector<1x16xf32>,
        %add3A_160 = arith.addf %add3A_124, %add3A_140 : vector<16xf32>
        %add3A_161 = arith.addf %add3A_125, %add3A_149 : vector<16xf32>
        %mul3A_162 = arith.mulf %add3A_140, %add3A_140 : vector<16xf32>
        %add3A_163 = arith.addf %add3A_127, %mul3A_162 : vector<16xf32>
        %mul3A_164 = arith.mulf %add3A_149, %add3A_149 : vector<16xf32>
        %add3A_165 = arith.addf %add3A_129, %mul3A_164 : vector<16xf32>
        %scan3A_166 = arith.constant 3 : i32
        %scan3A_167 = arith.addi %scan3A_56, %scan3A_166 : i32
        %get3A_168 = arith.index_cast %scan3A_167 : i32 to index
        %get3A_169 = arith.constant 0 : index
        %get3A_170 = tpu.vector_load %arg10[%get3A_168, %get3A_169] {strides = array<i32>} : memref<80x32xf32, #tpu.memory_space<vmem>>, vector<1x16xf32>,
        %get3A_171 = vector.shape_cast %get3A_170 : vector<1x16xf32> to vector<16xf32>
        %get3A_172 = arith.index_cast %scan3A_167 : i32 to index
        %get3A_173 = arith.constant 0 : index
        %get3A_174 = tpu.vector_load %arg11[%get3A_172, %get3A_173] {strides = array<i32>} : memref<80x32xf32, #tpu.memory_space<vmem>>, vector<1x16xf32>,
        %get3A_175 = vector.shape_cast %get3A_174 : vector<1x16xf32> to vector<16xf32>
        %add3A_176 = arith.addf %get3A_171, %get3A_175 : vector<16xf32>
        %get3A_177 = arith.index_cast %scan3A_167 : i32 to index
        %get3A_178 = arith.constant 16 : index
        %get3A_179 = tpu.vector_load %arg10[%get3A_177, %get3A_178] {strides = array<i32>} : memref<80x32xf32, #tpu.memory_space<vmem>>, vector<1x16xf32>,
        %get3A_180 = vector.shape_cast %get3A_179 : vector<1x16xf32> to vector<16xf32>
        %get3A_181 = arith.index_cast %scan3A_167 : i32 to index
        %get3A_182 = arith.constant 16 : index
        %get3A_183 = tpu.vector_load %arg11[%get3A_181, %get3A_182] {strides = array<i32>} : memref<80x32xf32, #tpu.memory_space<vmem>>, vector<1x16xf32>,
        %get3A_184 = vector.shape_cast %get3A_183 : vector<1x16xf32> to vector<16xf32>
        %add3A_185 = arith.addf %get3A_180, %get3A_184 : vector<16xf32>
        %swap3A_186 = arith.index_cast %scan3A_167 : i32 to index
        %swap3A_187 = arith.constant 0 : index
        %swap3A_188 = tpu.vector_load %arg12[%swap3A_186, %swap3A_187] {strides = array<i32>} : memref<80x32xf32, #tpu.memory_space<vmem>>, vector<1x16xf32>,
        %swap3A_189 = vector.shape_cast %swap3A_188 : vector<1x16xf32> to vector<16xf32>
        %swap3A_190 = vector.shape_cast %add3A_176 : vector<16xf32> to vector<1x16xf32>
        tpu.vector_store %arg12[%swap3A_186, %swap3A_187], %swap3A_190 {strides = array<i32>} : memref<80x32xf32, #tpu.memory_space<vmem>>, vector<1x16xf32>,
        %swap3A_191 = arith.index_cast %scan3A_167 : i32 to index
        %swap3A_192 = arith.constant 16 : index
        %swap3A_193 = tpu.vector_load %arg12[%swap3A_191, %swap3A_192] {strides = array<i32>} : memref<80x32xf32, #tpu.memory_space<vmem>>, vector<1x16xf32>,
        %swap3A_194 = vector.shape_cast %swap3A_193 : vector<1x16xf32> to vector<16xf32>
        %swap3A_195 = vector.shape_cast %add3A_185 : vector<16xf32> to vector<1x16xf32>
        tpu.vector_store %arg12[%swap3A_191, %swap3A_192], %swap3A_195 {strides = array<i32>} : memref<80x32xf32, #tpu.memory_space<vmem>>, vector<1x16xf32>,
        %add3A_196 = arith.addf %add3A_160, %add3A_176 : vector<16xf32>
        %add3A_197 = arith.addf %add3A_161, %add3A_185 : vector<16xf32>
        %mul3A_198 = arith.mulf %add3A_176, %add3A_176 : vector<16xf32>
        %add3A_199 = arith.addf %add3A_163, %mul3A_198 : vector<16xf32>
        %mul3A_200 = arith.mulf %add3A_185, %add3A_185 : vector<16xf32>
        %add3A_201 = arith.addf %add3A_165, %mul3A_200 : vector<16xf32>
        %scan3A_202 = arith.constant 4 : i32
        %scan3A_203 = arith.addi %scan3A_56, %scan3A_202 : i32
        %get3A_204 = arith.index_cast %scan3A_203 : i32 to index
        %get3A_205 = arith.constant 0 : index
        %get3A_206 = tpu.vector_load %arg10[%get3A_204, %get3A_205] {strides = array<i32>} : memref<80x32xf32, #tpu.memory_space<vmem>>, vector<1x16xf32>,
        %get3A_207 = vector.shape_cast %get3A_206 : vector<1x16xf32> to vector<16xf32>
        %get3A_208 = arith.index_cast %scan3A_203 : i32 to index
        %get3A_209 = arith.constant 0 : index
        %get3A_210 = tpu.vector_load %arg11[%get3A_208, %get3A_209] {strides = array<i32>} : memref<80x32xf32, #tpu.memory_space<vmem>>, vector<1x16xf32>,
        %get3A_211 = vector.shape_cast %get3A_210 : vector<1x16xf32> to vector<16xf32>
        %add3A_212 = arith.addf %get3A_207, %get3A_211 : vector<16xf32>
        %get3A_213 = arith.index_cast %scan3A_203 : i32 to index
        %get3A_214 = arith.constant 16 : index
        %get3A_215 = tpu.vector_load %arg10[%get3A_213, %get3A_214] {strides = array<i32>} : memref<80x32xf32, #tpu.memory_space<vmem>>, vector<1x16xf32>,
        %get3A_216 = vector.shape_cast %get3A_215 : vector<1x16xf32> to vector<16xf32>
        %get3A_217 = arith.index_cast %scan3A_203 : i32 to index
        %get3A_218 = arith.constant 16 : index
        %get3A_219 = tpu.vector_load %arg11[%get3A_217, %get3A_218] {strides = array<i32>} : memref<80x32xf32, #tpu.memory_space<vmem>>, vector<1x16xf32>,
        %get3A_220 = vector.shape_cast %get3A_219 : vector<1x16xf32> to vector<16xf32>
        %add3A_221 = arith.addf %get3A_216, %get3A_220 : vector<16xf32>
        %swap3A_222 = arith.index_cast %scan3A_203 : i32 to index
        %swap3A_223 = arith.constant 0 : index
        %swap3A_224 = tpu.vector_load %arg12[%swap3A_222, %swap3A_223] {strides = array<i32>} : memref<80x32xf32, #tpu.memory_space<vmem>>, vector<1x16xf32>,
        %swap3A_225 = vector.shape_cast %swap3A_224 : vector<1x16xf32> to vector<16xf32>
        %swap3A_226 = vector.shape_cast %add3A_212 : vector<16xf32> to vector<1x16xf32>
        tpu.vector_store %arg12[%swap3A_222, %swap3A_223], %swap3A_226 {strides = array<i32>} : memref<80x32xf32, #tpu.memory_space<vmem>>, vector<1x16xf32>,
        %swap3A_227 = arith.index_cast %scan3A_203 : i32 to index
        %swap3A_228 = arith.constant 16 : index
        %swap3A_229 = tpu.vector_load %arg12[%swap3A_227, %swap3A_228] {strides = array<i32>} : memref<80x32xf32, #tpu.memory_space<vmem>>, vector<1x16xf32>,
        %swap3A_230 = vector.shape_cast %swap3A_229 : vector<1x16xf32> to vector<16xf32>
        %swap3A_231 = vector.shape_cast %add3A_221 : vector<16xf32> to vector<1x16xf32>
        tpu.vector_store %arg12[%swap3A_227, %swap3A_228], %swap3A_231 {strides = array<i32>} : memref<80x32xf32, #tpu.memory_space<vmem>>, vector<1x16xf32>,
        %add3A_232 = arith.addf %add3A_196, %add3A_212 : vector<16xf32>
        %add3A_233 = arith.addf %add3A_197, %add3A_221 : vector<16xf32>
        %mul3A_234 = arith.mulf %add3A_212, %add3A_212 : vector<16xf32>
        %add3A_235 = arith.addf %add3A_199, %mul3A_234 : vector<16xf32>
        %mul3A_236 = arith.mulf %add3A_221, %add3A_221 : vector<16xf32>
        %add3A_237 = arith.addf %add3A_201, %mul3A_236 : vector<16xf32>
        %scan3A_238 = arith.constant 5 : i32
        %scan3A_239 = arith.addi %scan3A_56, %scan3A_238 : i32
        %get3A_240 = arith.index_cast %scan3A_239 : i32 to index
        %get3A_241 = arith.constant 0 : index
        %get3A_242 = tpu.vector_load %arg10[%get3A_240, %get3A_241] {strides = array<i32>} : memref<80x32xf32, #tpu.memory_space<vmem>>, vector<1x16xf32>,
        %get3A_243 = vector.shape_cast %get3A_242 : vector<1x16xf32> to vector<16xf32>
        %get3A_244 = arith.index_cast %scan3A_239 : i32 to index
        %get3A_245 = arith.constant 0 : index
        %get3A_246 = tpu.vector_load %arg11[%get3A_244, %get3A_245] {strides = array<i32>} : memref<80x32xf32, #tpu.memory_space<vmem>>, vector<1x16xf32>,
        %get3A_247 = vector.shape_cast %get3A_246 : vector<1x16xf32> to vector<16xf32>
        %add3A_248 = arith.addf %get3A_243, %get3A_247 : vector<16xf32>
        %get3A_249 = arith.index_cast %scan3A_239 : i32 to index
        %get3A_250 = arith.constant 16 : index
        %get3A_251 = tpu.vector_load %arg10[%get3A_249, %get3A_250] {strides = array<i32>} : memref<80x32xf32, #tpu.memory_space<vmem>>, vector<1x16xf32>,
        %get3A_252 = vector.shape_cast %get3A_251 : vector<1x16xf32> to vector<16xf32>
        %get3A_253 = arith.index_cast %scan3A_239 : i32 to index
        %get3A_254 = arith.constant 16 : index
        %get3A_255 = tpu.vector_load %arg11[%get3A_253, %get3A_254] {strides = array<i32>} : memref<80x32xf32, #tpu.memory_space<vmem>>, vector<1x16xf32>,
        %get3A_256 = vector.shape_cast %get3A_255 : vector<1x16xf32> to vector<16xf32>
        %add3A_257 = arith.addf %get3A_252, %get3A_256 : vector<16xf32>
        %swap3A_258 = arith.index_cast %scan3A_239 : i32 to index
        %swap3A_259 = arith.constant 0 : index
        %swap3A_260 = tpu.vector_load %arg12[%swap3A_258, %swap3A_259] {strides = array<i32>} : memref<80x32xf32, #tpu.memory_space<vmem>>, vector<1x16xf32>,
        %swap3A_261 = vector.shape_cast %swap3A_260 : vector<1x16xf32> to vector<16xf32>
        %swap3A_262 = vector.shape_cast %add3A_248 : vector<16xf32> to vector<1x16xf32>
        tpu.vector_store %arg12[%swap3A_258, %swap3A_259], %swap3A_262 {strides = array<i32>} : memref<80x32xf32, #tpu.memory_space<vmem>>, vector<1x16xf32>,
        %swap3A_263 = arith.index_cast %scan3A_239 : i32 to index
        %swap3A_264 = arith.constant 16 : index
        %swap3A_265 = tpu.vector_load %arg12[%swap3A_263, %swap3A_264] {strides = array<i32>} : memref<80x32xf32, #tpu.memory_space<vmem>>, vector<1x16xf32>,
        %swap3A_266 = vector.shape_cast %swap3A_265 : vector<1x16xf32> to vector<16xf32>
        %swap3A_267 = vector.shape_cast %add3A_257 : vector<16xf32> to vector<1x16xf32>
        tpu.vector_store %arg12[%swap3A_263, %swap3A_264], %swap3A_267 {strides = array<i32>} : memref<80x32xf32, #tpu.memory_space<vmem>>, vector<1x16xf32>,
        %add3A_268 = arith.addf %add3A_232, %add3A_248 : vector<16xf32>
        %add3A_269 = arith.addf %add3A_233, %add3A_257 : vector<16xf32>
        %mul3A_270 = arith.mulf %add3A_248, %add3A_248 : vector<16xf32>
        %add3A_271 = arith.addf %add3A_235, %mul3A_270 : vector<16xf32>
        %mul3A_272 = arith.mulf %add3A_257, %add3A_257 : vector<16xf32>
        %add3A_273 = arith.addf %add3A_237, %mul3A_272 : vector<16xf32>
        %scan3A_274 = arith.constant 6 : i32
        %scan3A_275 = arith.addi %scan3A_56, %scan3A_274 : i32
        %get3A_276 = arith.index_cast %scan3A_275 : i32 to index
        %get3A_277 = arith.constant 0 : index
        %get3A_278 = tpu.vector_load %arg10[%get3A_276, %get3A_277] {strides = array<i32>} : memref<80x32xf32, #tpu.memory_space<vmem>>, vector<1x16xf32>,
        %get3A_279 = vector.shape_cast %get3A_278 : vector<1x16xf32> to vector<16xf32>
        %get3A_280 = arith.index_cast %scan3A_275 : i32 to index
        %get3A_281 = arith.constant 0 : index
        %get3A_282 = tpu.vector_load %arg11[%get3A_280, %get3A_281] {strides = array<i32>} : memref<80x32xf32, #tpu.memory_space<vmem>>, vector<1x16xf32>,
        %get3A_283 = vector.shape_cast %get3A_282 : vector<1x16xf32> to vector<16xf32>
        %add3A_284 = arith.addf %get3A_279, %get3A_283 : vector<16xf32>
        %get3A_285 = arith.index_cast %scan3A_275 : i32 to index
        %get3A_286 = arith.constant 16 : index
        %get3A_287 = tpu.vector_load %arg10[%get3A_285, %get3A_286] {strides = array<i32>} : memref<80x32xf32, #tpu.memory_space<vmem>>, vector<1x16xf32>,
        %get3A_288 = vector.shape_cast %get3A_287 : vector<1x16xf32> to vector<16xf32>
        %get3A_289 = arith.index_cast %scan3A_275 : i32 to index
        %get3A_290 = arith.constant 16 : index
        %get3A_291 = tpu.vector_load %arg11[%get3A_289, %get3A_290] {strides = array<i32>} : memref<80x32xf32, #tpu.memory_space<vmem>>, vector<1x16xf32>,
        %get3A_292 = vector.shape_cast %get3A_291 : vector<1x16xf32> to vector<16xf32>
        %add3A_293 = arith.addf %get3A_288, %get3A_292 : vector<16xf32>
        %swap3A_294 = arith.index_cast %scan3A_275 : i32 to index
        %swap3A_295 = arith.constant 0 : index
        %swap3A_296 = tpu.vector_load %arg12[%swap3A_294, %swap3A_295] {strides = array<i32>} : memref<80x32xf32, #tpu.memory_space<vmem>>, vector<1x16xf32>,
        %swap3A_297 = vector.shape_cast %swap3A_296 : vector<1x16xf32> to vector<16xf32>
        %swap3A_298 = vector.shape_cast %add3A_284 : vector<16xf32> to vector<1x16xf32>
        tpu.vector_store %arg12[%swap3A_294, %swap3A_295], %swap3A_298 {strides = array<i32>} : memref<80x32xf32, #tpu.memory_space<vmem>>, vector<1x16xf32>,
        %swap3A_299 = arith.index_cast %scan3A_275 : i32 to index
        %swap3A_300 = arith.constant 16 : index
        %swap3A_301 = tpu.vector_load %arg12[%swap3A_299, %swap3A_300] {strides = array<i32>} : memref<80x32xf32, #tpu.memory_space<vmem>>, vector<1x16xf32>,
        %swap3A_302 = vector.shape_cast %swap3A_301 : vector<1x16xf32> to vector<16xf32>
        %swap3A_303 = vector.shape_cast %add3A_293 : vector<16xf32> to vector<1x16xf32>
        tpu.vector_store %arg12[%swap3A_299, %swap3A_300], %swap3A_303 {strides = array<i32>} : memref<80x32xf32, #tpu.memory_space<vmem>>, vector<1x16xf32>,
        %add3A_304 = arith.addf %add3A_268, %add3A_284 : vector<16xf32>
        %add3A_305 = arith.addf %add3A_269, %add3A_293 : vector<16xf32>
        %mul3A_306 = arith.mulf %add3A_284, %add3A_284 : vector<16xf32>
        %add3A_307 = arith.addf %add3A_271, %mul3A_306 : vector<16xf32>
        %mul3A_308 = arith.mulf %add3A_293, %add3A_293 : vector<16xf32>
        %add3A_309 = arith.addf %add3A_273, %mul3A_308 : vector<16xf32>
        %scan3A_310 = arith.constant 7 : i32
        %scan3A_311 = arith.addi %scan3A_56, %scan3A_310 : i32
        %get3A_312 = arith.index_cast %scan3A_311 : i32 to index
        %get3A_313 = arith.constant 0 : index
        %get3A_314 = tpu.vector_load %arg10[%get3A_312, %get3A_313] {strides = array<i32>} : memref<80x32xf32, #tpu.memory_space<vmem>>, vector<1x16xf32>,
        %get3A_315 = vector.shape_cast %get3A_314 : vector<1x16xf32> to vector<16xf32>
        %get3A_316 = arith.index_cast %scan3A_311 : i32 to index
        %get3A_317 = arith.constant 0 : index
        %get3A_318 = tpu.vector_load %arg11[%get3A_316, %get3A_317] {strides = array<i32>} : memref<80x32xf32, #tpu.memory_space<vmem>>, vector<1x16xf32>,
        %get3A_319 = vector.shape_cast %get3A_318 : vector<1x16xf32> to vector<16xf32>
        %add3A_320 = arith.addf %get3A_315, %get3A_319 : vector<16xf32>
        %get3A_321 = arith.index_cast %scan3A_311 : i32 to index
        %get3A_322 = arith.constant 16 : index
        %get3A_323 = tpu.vector_load %arg10[%get3A_321, %get3A_322] {strides = array<i32>} : memref<80x32xf32, #tpu.memory_space<vmem>>, vector<1x16xf32>,
        %get3A_324 = vector.shape_cast %get3A_323 : vector<1x16xf32> to vector<16xf32>
        %get3A_325 = arith.index_cast %scan3A_311 : i32 to index
        %get3A_326 = arith.constant 16 : index
        %get3A_327 = tpu.vector_load %arg11[%get3A_325, %get3A_326] {strides = array<i32>} : memref<80x32xf32, #tpu.memory_space<vmem>>, vector<1x16xf32>,
        %get3A_328 = vector.shape_cast %get3A_327 : vector<1x16xf32> to vector<16xf32>
        %add3A_329 = arith.addf %get3A_324, %get3A_328 : vector<16xf32>
        %swap3A_330 = arith.index_cast %scan3A_311 : i32 to index
        %swap3A_331 = arith.constant 0 : index
        %swap3A_332 = tpu.vector_load %arg12[%swap3A_330, %swap3A_331] {strides = array<i32>} : memref<80x32xf32, #tpu.memory_space<vmem>>, vector<1x16xf32>,
        %swap3A_333 = vector.shape_cast %swap3A_332 : vector<1x16xf32> to vector<16xf32>
        %swap3A_334 = vector.shape_cast %add3A_320 : vector<16xf32> to vector<1x16xf32>
        tpu.vector_store %arg12[%swap3A_330, %swap3A_331], %swap3A_334 {strides = array<i32>} : memref<80x32xf32, #tpu.memory_space<vmem>>, vector<1x16xf32>,
        %swap3A_335 = arith.index_cast %scan3A_311 : i32 to index
        %swap3A_336 = arith.constant 16 : index
        %swap3A_337 = tpu.vector_load %arg12[%swap3A_335, %swap3A_336] {strides = array<i32>} : memref<80x32xf32, #tpu.memory_space<vmem>>, vector<1x16xf32>,
        %swap3A_338 = vector.shape_cast %swap3A_337 : vector<1x16xf32> to vector<16xf32>
        %swap3A_339 = vector.shape_cast %add3A_329 : vector<16xf32> to vector<1x16xf32>
        tpu.vector_store %arg12[%swap3A_335, %swap3A_336], %swap3A_339 {strides = array<i32>} : memref<80x32xf32, #tpu.memory_space<vmem>>, vector<1x16xf32>,
        %add3A_340 = arith.addf %add3A_304, %add3A_320 : vector<16xf32>
        %add3A_341 = arith.addf %add3A_305, %add3A_329 : vector<16xf32>
        %mul3A_342 = arith.mulf %add3A_320, %add3A_320 : vector<16xf32>
        %add3A_343 = arith.addf %add3A_307, %mul3A_342 : vector<16xf32>
        %mul3A_344 = arith.mulf %add3A_329, %add3A_329 : vector<16xf32>
        %add3A_345 = arith.addf %add3A_309, %mul3A_344 : vector<16xf32>
        scf.yield %add3A_340, %add3A_341, %add3A_343, %add3A_345 : vector<16xf32>, vector<16xf32>, vector<16xf32>, vector<16xf32>
      }
      %scan3A_55 = arith.constant 80 : i32
      "tpu.region"() ({
        %run_scoped3A = tpu.sem_alloc : memref<!tpu.dma_semaphore, #tpu.memory_space<semaphore_mem>>
        %dma_start3A_56 = arith.constant 0 : i32
        %dma_start3A_57 = tpu.memref_slice %arg6[%add3A_39, %dma_start3A_56] : memref<1600000x32xf32, #tpu.memory_space<hbm>> -> memref<80x32xf32, #tpu.memory_space<hbm>>
        %dma_start3A_58 = arith.constant 0 : i32
        %dma_start3A_59 = tpu.memref_slice %arg6[%add3A_39, %dma_start3A_58] : memref<1600000x32xf32, #tpu.memory_space<hbm>> -> memref<80x32xf32, #tpu.memory_space<hbm>>
        tpu.enqueue_dma source(%arg12 : memref<80x32xf32, #tpu.memory_space<vmem>>) target(%dma_start3A_59 : memref<80x32xf32, #tpu.memory_space<hbm>>) target_semaphore(%run_scoped3A : memref<!tpu.dma_semaphore, #tpu.memory_space<semaphore_mem>>)
        %dma_wait3A_60 = arith.constant 0 : i32
        %dma_wait3A_61 = tpu.memref_slice %arg6[%add3A_39, %dma_wait3A_60] : memref<1600000x32xf32, #tpu.memory_space<hbm>> -> memref<80x32xf32, #tpu.memory_space<hbm>>
        %dma_wait3A_62 = arith.constant 0 : i32
        %dma_wait3A_63 = tpu.memref_slice %arg6[%add3A_39, %dma_wait3A_62] : memref<1600000x32xf32, #tpu.memory_space<hbm>> -> memref<80x32xf32, #tpu.memory_space<hbm>>
        tpu.wait_dma2 semaphore(%run_scoped3A : memref<!tpu.dma_semaphore, #tpu.memory_space<semaphore_mem>>) src(%arg12 : memref<80x32xf32, #tpu.memory_space<vmem>>) dst(%dma_wait3A_63 : memref<80x32xf32, #tpu.memory_space<hbm>>)
        tpu.yield
      }) : () -> ()
      scf.yield %scan3A_54#0, %scan3A_54#1, %scan3A_54#2, %scan3A_54#3 : vector<16xf32>, vector<16xf32>, vector<16xf32>, vector<16xf32>
    }
    %scan3A_6 = arith.constant 625 : i32
    %swap3A = arith.constant 0 : i32
    %swap3A_7 = arith.index_cast %swap3A : i32 to index
    %swap3A_8 = arith.constant 0 : index
    %swap3A_9 = tpu.vector_load %arg13[%swap3A_7, %swap3A_8] {strides = array<i32>} : memref<4x16xf32, #tpu.memory_space<vmem>>, vector<1x16xf32>,
    %swap3A_10 = vector.shape_cast %swap3A_9 : vector<1x16xf32> to vector<16xf32>
    %swap3A_11 = vector.shape_cast %scan3A_5#0 : vector<16xf32> to vector<1x16xf32>
    tpu.vector_store %arg13[%swap3A_7, %swap3A_8], %swap3A_11 {strides = array<i32>} : memref<4x16xf32, #tpu.memory_space<vmem>>, vector<1x16xf32>,
    %swap3A_12 = arith.constant 1 : i32
    %swap3A_13 = arith.index_cast %swap3A_12 : i32 to index
    %swap3A_14 = arith.constant 0 : index
    %swap3A_15 = tpu.vector_load %arg13[%swap3A_13, %swap3A_14] {strides = array<i32>} : memref<4x16xf32, #tpu.memory_space<vmem>>, vector<1x16xf32>,
    %swap3A_16 = vector.shape_cast %swap3A_15 : vector<1x16xf32> to vector<16xf32>
    %swap3A_17 = vector.shape_cast %scan3A_5#1 : vector<16xf32> to vector<1x16xf32>
    tpu.vector_store %arg13[%swap3A_13, %swap3A_14], %swap3A_17 {strides = array<i32>} : memref<4x16xf32, #tpu.memory_space<vmem>>, vector<1x16xf32>,
    %swap3A_18 = arith.constant 2 : i32
    %swap3A_19 = arith.index_cast %swap3A_18 : i32 to index
    %swap3A_20 = arith.constant 0 : index
    %swap3A_21 = tpu.vector_load %arg13[%swap3A_19, %swap3A_20] {strides = array<i32>} : memref<4x16xf32, #tpu.memory_space<vmem>>, vector<1x16xf32>,
    %swap3A_22 = vector.shape_cast %swap3A_21 : vector<1x16xf32> to vector<16xf32>
    %swap3A_23 = vector.shape_cast %scan3A_5#2 : vector<16xf32> to vector<1x16xf32>
    tpu.vector_store %arg13[%swap3A_19, %swap3A_20], %swap3A_23 {strides = array<i32>} : memref<4x16xf32, #tpu.memory_space<vmem>>, vector<1x16xf32>,
    %swap3A_24 = arith.constant 3 : i32
    %swap3A_25 = arith.index_cast %swap3A_24 : i32 to index
    %swap3A_26 = arith.constant 0 : index
    %swap3A_27 = tpu.vector_load %arg13[%swap3A_25, %swap3A_26] {strides = array<i32>} : memref<4x16xf32, #tpu.memory_space<vmem>>, vector<1x16xf32>,
    %swap3A_28 = vector.shape_cast %swap3A_27 : vector<1x16xf32> to vector<16xf32>
    %swap3A_29 = vector.shape_cast %scan3A_5#3 : vector<16xf32> to vector<1x16xf32>
    tpu.vector_store %arg13[%swap3A_25, %swap3A_26], %swap3A_29 {strides = array<i32>} : memref<4x16xf32, #tpu.memory_space<vmem>>, vector<1x16xf32>,
    "tpu.region"() ({
      %run_scoped3A = tpu.sem_alloc : memref<!tpu.dma_semaphore, #tpu.memory_space<semaphore_mem>>
      %dma_start3A = arith.constant 0 : i32
      %dma_start3A_30 = arith.constant 0 : i32
      %dma_start3A_31 = tpu.memref_slice %arg7[%add3A, %dma_start3A, %dma_start3A_30] : memref<32x4x16xf32, #tpu.memory_space<hbm>> -> memref<1x4x16xf32, #tpu.memory_space<hbm>>
      %dma_start3A_32 = tpu.memref_squeeze %dma_start3A_31 : memref<1x4x16xf32, #tpu.memory_space<hbm>> -> memref<4x16xf32, #tpu.memory_space<hbm>>
      %dma_start3A_33 = arith.constant 0 : i32
      %dma_start3A_34 = arith.constant 0 : i32
      %dma_start3A_35 = tpu.memref_slice %arg7[%add3A, %dma_start3A_33, %dma_start3A_34] : memref<32x4x16xf32, #tpu.memory_space<hbm>> -> memref<1x4x16xf32, #tpu.memory_space<hbm>>
      %dma_start3A_36 = tpu.memref_squeeze %dma_start3A_35 : memref<1x4x16xf32, #tpu.memory_space<hbm>> -> memref<4x16xf32, #tpu.memory_space<hbm>>
      tpu.enqueue_dma source(%arg13 : memref<4x16xf32, #tpu.memory_space<vmem>>) target(%dma_start3A_36 : memref<4x16xf32, #tpu.memory_space<hbm>>) target_semaphore(%run_scoped3A : memref<!tpu.dma_semaphore, #tpu.memory_space<semaphore_mem>>)
      %dma_wait3A = arith.constant 0 : i32
      %dma_wait3A_37 = arith.constant 0 : i32
      %dma_wait3A_38 = tpu.memref_slice %arg7[%add3A, %dma_wait3A, %dma_wait3A_37] : memref<32x4x16xf32, #tpu.memory_space<hbm>> -> memref<1x4x16xf32, #tpu.memory_space<hbm>>
      %dma_wait3A_39 = tpu.memref_squeeze %dma_wait3A_38 : memref<1x4x16xf32, #tpu.memory_space<hbm>> -> memref<4x16xf32, #tpu.memory_space<hbm>>
      %dma_wait3A_40 = arith.constant 0 : i32
      %dma_wait3A_41 = arith.constant 0 : i32
      %dma_wait3A_42 = tpu.memref_slice %arg7[%add3A, %dma_wait3A_40, %dma_wait3A_41] : memref<32x4x16xf32, #tpu.memory_space<hbm>> -> memref<1x4x16xf32, #tpu.memory_space<hbm>>
      %dma_wait3A_43 = tpu.memref_squeeze %dma_wait3A_42 : memref<1x4x16xf32, #tpu.memory_space<hbm>> -> memref<4x16xf32, #tpu.memory_space<hbm>>
      tpu.wait_dma2 semaphore(%run_scoped3A : memref<!tpu.dma_semaphore, #tpu.memory_space<semaphore_mem>>) src(%arg13 : memref<4x16xf32, #tpu.memory_space<vmem>>) dst(%dma_wait3A_43 : memref<4x16xf32, #tpu.memory_space<hbm>>)
      tpu.yield
    }) : () -> ()
    return
  }
}

#map = affine_map<(d0, d1) -> (0, 0)>
#map1 = affine_map<(d0, d1) -> (0)>
#map2 = affine_map<(d0, d1) -> (0, 0, 0)>
module attributes {stable_mosaic.version = 14 : i64} {
  func.func @_sc_edge_body(%arg0: i32, %arg1: i32, %arg2: memref<100000x32xf32, #tpu.memory_space<hbm>>, %arg3: memref<100000x32xf32, #tpu.memory_space<hbm>>, %arg4: memref<1600000xi32, #tpu.memory_space<hbm>>, %arg5: memref<1600000xi32, #tpu.memory_space<hbm>>, %arg6: memref<1600000x32xf32, #tpu.memory_space<hbm>>, %arg7: memref<32x4x16xf32, #tpu.memory_space<hbm>>, %arg8: memref<80xi32, #tpu.memory_space<vmem>>, %arg9: memref<80xi32, #tpu.memory_space<vmem>>, %arg10: memref<80x32xf32, #tpu.memory_space<vmem>>, %arg11: memref<80x32xf32, #tpu.memory_space<vmem>>, %arg12: memref<80x32xf32, #tpu.memory_space<vmem>>, %arg13: memref<4x16xf32, #tpu.memory_space<vmem>>, %arg14: memref<!tpu.dma_semaphore, #tpu.memory_space<semaphore_mem>>, %arg15: memref<!tpu.dma_semaphore, #tpu.memory_space<semaphore_mem>>) attributes {dimension_semantics = [#tpu.dimension_semantics<core_parallel>, #tpu.dimension_semantics<subcore_parallel>], iteration_bounds = array<i64: 2, 16>, scalar_prefetch = 0 : i64, scratch_operands = 8 : i64, tpu.core_type = #tpu.core_type<sc_vector_subcore>, window_params = [{transform_indices = #map}, {transform_indices = #map}, {transform_indices = #map1}, {transform_indices = #map1}, {transform_indices = #map}, {transform_indices = #map2}]} {
    %mul3A = arith.constant 2 : i32
    %mul3A_0 = arith.muli %arg1, %mul3A : i32
    %add3A = arith.addi %mul3A_0, %arg0 : i32
    %broadcast_in_dim3A = arith.constant 0.000000e+00 : f32
    %broadcast_in_dim3A_1 = vector.broadcast %broadcast_in_dim3A : f32 to vector<16xf32>
    %scan3A = arith.constant 0 : i32
    %scan3A_2 = arith.constant 625 : i32
    %scan3A_3 = arith.addi %scan3A, %scan3A_2 : i32
    %scan3A_4 = arith.constant 1 : i32
    %scan3A_5:4 = scf.for %scan3A_30 = %scan3A to %scan3A_3 step %scan3A_4 iter_args(%scan3A_31 = %broadcast_in_dim3A_1, %scan3A_32 = %broadcast_in_dim3A_1, %scan3A_33 = %broadcast_in_dim3A_1, %scan3A_34 = %broadcast_in_dim3A_1) -> (vector<16xf32>, vector<16xf32>, vector<16xf32>, vector<16xf32>)  : i32 {
      %mul3A_35 = arith.constant 50000 : i32
      %mul3A_36 = arith.muli %add3A, %mul3A_35 : i32
      %mul3A_37 = arith.constant 80 : i32
      %mul3A_38 = arith.muli %scan3A_30, %mul3A_37 : i32
      %add3A_39 = arith.addi %mul3A_36, %mul3A_38 : i32
      "tpu.region"() ({
        %run_scoped3A = tpu.sem_alloc : memref<!tpu.dma_semaphore, #tpu.memory_space<semaphore_mem>>
        %dma_start3A_56 = tpu.memref_slice %arg4[%add3A_39] : memref<1600000xi32, #tpu.memory_space<hbm>> -> memref<80xi32, #tpu.memory_space<hbm>>
        %dma_start3A_57 = tpu.memref_slice %arg4[%add3A_39] : memref<1600000xi32, #tpu.memory_space<hbm>> -> memref<80xi32, #tpu.memory_space<hbm>>
        tpu.enqueue_dma source(%dma_start3A_57 : memref<80xi32, #tpu.memory_space<hbm>>) target(%arg8 : memref<80xi32, #tpu.memory_space<vmem>>) target_semaphore(%run_scoped3A : memref<!tpu.dma_semaphore, #tpu.memory_space<semaphore_mem>>)
        %dma_wait3A_58 = tpu.memref_slice %arg4[%add3A_39] : memref<1600000xi32, #tpu.memory_space<hbm>> -> memref<80xi32, #tpu.memory_space<hbm>>
        %dma_wait3A_59 = tpu.memref_slice %arg4[%add3A_39] : memref<1600000xi32, #tpu.memory_space<hbm>> -> memref<80xi32, #tpu.memory_space<hbm>>
        tpu.wait_dma2 semaphore(%run_scoped3A : memref<!tpu.dma_semaphore, #tpu.memory_space<semaphore_mem>>) src(%dma_wait3A_59 : memref<80xi32, #tpu.memory_space<hbm>>) dst(%arg8 : memref<80xi32, #tpu.memory_space<vmem>>)
        tpu.yield
      }) : () -> ()
      "tpu.region"() ({
        %run_scoped3A = tpu.sem_alloc : memref<!tpu.dma_semaphore, #tpu.memory_space<semaphore_mem>>
        %dma_start3A_56 = tpu.memref_slice %arg5[%add3A_39] : memref<1600000xi32, #tpu.memory_space<hbm>> -> memref<80xi32, #tpu.memory_space<hbm>>
        %dma_start3A_57 = tpu.memref_slice %arg5[%add3A_39] : memref<1600000xi32, #tpu.memory_space<hbm>> -> memref<80xi32, #tpu.memory_space<hbm>>
        tpu.enqueue_dma source(%dma_start3A_57 : memref<80xi32, #tpu.memory_space<hbm>>) target(%arg9 : memref<80xi32, #tpu.memory_space<vmem>>) target_semaphore(%run_scoped3A : memref<!tpu.dma_semaphore, #tpu.memory_space<semaphore_mem>>)
        %dma_wait3A_58 = tpu.memref_slice %arg5[%add3A_39] : memref<1600000xi32, #tpu.memory_space<hbm>> -> memref<80xi32, #tpu.memory_space<hbm>>
        %dma_wait3A_59 = tpu.memref_slice %arg5[%add3A_39] : memref<1600000xi32, #tpu.memory_space<hbm>> -> memref<80xi32, #tpu.memory_space<hbm>>
        tpu.wait_dma2 semaphore(%run_scoped3A : memref<!tpu.dma_semaphore, #tpu.memory_space<semaphore_mem>>) src(%dma_wait3A_59 : memref<80xi32, #tpu.memory_space<hbm>>) dst(%arg9 : memref<80xi32, #tpu.memory_space<vmem>>)
        tpu.yield
      }) : () -> ()
      %dma_start3A = arith.constant 0 : i32
      %dma_start3A_40 = arith.constant 0 : i32
      %dma_start3A_41 = tpu.memref_slice %arg2[%dma_start3A, %dma_start3A_40] : memref<100000x32xf32, #tpu.memory_space<hbm>> -> memref<100000x32xf32, #tpu.memory_space<hbm>>
      tpu.enqueue_indirect_dma source(%dma_start3A_41 : memref<100000x32xf32, #tpu.memory_space<hbm>>) target(%arg10 : memref<80x32xf32, #tpu.memory_space<vmem>>) offsets(%arg8 : memref<80xi32, #tpu.memory_space<vmem>>) semaphore(%arg14 : memref<!tpu.dma_semaphore, #tpu.memory_space<semaphore_mem>>)
      %dma_start3A_42 = arith.constant 0 : i32
      %dma_start3A_43 = arith.constant 0 : i32
      %dma_start3A_44 = tpu.memref_slice %arg3[%dma_start3A_42, %dma_start3A_43] : memref<100000x32xf32, #tpu.memory_space<hbm>> -> memref<100000x32xf32, #tpu.memory_space<hbm>>
      tpu.enqueue_indirect_dma source(%dma_start3A_44 : memref<100000x32xf32, #tpu.memory_space<hbm>>) target(%arg11 : memref<80x32xf32, #tpu.memory_space<vmem>>) offsets(%arg9 : memref<80xi32, #tpu.memory_space<vmem>>) semaphore(%arg15 : memref<!tpu.dma_semaphore, #tpu.memory_space<semaphore_mem>>)
      %dma_wait3A = arith.constant 0 : i32
      %dma_wait3A_45 = arith.constant 0 : i32
      %dma_wait3A_46 = tpu.memref_slice %arg2[%dma_wait3A, %dma_wait3A_45] : memref<100000x32xf32, #tpu.memory_space<hbm>> -> memref<100000x32xf32, #tpu.memory_space<hbm>>
      tpu.wait_indirect_dma semaphore(%arg14 : memref<!tpu.dma_semaphore, #tpu.memory_space<semaphore_mem>>) src(%dma_wait3A_46 : memref<100000x32xf32, #tpu.memory_space<hbm>>) dst(%arg10 : memref<80x32xf32, #tpu.memory_space<vmem>>)
      %dma_wait3A_47 = arith.constant 0 : i32
      %dma_wait3A_48 = arith.constant 0 : i32
      %dma_wait3A_49 = tpu.memref_slice %arg3[%dma_wait3A_47, %dma_wait3A_48] : memref<100000x32xf32, #tpu.memory_space<hbm>> -> memref<100000x32xf32, #tpu.memory_space<hbm>>
      tpu.wait_indirect_dma semaphore(%arg15 : memref<!tpu.dma_semaphore, #tpu.memory_space<semaphore_mem>>) src(%dma_wait3A_49 : memref<100000x32xf32, #tpu.memory_space<hbm>>) dst(%arg11 : memref<80x32xf32, #tpu.memory_space<vmem>>)
      %scan3A_50 = arith.constant 0 : i32
      %scan3A_51 = arith.constant 80 : i32
      %scan3A_52 = arith.addi %scan3A_50, %scan3A_51 : i32
      %scan3A_53 = arith.constant 8 : i32
      %scan3A_54:4 = scf.for %scan3A_56 = %scan3A_50 to %scan3A_52 step %scan3A_53 iter_args(%scan3A_57 = %scan3A_31, %scan3A_58 = %scan3A_32, %scan3A_59 = %scan3A_33, %scan3A_60 = %scan3A_34) -> (vector<16xf32>, vector<16xf32>, vector<16xf32>, vector<16xf32>)  : i32 {
        %get3A = arith.index_cast %scan3A_56 : i32 to index
        %get3A_61 = arith.constant 0 : index
        %get3A_62 = tpu.vector_load %arg10[%get3A, %get3A_61] {strides = array<i32>} : memref<80x32xf32, #tpu.memory_space<vmem>>, vector<1x16xf32>,
        %get3A_63 = vector.shape_cast %get3A_62 : vector<1x16xf32> to vector<16xf32>
        %get3A_64 = arith.index_cast %scan3A_56 : i32 to index
        %get3A_65 = arith.constant 0 : index
        %get3A_66 = tpu.vector_load %arg11[%get3A_64, %get3A_65] {strides = array<i32>} : memref<80x32xf32, #tpu.memory_space<vmem>>, vector<1x16xf32>,
        %get3A_67 = vector.shape_cast %get3A_66 : vector<1x16xf32> to vector<16xf32>
        %add3A_68 = arith.addf %get3A_63, %get3A_67 : vector<16xf32>
        %get3A_69 = arith.index_cast %scan3A_56 : i32 to index
        %get3A_70 = arith.constant 16 : index
        %get3A_71 = tpu.vector_load %arg10[%get3A_69, %get3A_70] {strides = array<i32>} : memref<80x32xf32, #tpu.memory_space<vmem>>, vector<1x16xf32>,
        %get3A_72 = vector.shape_cast %get3A_71 : vector<1x16xf32> to vector<16xf32>
        %get3A_73 = arith.index_cast %scan3A_56 : i32 to index
        %get3A_74 = arith.constant 16 : index
        %get3A_75 = tpu.vector_load %arg11[%get3A_73, %get3A_74] {strides = array<i32>} : memref<80x32xf32, #tpu.memory_space<vmem>>, vector<1x16xf32>,
        %get3A_76 = vector.shape_cast %get3A_75 : vector<1x16xf32> to vector<16xf32>
        %add3A_77 = arith.addf %get3A_72, %get3A_76 : vector<16xf32>
        %swap3A_78 = arith.index_cast %scan3A_56 : i32 to index
        %swap3A_79 = arith.constant 0 : index
        %swap3A_80 = tpu.vector_load %arg12[%swap3A_78, %swap3A_79] {strides = array<i32>} : memref<80x32xf32, #tpu.memory_space<vmem>>, vector<1x16xf32>,
        %swap3A_81 = vector.shape_cast %swap3A_80 : vector<1x16xf32> to vector<16xf32>
        %swap3A_82 = vector.shape_cast %add3A_68 : vector<16xf32> to vector<1x16xf32>
        tpu.vector_store %arg12[%swap3A_78, %swap3A_79], %swap3A_82 {strides = array<i32>} : memref<80x32xf32, #tpu.memory_space<vmem>>, vector<1x16xf32>,
        %swap3A_83 = arith.index_cast %scan3A_56 : i32 to index
        %swap3A_84 = arith.constant 16 : index
        %swap3A_85 = tpu.vector_load %arg12[%swap3A_83, %swap3A_84] {strides = array<i32>} : memref<80x32xf32, #tpu.memory_space<vmem>>, vector<1x16xf32>,
        %swap3A_86 = vector.shape_cast %swap3A_85 : vector<1x16xf32> to vector<16xf32>
        %swap3A_87 = vector.shape_cast %add3A_77 : vector<16xf32> to vector<1x16xf32>
        tpu.vector_store %arg12[%swap3A_83, %swap3A_84], %swap3A_87 {strides = array<i32>} : memref<80x32xf32, #tpu.memory_space<vmem>>, vector<1x16xf32>,
        %add3A_88 = arith.addf %scan3A_57, %add3A_68 : vector<16xf32>
        %add3A_89 = arith.addf %scan3A_58, %add3A_77 : vector<16xf32>
        %mul3A_90 = arith.mulf %add3A_68, %add3A_68 : vector<16xf32>
        %add3A_91 = arith.addf %scan3A_59, %mul3A_90 : vector<16xf32>
        %mul3A_92 = arith.mulf %add3A_77, %add3A_77 : vector<16xf32>
        %add3A_93 = arith.addf %scan3A_60, %mul3A_92 : vector<16xf32>
        %scan3A_94 = arith.constant 1 : i32
        %scan3A_95 = arith.addi %scan3A_56, %scan3A_94 : i32
        %get3A_96 = arith.index_cast %scan3A_95 : i32 to index
        %get3A_97 = arith.constant 0 : index
        %get3A_98 = tpu.vector_load %arg10[%get3A_96, %get3A_97] {strides = array<i32>} : memref<80x32xf32, #tpu.memory_space<vmem>>, vector<1x16xf32>,
        %get3A_99 = vector.shape_cast %get3A_98 : vector<1x16xf32> to vector<16xf32>
        %get3A_100 = arith.index_cast %scan3A_95 : i32 to index
        %get3A_101 = arith.constant 0 : index
        %get3A_102 = tpu.vector_load %arg11[%get3A_100, %get3A_101] {strides = array<i32>} : memref<80x32xf32, #tpu.memory_space<vmem>>, vector<1x16xf32>,
        %get3A_103 = vector.shape_cast %get3A_102 : vector<1x16xf32> to vector<16xf32>
        %add3A_104 = arith.addf %get3A_99, %get3A_103 : vector<16xf32>
        %get3A_105 = arith.index_cast %scan3A_95 : i32 to index
        %get3A_106 = arith.constant 16 : index
        %get3A_107 = tpu.vector_load %arg10[%get3A_105, %get3A_106] {strides = array<i32>} : memref<80x32xf32, #tpu.memory_space<vmem>>, vector<1x16xf32>,
        %get3A_108 = vector.shape_cast %get3A_107 : vector<1x16xf32> to vector<16xf32>
        %get3A_109 = arith.index_cast %scan3A_95 : i32 to index
        %get3A_110 = arith.constant 16 : index
        %get3A_111 = tpu.vector_load %arg11[%get3A_109, %get3A_110] {strides = array<i32>} : memref<80x32xf32, #tpu.memory_space<vmem>>, vector<1x16xf32>,
        %get3A_112 = vector.shape_cast %get3A_111 : vector<1x16xf32> to vector<16xf32>
        %add3A_113 = arith.addf %get3A_108, %get3A_112 : vector<16xf32>
        %swap3A_114 = arith.index_cast %scan3A_95 : i32 to index
        %swap3A_115 = arith.constant 0 : index
        %swap3A_116 = tpu.vector_load %arg12[%swap3A_114, %swap3A_115] {strides = array<i32>} : memref<80x32xf32, #tpu.memory_space<vmem>>, vector<1x16xf32>,
        %swap3A_117 = vector.shape_cast %swap3A_116 : vector<1x16xf32> to vector<16xf32>
        %swap3A_118 = vector.shape_cast %add3A_104 : vector<16xf32> to vector<1x16xf32>
        tpu.vector_store %arg12[%swap3A_114, %swap3A_115], %swap3A_118 {strides = array<i32>} : memref<80x32xf32, #tpu.memory_space<vmem>>, vector<1x16xf32>,
        %swap3A_119 = arith.index_cast %scan3A_95 : i32 to index
        %swap3A_120 = arith.constant 16 : index
        %swap3A_121 = tpu.vector_load %arg12[%swap3A_119, %swap3A_120] {strides = array<i32>} : memref<80x32xf32, #tpu.memory_space<vmem>>, vector<1x16xf32>,
        %swap3A_122 = vector.shape_cast %swap3A_121 : vector<1x16xf32> to vector<16xf32>
        %swap3A_123 = vector.shape_cast %add3A_113 : vector<16xf32> to vector<1x16xf32>
        tpu.vector_store %arg12[%swap3A_119, %swap3A_120], %swap3A_123 {strides = array<i32>} : memref<80x32xf32, #tpu.memory_space<vmem>>, vector<1x16xf32>,
        %add3A_124 = arith.addf %add3A_88, %add3A_104 : vector<16xf32>
        %add3A_125 = arith.addf %add3A_89, %add3A_113 : vector<16xf32>
        %mul3A_126 = arith.mulf %add3A_104, %add3A_104 : vector<16xf32>
        %add3A_127 = arith.addf %add3A_91, %mul3A_126 : vector<16xf32>
        %mul3A_128 = arith.mulf %add3A_113, %add3A_113 : vector<16xf32>
        %add3A_129 = arith.addf %add3A_93, %mul3A_128 : vector<16xf32>
        %scan3A_130 = arith.constant 2 : i32
        %scan3A_131 = arith.addi %scan3A_56, %scan3A_130 : i32
        %get3A_132 = arith.index_cast %scan3A_131 : i32 to index
        %get3A_133 = arith.constant 0 : index
        %get3A_134 = tpu.vector_load %arg10[%get3A_132, %get3A_133] {strides = array<i32>} : memref<80x32xf32, #tpu.memory_space<vmem>>, vector<1x16xf32>,
        %get3A_135 = vector.shape_cast %get3A_134 : vector<1x16xf32> to vector<16xf32>
        %get3A_136 = arith.index_cast %scan3A_131 : i32 to index
        %get3A_137 = arith.constant 0 : index
        %get3A_138 = tpu.vector_load %arg11[%get3A_136, %get3A_137] {strides = array<i32>} : memref<80x32xf32, #tpu.memory_space<vmem>>, vector<1x16xf32>,
        %get3A_139 = vector.shape_cast %get3A_138 : vector<1x16xf32> to vector<16xf32>
        %add3A_140 = arith.addf %get3A_135, %get3A_139 : vector<16xf32>
        %get3A_141 = arith.index_cast %scan3A_131 : i32 to index
        %get3A_142 = arith.constant 16 : index
        %get3A_143 = tpu.vector_load %arg10[%get3A_141, %get3A_142] {strides = array<i32>} : memref<80x32xf32, #tpu.memory_space<vmem>>, vector<1x16xf32>,
        %get3A_144 = vector.shape_cast %get3A_143 : vector<1x16xf32> to vector<16xf32>
        %get3A_145 = arith.index_cast %scan3A_131 : i32 to index
        %get3A_146 = arith.constant 16 : index
        %get3A_147 = tpu.vector_load %arg11[%get3A_145, %get3A_146] {strides = array<i32>} : memref<80x32xf32, #tpu.memory_space<vmem>>, vector<1x16xf32>,
        %get3A_148 = vector.shape_cast %get3A_147 : vector<1x16xf32> to vector<16xf32>
        %add3A_149 = arith.addf %get3A_144, %get3A_148 : vector<16xf32>
        %swap3A_150 = arith.index_cast %scan3A_131 : i32 to index
        %swap3A_151 = arith.constant 0 : index
        %swap3A_152 = tpu.vector_load %arg12[%swap3A_150, %swap3A_151] {strides = array<i32>} : memref<80x32xf32, #tpu.memory_space<vmem>>, vector<1x16xf32>,
        %swap3A_153 = vector.shape_cast %swap3A_152 : vector<1x16xf32> to vector<16xf32>
        %swap3A_154 = vector.shape_cast %add3A_140 : vector<16xf32> to vector<1x16xf32>
        tpu.vector_store %arg12[%swap3A_150, %swap3A_151], %swap3A_154 {strides = array<i32>} : memref<80x32xf32, #tpu.memory_space<vmem>>, vector<1x16xf32>,
        %swap3A_155 = arith.index_cast %scan3A_131 : i32 to index
        %swap3A_156 = arith.constant 16 : index
        %swap3A_157 = tpu.vector_load %arg12[%swap3A_155, %swap3A_156] {strides = array<i32>} : memref<80x32xf32, #tpu.memory_space<vmem>>, vector<1x16xf32>,
        %swap3A_158 = vector.shape_cast %swap3A_157 : vector<1x16xf32> to vector<16xf32>
        %swap3A_159 = vector.shape_cast %add3A_149 : vector<16xf32> to vector<1x16xf32>
        tpu.vector_store %arg12[%swap3A_155, %swap3A_156], %swap3A_159 {strides = array<i32>} : memref<80x32xf32, #tpu.memory_space<vmem>>, vector<1x16xf32>,
        %add3A_160 = arith.addf %add3A_124, %add3A_140 : vector<16xf32>
        %add3A_161 = arith.addf %add3A_125, %add3A_149 : vector<16xf32>
        %mul3A_162 = arith.mulf %add3A_140, %add3A_140 : vector<16xf32>
        %add3A_163 = arith.addf %add3A_127, %mul3A_162 : vector<16xf32>
        %mul3A_164 = arith.mulf %add3A_149, %add3A_149 : vector<16xf32>
        %add3A_165 = arith.addf %add3A_129, %mul3A_164 : vector<16xf32>
        %scan3A_166 = arith.constant 3 : i32
        %scan3A_167 = arith.addi %scan3A_56, %scan3A_166 : i32
        %get3A_168 = arith.index_cast %scan3A_167 : i32 to index
        %get3A_169 = arith.constant 0 : index
        %get3A_170 = tpu.vector_load %arg10[%get3A_168, %get3A_169] {strides = array<i32>} : memref<80x32xf32, #tpu.memory_space<vmem>>, vector<1x16xf32>,
        %get3A_171 = vector.shape_cast %get3A_170 : vector<1x16xf32> to vector<16xf32>
        %get3A_172 = arith.index_cast %scan3A_167 : i32 to index
        %get3A_173 = arith.constant 0 : index
        %get3A_174 = tpu.vector_load %arg11[%get3A_172, %get3A_173] {strides = array<i32>} : memref<80x32xf32, #tpu.memory_space<vmem>>, vector<1x16xf32>,
        %get3A_175 = vector.shape_cast %get3A_174 : vector<1x16xf32> to vector<16xf32>
        %add3A_176 = arith.addf %get3A_171, %get3A_175 : vector<16xf32>
        %get3A_177 = arith.index_cast %scan3A_167 : i32 to index
        %get3A_178 = arith.constant 16 : index
        %get3A_179 = tpu.vector_load %arg10[%get3A_177, %get3A_178] {strides = array<i32>} : memref<80x32xf32, #tpu.memory_space<vmem>>, vector<1x16xf32>,
        %get3A_180 = vector.shape_cast %get3A_179 : vector<1x16xf32> to vector<16xf32>
        %get3A_181 = arith.index_cast %scan3A_167 : i32 to index
        %get3A_182 = arith.constant 16 : index
        %get3A_183 = tpu.vector_load %arg11[%get3A_181, %get3A_182] {strides = array<i32>} : memref<80x32xf32, #tpu.memory_space<vmem>>, vector<1x16xf32>,
        %get3A_184 = vector.shape_cast %get3A_183 : vector<1x16xf32> to vector<16xf32>
        %add3A_185 = arith.addf %get3A_180, %get3A_184 : vector<16xf32>
        %swap3A_186 = arith.index_cast %scan3A_167 : i32 to index
        %swap3A_187 = arith.constant 0 : index
        %swap3A_188 = tpu.vector_load %arg12[%swap3A_186, %swap3A_187] {strides = array<i32>} : memref<80x32xf32, #tpu.memory_space<vmem>>, vector<1x16xf32>,
        %swap3A_189 = vector.shape_cast %swap3A_188 : vector<1x16xf32> to vector<16xf32>
        %swap3A_190 = vector.shape_cast %add3A_176 : vector<16xf32> to vector<1x16xf32>
        tpu.vector_store %arg12[%swap3A_186, %swap3A_187], %swap3A_190 {strides = array<i32>} : memref<80x32xf32, #tpu.memory_space<vmem>>, vector<1x16xf32>,
        %swap3A_191 = arith.index_cast %scan3A_167 : i32 to index
        %swap3A_192 = arith.constant 16 : index
        %swap3A_193 = tpu.vector_load %arg12[%swap3A_191, %swap3A_192] {strides = array<i32>} : memref<80x32xf32, #tpu.memory_space<vmem>>, vector<1x16xf32>,
        %swap3A_194 = vector.shape_cast %swap3A_193 : vector<1x16xf32> to vector<16xf32>
        %swap3A_195 = vector.shape_cast %add3A_185 : vector<16xf32> to vector<1x16xf32>
        tpu.vector_store %arg12[%swap3A_191, %swap3A_192], %swap3A_195 {strides = array<i32>} : memref<80x32xf32, #tpu.memory_space<vmem>>, vector<1x16xf32>,
        %add3A_196 = arith.addf %add3A_160, %add3A_176 : vector<16xf32>
        %add3A_197 = arith.addf %add3A_161, %add3A_185 : vector<16xf32>
        %mul3A_198 = arith.mulf %add3A_176, %add3A_176 : vector<16xf32>
        %add3A_199 = arith.addf %add3A_163, %mul3A_198 : vector<16xf32>
        %mul3A_200 = arith.mulf %add3A_185, %add3A_185 : vector<16xf32>
        %add3A_201 = arith.addf %add3A_165, %mul3A_200 : vector<16xf32>
        %scan3A_202 = arith.constant 4 : i32
        %scan3A_203 = arith.addi %scan3A_56, %scan3A_202 : i32
        %get3A_204 = arith.index_cast %scan3A_203 : i32 to index
        %get3A_205 = arith.constant 0 : index
        %get3A_206 = tpu.vector_load %arg10[%get3A_204, %get3A_205] {strides = array<i32>} : memref<80x32xf32, #tpu.memory_space<vmem>>, vector<1x16xf32>,
        %get3A_207 = vector.shape_cast %get3A_206 : vector<1x16xf32> to vector<16xf32>
        %get3A_208 = arith.index_cast %scan3A_203 : i32 to index
        %get3A_209 = arith.constant 0 : index
        %get3A_210 = tpu.vector_load %arg11[%get3A_208, %get3A_209] {strides = array<i32>} : memref<80x32xf32, #tpu.memory_space<vmem>>, vector<1x16xf32>,
        %get3A_211 = vector.shape_cast %get3A_210 : vector<1x16xf32> to vector<16xf32>
        %add3A_212 = arith.addf %get3A_207, %get3A_211 : vector<16xf32>
        %get3A_213 = arith.index_cast %scan3A_203 : i32 to index
        %get3A_214 = arith.constant 16 : index
        %get3A_215 = tpu.vector_load %arg10[%get3A_213, %get3A_214] {strides = array<i32>} : memref<80x32xf32, #tpu.memory_space<vmem>>, vector<1x16xf32>,
        %get3A_216 = vector.shape_cast %get3A_215 : vector<1x16xf32> to vector<16xf32>
        %get3A_217 = arith.index_cast %scan3A_203 : i32 to index
        %get3A_218 = arith.constant 16 : index
        %get3A_219 = tpu.vector_load %arg11[%get3A_217, %get3A_218] {strides = array<i32>} : memref<80x32xf32, #tpu.memory_space<vmem>>, vector<1x16xf32>,
        %get3A_220 = vector.shape_cast %get3A_219 : vector<1x16xf32> to vector<16xf32>
        %add3A_221 = arith.addf %get3A_216, %get3A_220 : vector<16xf32>
        %swap3A_222 = arith.index_cast %scan3A_203 : i32 to index
        %swap3A_223 = arith.constant 0 : index
        %swap3A_224 = tpu.vector_load %arg12[%swap3A_222, %swap3A_223] {strides = array<i32>} : memref<80x32xf32, #tpu.memory_space<vmem>>, vector<1x16xf32>,
        %swap3A_225 = vector.shape_cast %swap3A_224 : vector<1x16xf32> to vector<16xf32>
        %swap3A_226 = vector.shape_cast %add3A_212 : vector<16xf32> to vector<1x16xf32>
        tpu.vector_store %arg12[%swap3A_222, %swap3A_223], %swap3A_226 {strides = array<i32>} : memref<80x32xf32, #tpu.memory_space<vmem>>, vector<1x16xf32>,
        %swap3A_227 = arith.index_cast %scan3A_203 : i32 to index
        %swap3A_228 = arith.constant 16 : index
        %swap3A_229 = tpu.vector_load %arg12[%swap3A_227, %swap3A_228] {strides = array<i32>} : memref<80x32xf32, #tpu.memory_space<vmem>>, vector<1x16xf32>,
        %swap3A_230 = vector.shape_cast %swap3A_229 : vector<1x16xf32> to vector<16xf32>
        %swap3A_231 = vector.shape_cast %add3A_221 : vector<16xf32> to vector<1x16xf32>
        tpu.vector_store %arg12[%swap3A_227, %swap3A_228], %swap3A_231 {strides = array<i32>} : memref<80x32xf32, #tpu.memory_space<vmem>>, vector<1x16xf32>,
        %add3A_232 = arith.addf %add3A_196, %add3A_212 : vector<16xf32>
        %add3A_233 = arith.addf %add3A_197, %add3A_221 : vector<16xf32>
        %mul3A_234 = arith.mulf %add3A_212, %add3A_212 : vector<16xf32>
        %add3A_235 = arith.addf %add3A_199, %mul3A_234 : vector<16xf32>
        %mul3A_236 = arith.mulf %add3A_221, %add3A_221 : vector<16xf32>
        %add3A_237 = arith.addf %add3A_201, %mul3A_236 : vector<16xf32>
        %scan3A_238 = arith.constant 5 : i32
        %scan3A_239 = arith.addi %scan3A_56, %scan3A_238 : i32
        %get3A_240 = arith.index_cast %scan3A_239 : i32 to index
        %get3A_241 = arith.constant 0 : index
        %get3A_242 = tpu.vector_load %arg10[%get3A_240, %get3A_241] {strides = array<i32>} : memref<80x32xf32, #tpu.memory_space<vmem>>, vector<1x16xf32>,
        %get3A_243 = vector.shape_cast %get3A_242 : vector<1x16xf32> to vector<16xf32>
        %get3A_244 = arith.index_cast %scan3A_239 : i32 to index
        %get3A_245 = arith.constant 0 : index
        %get3A_246 = tpu.vector_load %arg11[%get3A_244, %get3A_245] {strides = array<i32>} : memref<80x32xf32, #tpu.memory_space<vmem>>, vector<1x16xf32>,
        %get3A_247 = vector.shape_cast %get3A_246 : vector<1x16xf32> to vector<16xf32>
        %add3A_248 = arith.addf %get3A_243, %get3A_247 : vector<16xf32>
        %get3A_249 = arith.index_cast %scan3A_239 : i32 to index
        %get3A_250 = arith.constant 16 : index
        %get3A_251 = tpu.vector_load %arg10[%get3A_249, %get3A_250] {strides = array<i32>} : memref<80x32xf32, #tpu.memory_space<vmem>>, vector<1x16xf32>,
        %get3A_252 = vector.shape_cast %get3A_251 : vector<1x16xf32> to vector<16xf32>
        %get3A_253 = arith.index_cast %scan3A_239 : i32 to index
        %get3A_254 = arith.constant 16 : index
        %get3A_255 = tpu.vector_load %arg11[%get3A_253, %get3A_254] {strides = array<i32>} : memref<80x32xf32, #tpu.memory_space<vmem>>, vector<1x16xf32>,
        %get3A_256 = vector.shape_cast %get3A_255 : vector<1x16xf32> to vector<16xf32>
        %add3A_257 = arith.addf %get3A_252, %get3A_256 : vector<16xf32>
        %swap3A_258 = arith.index_cast %scan3A_239 : i32 to index
        %swap3A_259 = arith.constant 0 : index
        %swap3A_260 = tpu.vector_load %arg12[%swap3A_258, %swap3A_259] {strides = array<i32>} : memref<80x32xf32, #tpu.memory_space<vmem>>, vector<1x16xf32>,
        %swap3A_261 = vector.shape_cast %swap3A_260 : vector<1x16xf32> to vector<16xf32>
        %swap3A_262 = vector.shape_cast %add3A_248 : vector<16xf32> to vector<1x16xf32>
        tpu.vector_store %arg12[%swap3A_258, %swap3A_259], %swap3A_262 {strides = array<i32>} : memref<80x32xf32, #tpu.memory_space<vmem>>, vector<1x16xf32>,
        %swap3A_263 = arith.index_cast %scan3A_239 : i32 to index
        %swap3A_264 = arith.constant 16 : index
        %swap3A_265 = tpu.vector_load %arg12[%swap3A_263, %swap3A_264] {strides = array<i32>} : memref<80x32xf32, #tpu.memory_space<vmem>>, vector<1x16xf32>,
        %swap3A_266 = vector.shape_cast %swap3A_265 : vector<1x16xf32> to vector<16xf32>
        %swap3A_267 = vector.shape_cast %add3A_257 : vector<16xf32> to vector<1x16xf32>
        tpu.vector_store %arg12[%swap3A_263, %swap3A_264], %swap3A_267 {strides = array<i32>} : memref<80x32xf32, #tpu.memory_space<vmem>>, vector<1x16xf32>,
        %add3A_268 = arith.addf %add3A_232, %add3A_248 : vector<16xf32>
        %add3A_269 = arith.addf %add3A_233, %add3A_257 : vector<16xf32>
        %mul3A_270 = arith.mulf %add3A_248, %add3A_248 : vector<16xf32>
        %add3A_271 = arith.addf %add3A_235, %mul3A_270 : vector<16xf32>
        %mul3A_272 = arith.mulf %add3A_257, %add3A_257 : vector<16xf32>
        %add3A_273 = arith.addf %add3A_237, %mul3A_272 : vector<16xf32>
        %scan3A_274 = arith.constant 6 : i32
        %scan3A_275 = arith.addi %scan3A_56, %scan3A_274 : i32
        %get3A_276 = arith.index_cast %scan3A_275 : i32 to index
        %get3A_277 = arith.constant 0 : index
        %get3A_278 = tpu.vector_load %arg10[%get3A_276, %get3A_277] {strides = array<i32>} : memref<80x32xf32, #tpu.memory_space<vmem>>, vector<1x16xf32>,
        %get3A_279 = vector.shape_cast %get3A_278 : vector<1x16xf32> to vector<16xf32>
        %get3A_280 = arith.index_cast %scan3A_275 : i32 to index
        %get3A_281 = arith.constant 0 : index
        %get3A_282 = tpu.vector_load %arg11[%get3A_280, %get3A_281] {strides = array<i32>} : memref<80x32xf32, #tpu.memory_space<vmem>>, vector<1x16xf32>,
        %get3A_283 = vector.shape_cast %get3A_282 : vector<1x16xf32> to vector<16xf32>
        %add3A_284 = arith.addf %get3A_279, %get3A_283 : vector<16xf32>
        %get3A_285 = arith.index_cast %scan3A_275 : i32 to index
        %get3A_286 = arith.constant 16 : index
        %get3A_287 = tpu.vector_load %arg10[%get3A_285, %get3A_286] {strides = array<i32>} : memref<80x32xf32, #tpu.memory_space<vmem>>, vector<1x16xf32>,
        %get3A_288 = vector.shape_cast %get3A_287 : vector<1x16xf32> to vector<16xf32>
        %get3A_289 = arith.index_cast %scan3A_275 : i32 to index
        %get3A_290 = arith.constant 16 : index
        %get3A_291 = tpu.vector_load %arg11[%get3A_289, %get3A_290] {strides = array<i32>} : memref<80x32xf32, #tpu.memory_space<vmem>>, vector<1x16xf32>,
        %get3A_292 = vector.shape_cast %get3A_291 : vector<1x16xf32> to vector<16xf32>
        %add3A_293 = arith.addf %get3A_288, %get3A_292 : vector<16xf32>
        %swap3A_294 = arith.index_cast %scan3A_275 : i32 to index
        %swap3A_295 = arith.constant 0 : index
        %swap3A_296 = tpu.vector_load %arg12[%swap3A_294, %swap3A_295] {strides = array<i32>} : memref<80x32xf32, #tpu.memory_space<vmem>>, vector<1x16xf32>,
        %swap3A_297 = vector.shape_cast %swap3A_296 : vector<1x16xf32> to vector<16xf32>
        %swap3A_298 = vector.shape_cast %add3A_284 : vector<16xf32> to vector<1x16xf32>
        tpu.vector_store %arg12[%swap3A_294, %swap3A_295], %swap3A_298 {strides = array<i32>} : memref<80x32xf32, #tpu.memory_space<vmem>>, vector<1x16xf32>,
        %swap3A_299 = arith.index_cast %scan3A_275 : i32 to index
        %swap3A_300 = arith.constant 16 : index
        %swap3A_301 = tpu.vector_load %arg12[%swap3A_299, %swap3A_300] {strides = array<i32>} : memref<80x32xf32, #tpu.memory_space<vmem>>, vector<1x16xf32>,
        %swap3A_302 = vector.shape_cast %swap3A_301 : vector<1x16xf32> to vector<16xf32>
        %swap3A_303 = vector.shape_cast %add3A_293 : vector<16xf32> to vector<1x16xf32>
        tpu.vector_store %arg12[%swap3A_299, %swap3A_300], %swap3A_303 {strides = array<i32>} : memref<80x32xf32, #tpu.memory_space<vmem>>, vector<1x16xf32>,
        %add3A_304 = arith.addf %add3A_268, %add3A_284 : vector<16xf32>
        %add3A_305 = arith.addf %add3A_269, %add3A_293 : vector<16xf32>
        %mul3A_306 = arith.mulf %add3A_284, %add3A_284 : vector<16xf32>
        %add3A_307 = arith.addf %add3A_271, %mul3A_306 : vector<16xf32>
        %mul3A_308 = arith.mulf %add3A_293, %add3A_293 : vector<16xf32>
        %add3A_309 = arith.addf %add3A_273, %mul3A_308 : vector<16xf32>
        %scan3A_310 = arith.constant 7 : i32
        %scan3A_311 = arith.addi %scan3A_56, %scan3A_310 : i32
        %get3A_312 = arith.index_cast %scan3A_311 : i32 to index
        %get3A_313 = arith.constant 0 : index
        %get3A_314 = tpu.vector_load %arg10[%get3A_312, %get3A_313] {strides = array<i32>} : memref<80x32xf32, #tpu.memory_space<vmem>>, vector<1x16xf32>,
        %get3A_315 = vector.shape_cast %get3A_314 : vector<1x16xf32> to vector<16xf32>
        %get3A_316 = arith.index_cast %scan3A_311 : i32 to index
        %get3A_317 = arith.constant 0 : index
        %get3A_318 = tpu.vector_load %arg11[%get3A_316, %get3A_317] {strides = array<i32>} : memref<80x32xf32, #tpu.memory_space<vmem>>, vector<1x16xf32>,
        %get3A_319 = vector.shape_cast %get3A_318 : vector<1x16xf32> to vector<16xf32>
        %add3A_320 = arith.addf %get3A_315, %get3A_319 : vector<16xf32>
        %get3A_321 = arith.index_cast %scan3A_311 : i32 to index
        %get3A_322 = arith.constant 16 : index
        %get3A_323 = tpu.vector_load %arg10[%get3A_321, %get3A_322] {strides = array<i32>} : memref<80x32xf32, #tpu.memory_space<vmem>>, vector<1x16xf32>,
        %get3A_324 = vector.shape_cast %get3A_323 : vector<1x16xf32> to vector<16xf32>
        %get3A_325 = arith.index_cast %scan3A_311 : i32 to index
        %get3A_326 = arith.constant 16 : index
        %get3A_327 = tpu.vector_load %arg11[%get3A_325, %get3A_326] {strides = array<i32>} : memref<80x32xf32, #tpu.memory_space<vmem>>, vector<1x16xf32>,
        %get3A_328 = vector.shape_cast %get3A_327 : vector<1x16xf32> to vector<16xf32>
        %add3A_329 = arith.addf %get3A_324, %get3A_328 : vector<16xf32>
        %swap3A_330 = arith.index_cast %scan3A_311 : i32 to index
        %swap3A_331 = arith.constant 0 : index
        %swap3A_332 = tpu.vector_load %arg12[%swap3A_330, %swap3A_331] {strides = array<i32>} : memref<80x32xf32, #tpu.memory_space<vmem>>, vector<1x16xf32>,
        %swap3A_333 = vector.shape_cast %swap3A_332 : vector<1x16xf32> to vector<16xf32>
        %swap3A_334 = vector.shape_cast %add3A_320 : vector<16xf32> to vector<1x16xf32>
        tpu.vector_store %arg12[%swap3A_330, %swap3A_331], %swap3A_334 {strides = array<i32>} : memref<80x32xf32, #tpu.memory_space<vmem>>, vector<1x16xf32>,
        %swap3A_335 = arith.index_cast %scan3A_311 : i32 to index
        %swap3A_336 = arith.constant 16 : index
        %swap3A_337 = tpu.vector_load %arg12[%swap3A_335, %swap3A_336] {strides = array<i32>} : memref<80x32xf32, #tpu.memory_space<vmem>>, vector<1x16xf32>,
        %swap3A_338 = vector.shape_cast %swap3A_337 : vector<1x16xf32> to vector<16xf32>
        %swap3A_339 = vector.shape_cast %add3A_329 : vector<16xf32> to vector<1x16xf32>
        tpu.vector_store %arg12[%swap3A_335, %swap3A_336], %swap3A_339 {strides = array<i32>} : memref<80x32xf32, #tpu.memory_space<vmem>>, vector<1x16xf32>,
        %add3A_340 = arith.addf %add3A_304, %add3A_320 : vector<16xf32>
        %add3A_341 = arith.addf %add3A_305, %add3A_329 : vector<16xf32>
        %mul3A_342 = arith.mulf %add3A_320, %add3A_320 : vector<16xf32>
        %add3A_343 = arith.addf %add3A_307, %mul3A_342 : vector<16xf32>
        %mul3A_344 = arith.mulf %add3A_329, %add3A_329 : vector<16xf32>
        %add3A_345 = arith.addf %add3A_309, %mul3A_344 : vector<16xf32>
        scf.yield %add3A_340, %add3A_341, %add3A_343, %add3A_345 : vector<16xf32>, vector<16xf32>, vector<16xf32>, vector<16xf32>
      }
      %scan3A_55 = arith.constant 80 : i32
      "tpu.region"() ({
        %run_scoped3A = tpu.sem_alloc : memref<!tpu.dma_semaphore, #tpu.memory_space<semaphore_mem>>
        %dma_start3A_56 = arith.constant 0 : i32
        %dma_start3A_57 = tpu.memref_slice %arg6[%add3A_39, %dma_start3A_56] : memref<1600000x32xf32, #tpu.memory_space<hbm>> -> memref<80x32xf32, #tpu.memory_space<hbm>>
        %dma_start3A_58 = arith.constant 0 : i32
        %dma_start3A_59 = tpu.memref_slice %arg6[%add3A_39, %dma_start3A_58] : memref<1600000x32xf32, #tpu.memory_space<hbm>> -> memref<80x32xf32, #tpu.memory_space<hbm>>
        tpu.enqueue_dma source(%arg12 : memref<80x32xf32, #tpu.memory_space<vmem>>) target(%dma_start3A_59 : memref<80x32xf32, #tpu.memory_space<hbm>>) target_semaphore(%run_scoped3A : memref<!tpu.dma_semaphore, #tpu.memory_space<semaphore_mem>>)
        %dma_wait3A_60 = arith.constant 0 : i32
        %dma_wait3A_61 = tpu.memref_slice %arg6[%add3A_39, %dma_wait3A_60] : memref<1600000x32xf32, #tpu.memory_space<hbm>> -> memref<80x32xf32, #tpu.memory_space<hbm>>
        %dma_wait3A_62 = arith.constant 0 : i32
        %dma_wait3A_63 = tpu.memref_slice %arg6[%add3A_39, %dma_wait3A_62] : memref<1600000x32xf32, #tpu.memory_space<hbm>> -> memref<80x32xf32, #tpu.memory_space<hbm>>
        tpu.wait_dma2 semaphore(%run_scoped3A : memref<!tpu.dma_semaphore, #tpu.memory_space<semaphore_mem>>) src(%arg12 : memref<80x32xf32, #tpu.memory_space<vmem>>) dst(%dma_wait3A_63 : memref<80x32xf32, #tpu.memory_space<hbm>>)
        tpu.yield
      }) : () -> ()
      scf.yield %scan3A_54#0, %scan3A_54#1, %scan3A_54#2, %scan3A_54#3 : vector<16xf32>, vector<16xf32>, vector<16xf32>, vector<16xf32>
    }
    %scan3A_6 = arith.constant 625 : i32
    %swap3A = arith.constant 0 : i32
    %swap3A_7 = arith.index_cast %swap3A : i32 to index
    %swap3A_8 = arith.constant 0 : index
    %swap3A_9 = tpu.vector_load %arg13[%swap3A_7, %swap3A_8] {strides = array<i32>} : memref<4x16xf32, #tpu.memory_space<vmem>>, vector<1x16xf32>,
    %swap3A_10 = vector.shape_cast %swap3A_9 : vector<1x16xf32> to vector<16xf32>
    %swap3A_11 = vector.shape_cast %scan3A_5#0 : vector<16xf32> to vector<1x16xf32>
    tpu.vector_store %arg13[%swap3A_7, %swap3A_8], %swap3A_11 {strides = array<i32>} : memref<4x16xf32, #tpu.memory_space<vmem>>, vector<1x16xf32>,
    %swap3A_12 = arith.constant 1 : i32
    %swap3A_13 = arith.index_cast %swap3A_12 : i32 to index
    %swap3A_14 = arith.constant 0 : index
    %swap3A_15 = tpu.vector_load %arg13[%swap3A_13, %swap3A_14] {strides = array<i32>} : memref<4x16xf32, #tpu.memory_space<vmem>>, vector<1x16xf32>,
    %swap3A_16 = vector.shape_cast %swap3A_15 : vector<1x16xf32> to vector<16xf32>
    %swap3A_17 = vector.shape_cast %scan3A_5#1 : vector<16xf32> to vector<1x16xf32>
    tpu.vector_store %arg13[%swap3A_13, %swap3A_14], %swap3A_17 {strides = array<i32>} : memref<4x16xf32, #tpu.memory_space<vmem>>, vector<1x16xf32>,
    %swap3A_18 = arith.constant 2 : i32
    %swap3A_19 = arith.index_cast %swap3A_18 : i32 to index
    %swap3A_20 = arith.constant 0 : index
    %swap3A_21 = tpu.vector_load %arg13[%swap3A_19, %swap3A_20] {strides = array<i32>} : memref<4x16xf32, #tpu.memory_space<vmem>>, vector<1x16xf32>,
    %swap3A_22 = vector.shape_cast %swap3A_21 : vector<1x16xf32> to vector<16xf32>
    %swap3A_23 = vector.shape_cast %scan3A_5#2 : vector<16xf32> to vector<1x16xf32>
    tpu.vector_store %arg13[%swap3A_19, %swap3A_20], %swap3A_23 {strides = array<i32>} : memref<4x16xf32, #tpu.memory_space<vmem>>, vector<1x16xf32>,
    %swap3A_24 = arith.constant 3 : i32
    %swap3A_25 = arith.index_cast %swap3A_24 : i32 to index
    %swap3A_26 = arith.constant 0 : index
    %swap3A_27 = tpu.vector_load %arg13[%swap3A_25, %swap3A_26] {strides = array<i32>} : memref<4x16xf32, #tpu.memory_space<vmem>>, vector<1x16xf32>,
    %swap3A_28 = vector.shape_cast %swap3A_27 : vector<1x16xf32> to vector<16xf32>
    %swap3A_29 = vector.shape_cast %scan3A_5#3 : vector<16xf32> to vector<1x16xf32>
    tpu.vector_store %arg13[%swap3A_25, %swap3A_26], %swap3A_29 {strides = array<i32>} : memref<4x16xf32, #tpu.memory_space<vmem>>, vector<1x16xf32>,
    "tpu.region"() ({
      %run_scoped3A = tpu.sem_alloc : memref<!tpu.dma_semaphore, #tpu.memory_space<semaphore_mem>>
      %dma_start3A = arith.constant 0 : i32
      %dma_start3A_30 = arith.constant 0 : i32
      %dma_start3A_31 = tpu.memref_slice %arg7[%add3A, %dma_start3A, %dma_start3A_30] : memref<32x4x16xf32, #tpu.memory_space<hbm>> -> memref<1x4x16xf32, #tpu.memory_space<hbm>>
      %dma_start3A_32 = tpu.memref_squeeze %dma_start3A_31 : memref<1x4x16xf32, #tpu.memory_space<hbm>> -> memref<4x16xf32, #tpu.memory_space<hbm>>
      %dma_start3A_33 = arith.constant 0 : i32
      %dma_start3A_34 = arith.constant 0 : i32
      %dma_start3A_35 = tpu.memref_slice %arg7[%add3A, %dma_start3A_33, %dma_start3A_34] : memref<32x4x16xf32, #tpu.memory_space<hbm>> -> memref<1x4x16xf32, #tpu.memory_space<hbm>>
      %dma_start3A_36 = tpu.memref_squeeze %dma_start3A_35 : memref<1x4x16xf32, #tpu.memory_space<hbm>> -> memref<4x16xf32, #tpu.memory_space<hbm>>
      tpu.enqueue_dma source(%arg13 : memref<4x16xf32, #tpu.memory_space<vmem>>) target(%dma_start3A_36 : memref<4x16xf32, #tpu.memory_space<hbm>>) target_semaphore(%run_scoped3A : memref<!tpu.dma_semaphore, #tpu.memory_space<semaphore_mem>>)
      %dma_wait3A = arith.constant 0 : i32
      %dma_wait3A_37 = arith.constant 0 : i32
      %dma_wait3A_38 = tpu.memref_slice %arg7[%add3A, %dma_wait3A, %dma_wait3A_37] : memref<32x4x16xf32, #tpu.memory_space<hbm>> -> memref<1x4x16xf32, #tpu.memory_space<hbm>>
      %dma_wait3A_39 = tpu.memref_squeeze %dma_wait3A_38 : memref<1x4x16xf32, #tpu.memory_space<hbm>> -> memref<4x16xf32, #tpu.memory_space<hbm>>
      %dma_wait3A_40 = arith.constant 0 : i32
      %dma_wait3A_41 = arith.constant 0 : i32
      %dma_wait3A_42 = tpu.memref_slice %arg7[%add3A, %dma_wait3A_40, %dma_wait3A_41] : memref<32x4x16xf32, #tpu.memory_space<hbm>> -> memref<1x4x16xf32, #tpu.memory_space<hbm>>
      %dma_wait3A_43 = tpu.memref_squeeze %dma_wait3A_42 : memref<1x4x16xf32, #tpu.memory_space<hbm>> -> memref<4x16xf32, #tpu.memory_space<hbm>>
      tpu.wait_dma2 semaphore(%run_scoped3A : memref<!tpu.dma_semaphore, #tpu.memory_space<semaphore_mem>>) src(%arg13 : memref<4x16xf32, #tpu.memory_space<vmem>>) dst(%dma_wait3A_43 : memref<4x16xf32, #tpu.memory_space<hbm>>)
      tpu.yield
    }) : () -> ()
    return
  }
}

module attributes {stable_mosaic.version = 14 : i64} {
  func.func @_tables_body(%arg0: i32, %arg1: memref<2000x3xf32, #tpu.memory_space<vmem>>, %arg2: memref<2000x3xf32, #tpu.memory_space<vmem>>, %arg3: memref<3x32xf32, #tpu.memory_space<vmem>>, %arg4: memref<3x32xf32, #tpu.memory_space<vmem>>, %arg5: memref<1x32xf32, #tpu.memory_space<vmem>>, %arg6: memref<2000x32xf32, #tpu.memory_space<vmem>>, %arg7: memref<2000x32xf32, #tpu.memory_space<vmem>>) attributes {dimension_semantics = [#tpu.dimension_semantics<arbitrary>], iteration_bounds = array<i64: 50>, scalar_prefetch = 0 : i64, scratch_operands = 0 : i64, tpu.core_type = #tpu.core_type<tc>, window_params = [{transform_indices = @transform_0, window_bounds = array<i64: 2000, 3>}, {transform_indices = @transform_1, window_bounds = array<i64: 2000, 3>}, {pipeline_mode = #tpu.pipeline_mode<synchronous>, transform_indices = @transform_2, window_bounds = array<i64: 3, 32>}, {pipeline_mode = #tpu.pipeline_mode<synchronous>, transform_indices = @transform_3, window_bounds = array<i64: 3, 32>}, {pipeline_mode = #tpu.pipeline_mode<synchronous>, transform_indices = @transform_4, window_bounds = array<i64: 1, 32>}, {transform_indices = @transform_5, window_bounds = array<i64: 2000, 32>}, {transform_indices = @transform_6, window_bounds = array<i64: 2000, 32>}]} {
    %get3A = arith.constant 0 : index
    %get3A_0 = arith.constant 0 : index
    %get3A_1 = vector.load %arg2[%get3A, %get3A_0] : memref<2000x3xf32, #tpu.memory_space<vmem>>, vector<2000x3xf32>
    %get3A_2 = arith.constant 0 : index
    %get3A_3 = arith.constant 0 : index
    %get3A_4 = vector.load %arg4[%get3A_2, %get3A_3] : memref<3x32xf32, #tpu.memory_space<vmem>>, vector<3x32xf32>
    %dot_general3A = arith.constant dense<0.000000e+00> : vector<2000x32xf32>
    %dot_general3A_5 = tpu.matmul %get3A_1, %get3A_4, %dot_general3A {dimension_numbers = #tpu.dot_dimension_numbers<[1], [0], [0], [1], [0, 0, 1, 1], [], []>, transpose_lhs_hint = false} : vector<2000x3xf32>, vector<3x32xf32>, vector<2000x32xf32> -> vector<2000x32xf32>
    %get3A_6 = arith.constant 0 : index
    %get3A_7 = arith.constant 0 : index
    %get3A_8 = vector.load %arg1[%get3A_6, %get3A_7] : memref<2000x3xf32, #tpu.memory_space<vmem>>, vector<2000x3xf32>
    %get3A_9 = arith.constant 0 : index
    %get3A_10 = arith.constant 0 : index
    %get3A_11 = vector.load %arg3[%get3A_9, %get3A_10] : memref<3x32xf32, #tpu.memory_space<vmem>>, vector<3x32xf32>
    %dot_general3A_12 = arith.constant dense<0.000000e+00> : vector<2000x32xf32>
    %dot_general3A_13 = tpu.matmul %get3A_8, %get3A_11, %dot_general3A_12 {dimension_numbers = #tpu.dot_dimension_numbers<[1], [0], [0], [1], [0, 0, 1, 1], [], []>, transpose_lhs_hint = false} : vector<2000x3xf32>, vector<3x32xf32>, vector<2000x32xf32> -> vector<2000x32xf32>
    %add3A = arith.addf %dot_general3A_13, %dot_general3A_5 : vector<2000x32xf32>
    %swap3A = arith.constant 0 : index
    %swap3A_14 = arith.constant 0 : index
    %swap3A_15 = vector.load %arg6[%swap3A, %swap3A_14] : memref<2000x32xf32, #tpu.memory_space<vmem>>, vector<2000x32xf32>
    tpu.vector_store %arg6[%swap3A, %swap3A_14], %add3A {strides = array<i32>} : memref<2000x32xf32, #tpu.memory_space<vmem>>, vector<2000x32xf32>,
    %get3A_16 = arith.constant 0 : index
    %get3A_17 = arith.constant 0 : index
    %get3A_18 = vector.load %arg5[%get3A_16, %get3A_17] : memref<1x32xf32, #tpu.memory_space<vmem>>, vector<1x32xf32>
    %sub3A = vector.broadcast %get3A_18 : vector<1x32xf32> to vector<2000x32xf32>
    %sub3A_19 = arith.subf %sub3A, %dot_general3A_5 : vector<2000x32xf32>
    %swap3A_20 = arith.constant 0 : index
    %swap3A_21 = arith.constant 0 : index
    %swap3A_22 = vector.load %arg7[%swap3A_20, %swap3A_21] : memref<2000x32xf32, #tpu.memory_space<vmem>>, vector<2000x32xf32>
    tpu.vector_store %arg7[%swap3A_20, %swap3A_21], %sub3A_19 {strides = array<i32>} : memref<2000x32xf32, #tpu.memory_space<vmem>>, vector<2000x32xf32>,
    return
  }
  func.func @transform_0(%arg0: i32) -> (i32, i32) {
    %c0_i32 = arith.constant 0 : i32
    %c0_i32_0 = arith.constant 0 : i32
    return %arg0, %c0_i32 : i32, i32
  }
  func.func @transform_1(%arg0: i32) -> (i32, i32) {
    %c0_i32 = arith.constant 0 : i32
    %c0_i32_0 = arith.constant 0 : i32
    return %arg0, %c0_i32 : i32, i32
  }
  func.func @transform_2(%arg0: i32) -> (i32, i32) {
    %c0_i32 = arith.constant 0 : i32
    %c0_i32_0 = arith.constant 0 : i32
    %c0_i32_1 = arith.constant 0 : i32
    return %c0_i32, %c0_i32_0 : i32, i32
  }
  func.func @transform_3(%arg0: i32) -> (i32, i32) {
    %c0_i32 = arith.constant 0 : i32
    %c0_i32_0 = arith.constant 0 : i32
    %c0_i32_1 = arith.constant 0 : i32
    return %c0_i32, %c0_i32_0 : i32, i32
  }
  func.func @transform_4(%arg0: i32) -> (i32, i32) {
    %c0_i32 = arith.constant 0 : i32
    %c0_i32_0 = arith.constant 0 : i32
    %c0_i32_1 = arith.constant 0 : i32
    return %c0_i32, %c0_i32_0 : i32, i32
  }
  func.func @transform_5(%arg0: i32) -> (i32, i32) {
    %c0_i32 = arith.constant 0 : i32
    %c0_i32_0 = arith.constant 0 : i32
    return %arg0, %c0_i32 : i32, i32
  }
  func.func @transform_6(%arg0: i32) -> (i32, i32) {
    %c0_i32 = arith.constant 0 : i32
    %c0_i32_0 = arith.constant 0 : i32
    return %arg0, %c0_i32 : i32, i32
  }
}

module attributes {stable_mosaic.version = 14 : i64} {
  func.func @_mlp1_body(%arg0: i32, %arg1: memref<8000x32xf32, #tpu.memory_space<vmem>>, %arg2: memref<1x32xf32, #tpu.memory_space<vmem>>, %arg3: memref<1x32xf32, #tpu.memory_space<vmem>>, %arg4: memref<32x32xf32, #tpu.memory_space<vmem>>, %arg5: memref<1x32xf32, #tpu.memory_space<vmem>>, %arg6: memref<8000x32xf32, #tpu.memory_space<vmem>>) attributes {dimension_semantics = [#tpu.dimension_semantics<arbitrary>], iteration_bounds = array<i64: 200>, scalar_prefetch = 0 : i64, scratch_operands = 0 : i64, tpu.core_type = #tpu.core_type<tc>, window_params = [{transform_indices = @transform_0, window_bounds = array<i64: 8000, 32>}, {pipeline_mode = #tpu.pipeline_mode<synchronous>, transform_indices = @transform_1, window_bounds = array<i64: 1, 32>}, {pipeline_mode = #tpu.pipeline_mode<synchronous>, transform_indices = @transform_2, window_bounds = array<i64: 1, 32>}, {pipeline_mode = #tpu.pipeline_mode<synchronous>, transform_indices = @transform_3, window_bounds = array<i64: 32, 32>}, {pipeline_mode = #tpu.pipeline_mode<synchronous>, transform_indices = @transform_4, window_bounds = array<i64: 1, 32>}, {transform_indices = @transform_5, window_bounds = array<i64: 8000, 32>}]} {
    %get3A = arith.constant 0 : index
    %get3A_0 = arith.constant 0 : index
    %get3A_1 = vector.load %arg1[%get3A, %get3A_0] : memref<8000x32xf32, #tpu.memory_space<vmem>>, vector<8000x32xf32>
    %get3A_2 = arith.constant 0 : index
    %get3A_3 = arith.constant 0 : index
    %get3A_4 = vector.load %arg2[%get3A_2, %get3A_3] : memref<1x32xf32, #tpu.memory_space<vmem>>, vector<1x32xf32>
    %mul3A = vector.broadcast %get3A_4 : vector<1x32xf32> to vector<8000x32xf32>
    %mul3A_5 = arith.mulf %get3A_1, %mul3A : vector<8000x32xf32>
    %get3A_6 = arith.constant 0 : index
    %get3A_7 = arith.constant 0 : index
    %get3A_8 = vector.load %arg3[%get3A_6, %get3A_7] : memref<1x32xf32, #tpu.memory_space<vmem>>, vector<1x32xf32>
    %add3A = vector.broadcast %get3A_8 : vector<1x32xf32> to vector<8000x32xf32>
    %add3A_9 = arith.addf %mul3A_5, %add3A : vector<8000x32xf32>
    %max3A = arith.constant 0.000000e+00 : f32
    %max3A_10 = vector.broadcast %max3A : f32 to vector<8000x32xf32>
    %max3A_11 = arith.maximumf %add3A_9, %max3A_10 : vector<8000x32xf32>
    %get3A_12 = arith.constant 0 : index
    %get3A_13 = arith.constant 0 : index
    %get3A_14 = vector.load %arg4[%get3A_12, %get3A_13] : memref<32x32xf32, #tpu.memory_space<vmem>>, vector<32x32xf32>
    %dot_general3A = arith.constant dense<0.000000e+00> : vector<8000x32xf32>
    %dot_general3A_15 = tpu.matmul %max3A_11, %get3A_14, %dot_general3A {dimension_numbers = #tpu.dot_dimension_numbers<[1], [0], [0], [1], [0, 0, 1, 1], [], []>, transpose_lhs_hint = false} : vector<8000x32xf32>, vector<32x32xf32>, vector<8000x32xf32> -> vector<8000x32xf32>
    %get3A_16 = arith.constant 0 : index
    %get3A_17 = arith.constant 0 : index
    %get3A_18 = vector.load %arg5[%get3A_16, %get3A_17] : memref<1x32xf32, #tpu.memory_space<vmem>>, vector<1x32xf32>
    %add3A_19 = vector.broadcast %get3A_18 : vector<1x32xf32> to vector<8000x32xf32>
    %add3A_20 = arith.addf %dot_general3A_15, %add3A_19 : vector<8000x32xf32>
    %max3A_21 = arith.constant 0.000000e+00 : f32
    %max3A_22 = vector.broadcast %max3A_21 : f32 to vector<8000x32xf32>
    %max3A_23 = arith.maximumf %add3A_20, %max3A_22 : vector<8000x32xf32>
    %swap3A = arith.constant 0 : index
    %swap3A_24 = arith.constant 0 : index
    %swap3A_25 = vector.load %arg6[%swap3A, %swap3A_24] : memref<8000x32xf32, #tpu.memory_space<vmem>>, vector<8000x32xf32>
    tpu.vector_store %arg6[%swap3A, %swap3A_24], %max3A_23 {strides = array<i32>} : memref<8000x32xf32, #tpu.memory_space<vmem>>, vector<8000x32xf32>,
    return
  }
  func.func @transform_0(%arg0: i32) -> (i32, i32) {
    %c0_i32 = arith.constant 0 : i32
    %c0_i32_0 = arith.constant 0 : i32
    return %arg0, %c0_i32 : i32, i32
  }
  func.func @transform_1(%arg0: i32) -> (i32, i32) {
    %c0_i32 = arith.constant 0 : i32
    %c0_i32_0 = arith.constant 0 : i32
    %c0_i32_1 = arith.constant 0 : i32
    return %c0_i32, %c0_i32_0 : i32, i32
  }
  func.func @transform_2(%arg0: i32) -> (i32, i32) {
    %c0_i32 = arith.constant 0 : i32
    %c0_i32_0 = arith.constant 0 : i32
    %c0_i32_1 = arith.constant 0 : i32
    return %c0_i32, %c0_i32_0 : i32, i32
  }
  func.func @transform_3(%arg0: i32) -> (i32, i32) {
    %c0_i32 = arith.constant 0 : i32
    %c0_i32_0 = arith.constant 0 : i32
    %c0_i32_1 = arith.constant 0 : i32
    return %c0_i32, %c0_i32_0 : i32, i32
  }
  func.func @transform_4(%arg0: i32) -> (i32, i32) {
    %c0_i32 = arith.constant 0 : i32
    %c0_i32_0 = arith.constant 0 : i32
    %c0_i32_1 = arith.constant 0 : i32
    return %c0_i32, %c0_i32_0 : i32, i32
  }
  func.func @transform_5(%arg0: i32) -> (i32, i32) {
    %c0_i32 = arith.constant 0 : i32
    %c0_i32_0 = arith.constant 0 : i32
    return %arg0, %c0_i32 : i32, i32
  }
}

module attributes {stable_mosaic.version = 14 : i64} {
  func.func @_tables_body(%arg0: i32, %arg1: memref<2000x32xf32, #tpu.memory_space<vmem>>, %arg2: memref<2000x3xf32, #tpu.memory_space<vmem>>, %arg3: memref<32x32xf32, #tpu.memory_space<vmem>>, %arg4: memref<3x32xf32, #tpu.memory_space<vmem>>, %arg5: memref<1x32xf32, #tpu.memory_space<vmem>>, %arg6: memref<2000x32xf32, #tpu.memory_space<vmem>>, %arg7: memref<2000x32xf32, #tpu.memory_space<vmem>>) attributes {dimension_semantics = [#tpu.dimension_semantics<arbitrary>], iteration_bounds = array<i64: 50>, scalar_prefetch = 0 : i64, scratch_operands = 0 : i64, tpu.core_type = #tpu.core_type<tc>, window_params = [{transform_indices = @transform_0, window_bounds = array<i64: 2000, 32>}, {transform_indices = @transform_1, window_bounds = array<i64: 2000, 3>}, {pipeline_mode = #tpu.pipeline_mode<synchronous>, transform_indices = @transform_2, window_bounds = array<i64: 32, 32>}, {pipeline_mode = #tpu.pipeline_mode<synchronous>, transform_indices = @transform_3, window_bounds = array<i64: 3, 32>}, {pipeline_mode = #tpu.pipeline_mode<synchronous>, transform_indices = @transform_4, window_bounds = array<i64: 1, 32>}, {transform_indices = @transform_5, window_bounds = array<i64: 2000, 32>}, {transform_indices = @transform_6, window_bounds = array<i64: 2000, 32>}]} {
    %get3A = arith.constant 0 : index
    %get3A_0 = arith.constant 0 : index
    %get3A_1 = vector.load %arg2[%get3A, %get3A_0] : memref<2000x3xf32, #tpu.memory_space<vmem>>, vector<2000x3xf32>
    %get3A_2 = arith.constant 0 : index
    %get3A_3 = arith.constant 0 : index
    %get3A_4 = vector.load %arg4[%get3A_2, %get3A_3] : memref<3x32xf32, #tpu.memory_space<vmem>>, vector<3x32xf32>
    %dot_general3A = arith.constant dense<0.000000e+00> : vector<2000x32xf32>
    %dot_general3A_5 = tpu.matmul %get3A_1, %get3A_4, %dot_general3A {dimension_numbers = #tpu.dot_dimension_numbers<[1], [0], [0], [1], [0, 0, 1, 1], [], []>, transpose_lhs_hint = false} : vector<2000x3xf32>, vector<3x32xf32>, vector<2000x32xf32> -> vector<2000x32xf32>
    %get3A_6 = arith.constant 0 : index
    %get3A_7 = arith.constant 0 : index
    %get3A_8 = vector.load %arg1[%get3A_6, %get3A_7] : memref<2000x32xf32, #tpu.memory_space<vmem>>, vector<2000x32xf32>
    %get3A_9 = arith.constant 0 : index
    %get3A_10 = arith.constant 0 : index
    %get3A_11 = vector.load %arg3[%get3A_9, %get3A_10] : memref<32x32xf32, #tpu.memory_space<vmem>>, vector<32x32xf32>
    %dot_general3A_12 = arith.constant dense<0.000000e+00> : vector<2000x32xf32>
    %dot_general3A_13 = tpu.matmul %get3A_8, %get3A_11, %dot_general3A_12 {dimension_numbers = #tpu.dot_dimension_numbers<[1], [0], [0], [1], [0, 0, 1, 1], [], []>, transpose_lhs_hint = false} : vector<2000x32xf32>, vector<32x32xf32>, vector<2000x32xf32> -> vector<2000x32xf32>
    %add3A = arith.addf %dot_general3A_13, %dot_general3A_5 : vector<2000x32xf32>
    %swap3A = arith.constant 0 : index
    %swap3A_14 = arith.constant 0 : index
    %swap3A_15 = vector.load %arg6[%swap3A, %swap3A_14] : memref<2000x32xf32, #tpu.memory_space<vmem>>, vector<2000x32xf32>
    tpu.vector_store %arg6[%swap3A, %swap3A_14], %add3A {strides = array<i32>} : memref<2000x32xf32, #tpu.memory_space<vmem>>, vector<2000x32xf32>,
    %get3A_16 = arith.constant 0 : index
    %get3A_17 = arith.constant 0 : index
    %get3A_18 = vector.load %arg5[%get3A_16, %get3A_17] : memref<1x32xf32, #tpu.memory_space<vmem>>, vector<1x32xf32>
    %sub3A = vector.broadcast %get3A_18 : vector<1x32xf32> to vector<2000x32xf32>
    %sub3A_19 = arith.subf %sub3A, %dot_general3A_5 : vector<2000x32xf32>
    %swap3A_20 = arith.constant 0 : index
    %swap3A_21 = arith.constant 0 : index
    %swap3A_22 = vector.load %arg7[%swap3A_20, %swap3A_21] : memref<2000x32xf32, #tpu.memory_space<vmem>>, vector<2000x32xf32>
    tpu.vector_store %arg7[%swap3A_20, %swap3A_21], %sub3A_19 {strides = array<i32>} : memref<2000x32xf32, #tpu.memory_space<vmem>>, vector<2000x32xf32>,
    return
  }
  func.func @transform_0(%arg0: i32) -> (i32, i32) {
    %c0_i32 = arith.constant 0 : i32
    %c0_i32_0 = arith.constant 0 : i32
    return %arg0, %c0_i32 : i32, i32
  }
  func.func @transform_1(%arg0: i32) -> (i32, i32) {
    %c0_i32 = arith.constant 0 : i32
    %c0_i32_0 = arith.constant 0 : i32
    return %arg0, %c0_i32 : i32, i32
  }
  func.func @transform_2(%arg0: i32) -> (i32, i32) {
    %c0_i32 = arith.constant 0 : i32
    %c0_i32_0 = arith.constant 0 : i32
    %c0_i32_1 = arith.constant 0 : i32
    return %c0_i32, %c0_i32_0 : i32, i32
  }
  func.func @transform_3(%arg0: i32) -> (i32, i32) {
    %c0_i32 = arith.constant 0 : i32
    %c0_i32_0 = arith.constant 0 : i32
    %c0_i32_1 = arith.constant 0 : i32
    return %c0_i32, %c0_i32_0 : i32, i32
  }
  func.func @transform_4(%arg0: i32) -> (i32, i32) {
    %c0_i32 = arith.constant 0 : i32
    %c0_i32_0 = arith.constant 0 : i32
    %c0_i32_1 = arith.constant 0 : i32
    return %c0_i32, %c0_i32_0 : i32, i32
  }
  func.func @transform_5(%arg0: i32) -> (i32, i32) {
    %c0_i32 = arith.constant 0 : i32
    %c0_i32_0 = arith.constant 0 : i32
    return %arg0, %c0_i32 : i32, i32
  }
  func.func @transform_6(%arg0: i32) -> (i32, i32) {
    %c0_i32 = arith.constant 0 : i32
    %c0_i32_0 = arith.constant 0 : i32
    return %arg0, %c0_i32 : i32, i32
  }
}

module attributes {stable_mosaic.version = 14 : i64} {
  func.func @_mlp2_body(%arg0: i32, %arg1: memref<8000x32xf32, #tpu.memory_space<vmem>>, %arg2: memref<1x1x8000xi32, #tpu.memory_space<vmem>>, %arg3: memref<16xi32, #tpu.memory_space<smem>>, %arg4: memref<1x32xf32, #tpu.memory_space<vmem>>, %arg5: memref<1x32xf32, #tpu.memory_space<vmem>>, %arg6: memref<32x32xf32, #tpu.memory_space<vmem>>, %arg7: memref<32x1xf32, #tpu.memory_space<vmem>>, %arg8: memref<32x16xf32, #tpu.memory_space<vmem>>) attributes {dimension_semantics = [#tpu.dimension_semantics<arbitrary>], iteration_bounds = array<i64: 200>, scalar_prefetch = 0 : i64, scratch_operands = 0 : i64, tpu.core_type = #tpu.core_type<tc>, window_params = [{transform_indices = @transform_0, window_bounds = array<i64: 8000, 32>}, {transform_indices = @transform_1, window_bounds = array<i64: 1, 1, 8000>}, {transform_indices = @transform_2, window_bounds = array<i64: 16>}, {pipeline_mode = #tpu.pipeline_mode<synchronous>, transform_indices = @transform_3, window_bounds = array<i64: 1, 32>}, {pipeline_mode = #tpu.pipeline_mode<synchronous>, transform_indices = @transform_4, window_bounds = array<i64: 1, 32>}, {pipeline_mode = #tpu.pipeline_mode<synchronous>, transform_indices = @transform_5, window_bounds = array<i64: 32, 32>}, {pipeline_mode = #tpu.pipeline_mode<synchronous>, transform_indices = @transform_6, window_bounds = array<i64: 32, 1>}, {pipeline_mode = #tpu.pipeline_mode<synchronous>, transform_indices = @transform_7, window_bounds = array<i64: 32, 16>}]} {
    %eq3A = arith.constant 0 : i32
    %eq3A_0 = arith.cmpi eq, %arg0, %eq3A : i32
    %convert_element_type3A = arith.extui %eq3A_0 : i1 to i32
    %cond3A = arith.constant 0 : i32
    %cond3A_1 = arith.cmpi ne, %convert_element_type3A, %cond3A : i32
    scf.if %cond3A_1 {
      %broadcast_in_dim3A_465 = arith.constant 0.000000e+00 : f32
      %broadcast_in_dim3A_466 = vector.broadcast %broadcast_in_dim3A_465 : f32 to vector<32x16xf32>
      %swap3A_467 = arith.constant 0 : index
      %swap3A_468 = arith.constant 0 : index
      %swap3A_469 = vector.load %arg8[%swap3A_467, %swap3A_468] : memref<32x16xf32, #tpu.memory_space<vmem>>, vector<32x16xf32>
      tpu.vector_store %arg8[%swap3A_467, %swap3A_468], %broadcast_in_dim3A_466 {strides = array<i32>} : memref<32x16xf32, #tpu.memory_space<vmem>>, vector<32x16xf32>,
    } else {
    }
    %get3A = arith.constant 0 : index
    %get3A_2 = arith.constant 0 : index
    %get3A_3 = vector.load %arg1[%get3A, %get3A_2] : memref<8000x32xf32, #tpu.memory_space<vmem>>, vector<8000x32xf32>
    %get3A_4 = arith.constant 0 : index
    %get3A_5 = arith.constant 0 : index
    %get3A_6 = vector.load %arg4[%get3A_4, %get3A_5] : memref<1x32xf32, #tpu.memory_space<vmem>>, vector<1x32xf32>
    %mul3A = vector.broadcast %get3A_6 : vector<1x32xf32> to vector<8000x32xf32>
    %mul3A_7 = arith.mulf %get3A_3, %mul3A : vector<8000x32xf32>
    %get3A_8 = arith.constant 0 : index
    %get3A_9 = arith.constant 0 : index
    %get3A_10 = vector.load %arg5[%get3A_8, %get3A_9] : memref<1x32xf32, #tpu.memory_space<vmem>>, vector<1x32xf32>
    %add3A = vector.broadcast %get3A_10 : vector<1x32xf32> to vector<8000x32xf32>
    %add3A_11 = arith.addf %mul3A_7, %add3A : vector<8000x32xf32>
    %max3A = arith.constant 0.000000e+00 : f32
    %max3A_12 = vector.broadcast %max3A : f32 to vector<8000x32xf32>
    %max3A_13 = arith.maximumf %add3A_11, %max3A_12 : vector<8000x32xf32>
    %get3A_14 = arith.constant 0 : index
    %get3A_15 = arith.constant 0 : index
    %get3A_16 = vector.load %arg6[%get3A_14, %get3A_15] : memref<32x32xf32, #tpu.memory_space<vmem>>, vector<32x32xf32>
    %dot_general3A = arith.constant dense<0.000000e+00> : vector<32x8000xf32>
    %dot_general3A_17 = tpu.matmul %get3A_16, %max3A_13, %dot_general3A {dimension_numbers = #tpu.dot_dimension_numbers<[0], [1], [1], [0], [0, 1, 1, 0], [], []>, transpose_lhs_hint = false} : vector<32x32xf32>, vector<8000x32xf32>, vector<32x8000xf32> -> vector<32x8000xf32>
    %get3A_18 = arith.constant 0 : index
    %get3A_19 = arith.constant 0 : index
    %get3A_20 = vector.load %arg7[%get3A_18, %get3A_19] : memref<32x1xf32, #tpu.memory_space<vmem>>, vector<32x1xf32>
    %add3A_21 = vector.broadcast %get3A_20 : vector<32x1xf32> to vector<32x8000xf32>
    %add3A_22 = arith.addf %dot_general3A_17, %add3A_21 : vector<32x8000xf32>
    %max3A_23 = arith.constant 0.000000e+00 : f32
    %max3A_24 = vector.broadcast %max3A_23 : f32 to vector<32x8000xf32>
    %max3A_25 = arith.maximumf %add3A_22, %max3A_24 : vector<32x8000xf32>
    %get3A_26 = arith.constant 0 : index
    %get3A_27 = arith.constant 0 : index
    %get3A_28 = arith.constant 0 : index
    %get3A_29 = vector.load %arg2[%get3A_26, %get3A_27, %get3A_28] : memref<1x1x8000xi32, #tpu.memory_space<vmem>>, vector<1x1x8000xi32>
    %get3A_30 = vector.shape_cast %get3A_29 : vector<1x1x8000xi32> to vector<1x8000xi32>
    %broadcast_in_dim3A = arith.constant 0 : i32
    %broadcast_in_dim3A_31 = vector.broadcast %broadcast_in_dim3A : i32 to vector<1x8000xi32>
    %get3A_32 = arith.constant 1 : index
    %get3A_33 = memref.load %arg3[%get3A_32] : memref<16xi32, #tpu.memory_space<smem>>
    %ge3A = vector.broadcast %get3A_33 : i32 to vector<1x8000xi32>
    %ge3A_34 = arith.cmpi sge, %get3A_30, %ge3A : vector<1x8000xi32>
    %jit3A = arith.constant 1 : i32
    %jit3A_35 = arith.constant 0 : i32
    %broadcast_in_dim3A_36 = vector.broadcast %jit3A : i32 to vector<1x8000xi32>
    %broadcast_in_dim3A_37 = vector.broadcast %jit3A_35 : i32 to vector<1x8000xi32>
    %select_n3A = arith.select %ge3A_34, %broadcast_in_dim3A_36, %broadcast_in_dim3A_37 : vector<1x8000xi1>, vector<1x8000xi32>
    %add3A_38 = arith.addi %broadcast_in_dim3A_31, %select_n3A : vector<1x8000xi32>
    %get3A_39 = arith.constant 2 : index
    %get3A_40 = memref.load %arg3[%get3A_39] : memref<16xi32, #tpu.memory_space<smem>>
    %ge3A_41 = vector.broadcast %get3A_40 : i32 to vector<1x8000xi32>
    %ge3A_42 = arith.cmpi sge, %get3A_30, %ge3A_41 : vector<1x8000xi32>
    %jit3A_43 = arith.constant 1 : i32
    %jit3A_44 = arith.constant 0 : i32
    %broadcast_in_dim3A_45 = vector.broadcast %jit3A_43 : i32 to vector<1x8000xi32>
    %broadcast_in_dim3A_46 = vector.broadcast %jit3A_44 : i32 to vector<1x8000xi32>
    %select_n3A_47 = arith.select %ge3A_42, %broadcast_in_dim3A_45, %broadcast_in_dim3A_46 : vector<1x8000xi1>, vector<1x8000xi32>
    %add3A_48 = arith.addi %add3A_38, %select_n3A_47 : vector<1x8000xi32>
    %get3A_49 = arith.constant 3 : index
    %get3A_50 = memref.load %arg3[%get3A_49] : memref<16xi32, #tpu.memory_space<smem>>
    %ge3A_51 = vector.broadcast %get3A_50 : i32 to vector<1x8000xi32>
    %ge3A_52 = arith.cmpi sge, %get3A_30, %ge3A_51 : vector<1x8000xi32>
    %jit3A_53 = arith.constant 1 : i32
    %jit3A_54 = arith.constant 0 : i32
    %broadcast_in_dim3A_55 = vector.broadcast %jit3A_53 : i32 to vector<1x8000xi32>
    %broadcast_in_dim3A_56 = vector.broadcast %jit3A_54 : i32 to vector<1x8000xi32>
    %select_n3A_57 = arith.select %ge3A_52, %broadcast_in_dim3A_55, %broadcast_in_dim3A_56 : vector<1x8000xi1>, vector<1x8000xi32>
    %add3A_58 = arith.addi %add3A_48, %select_n3A_57 : vector<1x8000xi32>
    %get3A_59 = arith.constant 4 : index
    %get3A_60 = memref.load %arg3[%get3A_59] : memref<16xi32, #tpu.memory_space<smem>>
    %ge3A_61 = vector.broadcast %get3A_60 : i32 to vector<1x8000xi32>
    %ge3A_62 = arith.cmpi sge, %get3A_30, %ge3A_61 : vector<1x8000xi32>
    %jit3A_63 = arith.constant 1 : i32
    %jit3A_64 = arith.constant 0 : i32
    %broadcast_in_dim3A_65 = vector.broadcast %jit3A_63 : i32 to vector<1x8000xi32>
    %broadcast_in_dim3A_66 = vector.broadcast %jit3A_64 : i32 to vector<1x8000xi32>
    %select_n3A_67 = arith.select %ge3A_62, %broadcast_in_dim3A_65, %broadcast_in_dim3A_66 : vector<1x8000xi1>, vector<1x8000xi32>
    %add3A_68 = arith.addi %add3A_58, %select_n3A_67 : vector<1x8000xi32>
    %get3A_69 = arith.constant 5 : index
    %get3A_70 = memref.load %arg3[%get3A_69] : memref<16xi32, #tpu.memory_space<smem>>
    %ge3A_71 = vector.broadcast %get3A_70 : i32 to vector<1x8000xi32>
    %ge3A_72 = arith.cmpi sge, %get3A_30, %ge3A_71 : vector<1x8000xi32>
    %jit3A_73 = arith.constant 1 : i32
    %jit3A_74 = arith.constant 0 : i32
    %broadcast_in_dim3A_75 = vector.broadcast %jit3A_73 : i32 to vector<1x8000xi32>
    %broadcast_in_dim3A_76 = vector.broadcast %jit3A_74 : i32 to vector<1x8000xi32>
    %select_n3A_77 = arith.select %ge3A_72, %broadcast_in_dim3A_75, %broadcast_in_dim3A_76 : vector<1x8000xi1>, vector<1x8000xi32>
    %add3A_78 = arith.addi %add3A_68, %select_n3A_77 : vector<1x8000xi32>
    %get3A_79 = arith.constant 6 : index
    %get3A_80 = memref.load %arg3[%get3A_79] : memref<16xi32, #tpu.memory_space<smem>>
    %ge3A_81 = vector.broadcast %get3A_80 : i32 to vector<1x8000xi32>
    %ge3A_82 = arith.cmpi sge, %get3A_30, %ge3A_81 : vector<1x8000xi32>
    %jit3A_83 = arith.constant 1 : i32
    %jit3A_84 = arith.constant 0 : i32
    %broadcast_in_dim3A_85 = vector.broadcast %jit3A_83 : i32 to vector<1x8000xi32>
    %broadcast_in_dim3A_86 = vector.broadcast %jit3A_84 : i32 to vector<1x8000xi32>
    %select_n3A_87 = arith.select %ge3A_82, %broadcast_in_dim3A_85, %broadcast_in_dim3A_86 : vector<1x8000xi1>, vector<1x8000xi32>
    %add3A_88 = arith.addi %add3A_78, %select_n3A_87 : vector<1x8000xi32>
    %get3A_89 = arith.constant 7 : index
    %get3A_90 = memref.load %arg3[%get3A_89] : memref<16xi32, #tpu.memory_space<smem>>
    %ge3A_91 = vector.broadcast %get3A_90 : i32 to vector<1x8000xi32>
    %ge3A_92 = arith.cmpi sge, %get3A_30, %ge3A_91 : vector<1x8000xi32>
    %jit3A_93 = arith.constant 1 : i32
    %jit3A_94 = arith.constant 0 : i32
    %broadcast_in_dim3A_95 = vector.broadcast %jit3A_93 : i32 to vector<1x8000xi32>
    %broadcast_in_dim3A_96 = vector.broadcast %jit3A_94 : i32 to vector<1x8000xi32>
    %select_n3A_97 = arith.select %ge3A_92, %broadcast_in_dim3A_95, %broadcast_in_dim3A_96 : vector<1x8000xi1>, vector<1x8000xi32>
    %add3A_98 = arith.addi %add3A_88, %select_n3A_97 : vector<1x8000xi32>
    %get3A_99 = arith.constant 8 : index
    %get3A_100 = memref.load %arg3[%get3A_99] : memref<16xi32, #tpu.memory_space<smem>>
    %ge3A_101 = vector.broadcast %get3A_100 : i32 to vector<1x8000xi32>
    %ge3A_102 = arith.cmpi sge, %get3A_30, %ge3A_101 : vector<1x8000xi32>
    %jit3A_103 = arith.constant 1 : i32
    %jit3A_104 = arith.constant 0 : i32
    %broadcast_in_dim3A_105 = vector.broadcast %jit3A_103 : i32 to vector<1x8000xi32>
    %broadcast_in_dim3A_106 = vector.broadcast %jit3A_104 : i32 to vector<1x8000xi32>
    %select_n3A_107 = arith.select %ge3A_102, %broadcast_in_dim3A_105, %broadcast_in_dim3A_106 : vector<1x8000xi1>, vector<1x8000xi32>
    %add3A_108 = arith.addi %add3A_98, %select_n3A_107 : vector<1x8000xi32>
    %get3A_109 = arith.constant 9 : index
    %get3A_110 = memref.load %arg3[%get3A_109] : memref<16xi32, #tpu.memory_space<smem>>
    %ge3A_111 = vector.broadcast %get3A_110 : i32 to vector<1x8000xi32>
    %ge3A_112 = arith.cmpi sge, %get3A_30, %ge3A_111 : vector<1x8000xi32>
    %jit3A_113 = arith.constant 1 : i32
    %jit3A_114 = arith.constant 0 : i32
    %broadcast_in_dim3A_115 = vector.broadcast %jit3A_113 : i32 to vector<1x8000xi32>
    %broadcast_in_dim3A_116 = vector.broadcast %jit3A_114 : i32 to vector<1x8000xi32>
    %select_n3A_117 = arith.select %ge3A_112, %broadcast_in_dim3A_115, %broadcast_in_dim3A_116 : vector<1x8000xi1>, vector<1x8000xi32>
    %add3A_118 = arith.addi %add3A_108, %select_n3A_117 : vector<1x8000xi32>
    %get3A_119 = arith.constant 10 : index
    %get3A_120 = memref.load %arg3[%get3A_119] : memref<16xi32, #tpu.memory_space<smem>>
    %ge3A_121 = vector.broadcast %get3A_120 : i32 to vector<1x8000xi32>
    %ge3A_122 = arith.cmpi sge, %get3A_30, %ge3A_121 : vector<1x8000xi32>
    %jit3A_123 = arith.constant 1 : i32
    %jit3A_124 = arith.constant 0 : i32
    %broadcast_in_dim3A_125 = vector.broadcast %jit3A_123 : i32 to vector<1x8000xi32>
    %broadcast_in_dim3A_126 = vector.broadcast %jit3A_124 : i32 to vector<1x8000xi32>
    %select_n3A_127 = arith.select %ge3A_122, %broadcast_in_dim3A_125, %broadcast_in_dim3A_126 : vector<1x8000xi1>, vector<1x8000xi32>
    %add3A_128 = arith.addi %add3A_118, %select_n3A_127 : vector<1x8000xi32>
    %get3A_129 = arith.constant 11 : index
    %get3A_130 = memref.load %arg3[%get3A_129] : memref<16xi32, #tpu.memory_space<smem>>
    %ge3A_131 = vector.broadcast %get3A_130 : i32 to vector<1x8000xi32>
    %ge3A_132 = arith.cmpi sge, %get3A_30, %ge3A_131 : vector<1x8000xi32>
    %jit3A_133 = arith.constant 1 : i32
    %jit3A_134 = arith.constant 0 : i32
    %broadcast_in_dim3A_135 = vector.broadcast %jit3A_133 : i32 to vector<1x8000xi32>
    %broadcast_in_dim3A_136 = vector.broadcast %jit3A_134 : i32 to vector<1x8000xi32>
    %select_n3A_137 = arith.select %ge3A_132, %broadcast_in_dim3A_135, %broadcast_in_dim3A_136 : vector<1x8000xi1>, vector<1x8000xi32>
    %add3A_138 = arith.addi %add3A_128, %select_n3A_137 : vector<1x8000xi32>
    %get3A_139 = arith.constant 12 : index
    %get3A_140 = memref.load %arg3[%get3A_139] : memref<16xi32, #tpu.memory_space<smem>>
    %ge3A_141 = vector.broadcast %get3A_140 : i32 to vector<1x8000xi32>
    %ge3A_142 = arith.cmpi sge, %get3A_30, %ge3A_141 : vector<1x8000xi32>
    %jit3A_143 = arith.constant 1 : i32
    %jit3A_144 = arith.constant 0 : i32
    %broadcast_in_dim3A_145 = vector.broadcast %jit3A_143 : i32 to vector<1x8000xi32>
    %broadcast_in_dim3A_146 = vector.broadcast %jit3A_144 : i32 to vector<1x8000xi32>
    %select_n3A_147 = arith.select %ge3A_142, %broadcast_in_dim3A_145, %broadcast_in_dim3A_146 : vector<1x8000xi1>, vector<1x8000xi32>
    %add3A_148 = arith.addi %add3A_138, %select_n3A_147 : vector<1x8000xi32>
    %get3A_149 = arith.constant 13 : index
    %get3A_150 = memref.load %arg3[%get3A_149] : memref<16xi32, #tpu.memory_space<smem>>
    %ge3A_151 = vector.broadcast %get3A_150 : i32 to vector<1x8000xi32>
    %ge3A_152 = arith.cmpi sge, %get3A_30, %ge3A_151 : vector<1x8000xi32>
    %jit3A_153 = arith.constant 1 : i32
    %jit3A_154 = arith.constant 0 : i32
    %broadcast_in_dim3A_155 = vector.broadcast %jit3A_153 : i32 to vector<1x8000xi32>
    %broadcast_in_dim3A_156 = vector.broadcast %jit3A_154 : i32 to vector<1x8000xi32>
    %select_n3A_157 = arith.select %ge3A_152, %broadcast_in_dim3A_155, %broadcast_in_dim3A_156 : vector<1x8000xi1>, vector<1x8000xi32>
    %add3A_158 = arith.addi %add3A_148, %select_n3A_157 : vector<1x8000xi32>
    %get3A_159 = arith.constant 14 : index
    %get3A_160 = memref.load %arg3[%get3A_159] : memref<16xi32, #tpu.memory_space<smem>>
    %ge3A_161 = vector.broadcast %get3A_160 : i32 to vector<1x8000xi32>
    %ge3A_162 = arith.cmpi sge, %get3A_30, %ge3A_161 : vector<1x8000xi32>
    %jit3A_163 = arith.constant 1 : i32
    %jit3A_164 = arith.constant 0 : i32
    %broadcast_in_dim3A_165 = vector.broadcast %jit3A_163 : i32 to vector<1x8000xi32>
    %broadcast_in_dim3A_166 = vector.broadcast %jit3A_164 : i32 to vector<1x8000xi32>
    %select_n3A_167 = arith.select %ge3A_162, %broadcast_in_dim3A_165, %broadcast_in_dim3A_166 : vector<1x8000xi1>, vector<1x8000xi32>
    %add3A_168 = arith.addi %add3A_158, %select_n3A_167 : vector<1x8000xi32>
    %get3A_169 = arith.constant 15 : index
    %get3A_170 = memref.load %arg3[%get3A_169] : memref<16xi32, #tpu.memory_space<smem>>
    %ge3A_171 = vector.broadcast %get3A_170 : i32 to vector<1x8000xi32>
    %ge3A_172 = arith.cmpi sge, %get3A_30, %ge3A_171 : vector<1x8000xi32>
    %jit3A_173 = arith.constant 1 : i32
    %jit3A_174 = arith.constant 0 : i32
    %broadcast_in_dim3A_175 = vector.broadcast %jit3A_173 : i32 to vector<1x8000xi32>
    %broadcast_in_dim3A_176 = vector.broadcast %jit3A_174 : i32 to vector<1x8000xi32>
    %select_n3A_177 = arith.select %ge3A_172, %broadcast_in_dim3A_175, %broadcast_in_dim3A_176 : vector<1x8000xi1>, vector<1x8000xi32>
    %add3A_178 = arith.addi %add3A_168, %select_n3A_177 : vector<1x8000xi32>
    %eq3A_179 = arith.constant 0 : i32
    %eq3A_180 = vector.broadcast %eq3A_179 : i32 to vector<1x8000xi32>
    %eq3A_181 = arith.cmpi eq, %add3A_178, %eq3A_180 : vector<1x8000xi32>
    %jit3A_182 = arith.constant 0.000000e+00 : f32
    %broadcast_in_dim3A_183 = vector.shape_cast %eq3A_181 : vector<1x8000xi1> to vector<1x8000xi1>
    %broadcast_in_dim3A_184 = vector.broadcast %broadcast_in_dim3A_183 : vector<1x8000xi1> to vector<32x8000xi1>
    %broadcast_in_dim3A_185 = vector.broadcast %jit3A_182 : f32 to vector<32x8000xf32>
    %select_n3A_186 = arith.select %broadcast_in_dim3A_184, %max3A_25, %broadcast_in_dim3A_185 : vector<32x8000xi1>, vector<32x8000xf32>
    %reduce_max3A = arith.constant dense<0xFF800000> : vector<32xf32>
    %reduce_max3A_187 = vector.multi_reduction <maximumf>, %select_n3A_186, %reduce_max3A [1] : vector<32x8000xf32> to vector<32xf32>
    %broadcast_in_dim3A_188 = vector.shape_cast %reduce_max3A_187 : vector<32xf32> to vector<32x1xf32>
    %get3A_189 = arith.constant 0 : index
    %get3A_190 = arith.constant 0 : index
    %get3A_191 = vector.load %arg8[%get3A_189, %get3A_190] : memref<32x16xf32, #tpu.memory_space<vmem>>, vector<32x1xf32>
    %max3A_192 = arith.maximumf %get3A_191, %broadcast_in_dim3A_188 : vector<32x1xf32>
    %swap3A = arith.constant 0 : index
    %swap3A_193 = arith.constant 0 : index
    %swap3A_194 = vector.load %arg8[%swap3A, %swap3A_193] : memref<32x16xf32, #tpu.memory_space<vmem>>, vector<32x1xf32>
    tpu.vector_store %arg8[%swap3A, %swap3A_193], %max3A_192 {strides = array<i32>} : memref<32x16xf32, #tpu.memory_space<vmem>>, vector<32x1xf32>,
    %eq3A_195 = arith.constant 1 : i32
    %eq3A_196 = vector.broadcast %eq3A_195 : i32 to vector<1x8000xi32>
    %eq3A_197 = arith.cmpi eq, %add3A_178, %eq3A_196 : vector<1x8000xi32>
    %jit3A_198 = arith.constant 0.000000e+00 : f32
    %broadcast_in_dim3A_199 = vector.shape_cast %eq3A_197 : vector<1x8000xi1> to vector<1x8000xi1>
    %broadcast_in_dim3A_200 = vector.broadcast %broadcast_in_dim3A_199 : vector<1x8000xi1> to vector<32x8000xi1>
    %broadcast_in_dim3A_201 = vector.broadcast %jit3A_198 : f32 to vector<32x8000xf32>
    %select_n3A_202 = arith.select %broadcast_in_dim3A_200, %max3A_25, %broadcast_in_dim3A_201 : vector<32x8000xi1>, vector<32x8000xf32>
    %reduce_max3A_203 = arith.constant dense<0xFF800000> : vector<32xf32>
    %reduce_max3A_204 = vector.multi_reduction <maximumf>, %select_n3A_202, %reduce_max3A_203 [1] : vector<32x8000xf32> to vector<32xf32>
    %broadcast_in_dim3A_205 = vector.shape_cast %reduce_max3A_204 : vector<32xf32> to vector<32x1xf32>
    %get3A_206 = arith.constant 0 : index
    %get3A_207 = arith.constant 1 : index
    %get3A_208 = vector.load %arg8[%get3A_206, %get3A_207] : memref<32x16xf32, #tpu.memory_space<vmem>>, vector<32x1xf32>
    %max3A_209 = arith.maximumf %get3A_208, %broadcast_in_dim3A_205 : vector<32x1xf32>
    %swap3A_210 = arith.constant 0 : index
    %swap3A_211 = arith.constant 1 : index
    %swap3A_212 = vector.load %arg8[%swap3A_210, %swap3A_211] : memref<32x16xf32, #tpu.memory_space<vmem>>, vector<32x1xf32>
    tpu.vector_store %arg8[%swap3A_210, %swap3A_211], %max3A_209 {strides = array<i32>} : memref<32x16xf32, #tpu.memory_space<vmem>>, vector<32x1xf32>,
    %eq3A_213 = arith.constant 2 : i32
    %eq3A_214 = vector.broadcast %eq3A_213 : i32 to vector<1x8000xi32>
    %eq3A_215 = arith.cmpi eq, %add3A_178, %eq3A_214 : vector<1x8000xi32>
    %jit3A_216 = arith.constant 0.000000e+00 : f32
    %broadcast_in_dim3A_217 = vector.shape_cast %eq3A_215 : vector<1x8000xi1> to vector<1x8000xi1>
    %broadcast_in_dim3A_218 = vector.broadcast %broadcast_in_dim3A_217 : vector<1x8000xi1> to vector<32x8000xi1>
    %broadcast_in_dim3A_219 = vector.broadcast %jit3A_216 : f32 to vector<32x8000xf32>
    %select_n3A_220 = arith.select %broadcast_in_dim3A_218, %max3A_25, %broadcast_in_dim3A_219 : vector<32x8000xi1>, vector<32x8000xf32>
    %reduce_max3A_221 = arith.constant dense<0xFF800000> : vector<32xf32>
    %reduce_max3A_222 = vector.multi_reduction <maximumf>, %select_n3A_220, %reduce_max3A_221 [1] : vector<32x8000xf32> to vector<32xf32>
    %broadcast_in_dim3A_223 = vector.shape_cast %reduce_max3A_222 : vector<32xf32> to vector<32x1xf32>
    %get3A_224 = arith.constant 0 : index
    %get3A_225 = arith.constant 2 : index
    %get3A_226 = vector.load %arg8[%get3A_224, %get3A_225] : memref<32x16xf32, #tpu.memory_space<vmem>>, vector<32x1xf32>
    %max3A_227 = arith.maximumf %get3A_226, %broadcast_in_dim3A_223 : vector<32x1xf32>
    %swap3A_228 = arith.constant 0 : index
    %swap3A_229 = arith.constant 2 : index
    %swap3A_230 = vector.load %arg8[%swap3A_228, %swap3A_229] : memref<32x16xf32, #tpu.memory_space<vmem>>, vector<32x1xf32>
    tpu.vector_store %arg8[%swap3A_228, %swap3A_229], %max3A_227 {strides = array<i32>} : memref<32x16xf32, #tpu.memory_space<vmem>>, vector<32x1xf32>,
    %eq3A_231 = arith.constant 3 : i32
    %eq3A_232 = vector.broadcast %eq3A_231 : i32 to vector<1x8000xi32>
    %eq3A_233 = arith.cmpi eq, %add3A_178, %eq3A_232 : vector<1x8000xi32>
    %jit3A_234 = arith.constant 0.000000e+00 : f32
    %broadcast_in_dim3A_235 = vector.shape_cast %eq3A_233 : vector<1x8000xi1> to vector<1x8000xi1>
    %broadcast_in_dim3A_236 = vector.broadcast %broadcast_in_dim3A_235 : vector<1x8000xi1> to vector<32x8000xi1>
    %broadcast_in_dim3A_237 = vector.broadcast %jit3A_234 : f32 to vector<32x8000xf32>
    %select_n3A_238 = arith.select %broadcast_in_dim3A_236, %max3A_25, %broadcast_in_dim3A_237 : vector<32x8000xi1>, vector<32x8000xf32>
    %reduce_max3A_239 = arith.constant dense<0xFF800000> : vector<32xf32>
    %reduce_max3A_240 = vector.multi_reduction <maximumf>, %select_n3A_238, %reduce_max3A_239 [1] : vector<32x8000xf32> to vector<32xf32>
    %broadcast_in_dim3A_241 = vector.shape_cast %reduce_max3A_240 : vector<32xf32> to vector<32x1xf32>
    %get3A_242 = arith.constant 0 : index
    %get3A_243 = arith.constant 3 : index
    %get3A_244 = vector.load %arg8[%get3A_242, %get3A_243] : memref<32x16xf32, #tpu.memory_space<vmem>>, vector<32x1xf32>
    %max3A_245 = arith.maximumf %get3A_244, %broadcast_in_dim3A_241 : vector<32x1xf32>
    %swap3A_246 = arith.constant 0 : index
    %swap3A_247 = arith.constant 3 : index
    %swap3A_248 = vector.load %arg8[%swap3A_246, %swap3A_247] : memref<32x16xf32, #tpu.memory_space<vmem>>, vector<32x1xf32>
    tpu.vector_store %arg8[%swap3A_246, %swap3A_247], %max3A_245 {strides = array<i32>} : memref<32x16xf32, #tpu.memory_space<vmem>>, vector<32x1xf32>,
    %eq3A_249 = arith.constant 4 : i32
    %eq3A_250 = vector.broadcast %eq3A_249 : i32 to vector<1x8000xi32>
    %eq3A_251 = arith.cmpi eq, %add3A_178, %eq3A_250 : vector<1x8000xi32>
    %jit3A_252 = arith.constant 0.000000e+00 : f32
    %broadcast_in_dim3A_253 = vector.shape_cast %eq3A_251 : vector<1x8000xi1> to vector<1x8000xi1>
    %broadcast_in_dim3A_254 = vector.broadcast %broadcast_in_dim3A_253 : vector<1x8000xi1> to vector<32x8000xi1>
    %broadcast_in_dim3A_255 = vector.broadcast %jit3A_252 : f32 to vector<32x8000xf32>
    %select_n3A_256 = arith.select %broadcast_in_dim3A_254, %max3A_25, %broadcast_in_dim3A_255 : vector<32x8000xi1>, vector<32x8000xf32>
    %reduce_max3A_257 = arith.constant dense<0xFF800000> : vector<32xf32>
    %reduce_max3A_258 = vector.multi_reduction <maximumf>, %select_n3A_256, %reduce_max3A_257 [1] : vector<32x8000xf32> to vector<32xf32>
    %broadcast_in_dim3A_259 = vector.shape_cast %reduce_max3A_258 : vector<32xf32> to vector<32x1xf32>
    %get3A_260 = arith.constant 0 : index
    %get3A_261 = arith.constant 4 : index
    %get3A_262 = vector.load %arg8[%get3A_260, %get3A_261] : memref<32x16xf32, #tpu.memory_space<vmem>>, vector<32x1xf32>
    %max3A_263 = arith.maximumf %get3A_262, %broadcast_in_dim3A_259 : vector<32x1xf32>
    %swap3A_264 = arith.constant 0 : index
    %swap3A_265 = arith.constant 4 : index
    %swap3A_266 = vector.load %arg8[%swap3A_264, %swap3A_265] : memref<32x16xf32, #tpu.memory_space<vmem>>, vector<32x1xf32>
    tpu.vector_store %arg8[%swap3A_264, %swap3A_265], %max3A_263 {strides = array<i32>} : memref<32x16xf32, #tpu.memory_space<vmem>>, vector<32x1xf32>,
    %eq3A_267 = arith.constant 5 : i32
    %eq3A_268 = vector.broadcast %eq3A_267 : i32 to vector<1x8000xi32>
    %eq3A_269 = arith.cmpi eq, %add3A_178, %eq3A_268 : vector<1x8000xi32>
    %jit3A_270 = arith.constant 0.000000e+00 : f32
    %broadcast_in_dim3A_271 = vector.shape_cast %eq3A_269 : vector<1x8000xi1> to vector<1x8000xi1>
    %broadcast_in_dim3A_272 = vector.broadcast %broadcast_in_dim3A_271 : vector<1x8000xi1> to vector<32x8000xi1>
    %broadcast_in_dim3A_273 = vector.broadcast %jit3A_270 : f32 to vector<32x8000xf32>
    %select_n3A_274 = arith.select %broadcast_in_dim3A_272, %max3A_25, %broadcast_in_dim3A_273 : vector<32x8000xi1>, vector<32x8000xf32>
    %reduce_max3A_275 = arith.constant dense<0xFF800000> : vector<32xf32>
    %reduce_max3A_276 = vector.multi_reduction <maximumf>, %select_n3A_274, %reduce_max3A_275 [1] : vector<32x8000xf32> to vector<32xf32>
    %broadcast_in_dim3A_277 = vector.shape_cast %reduce_max3A_276 : vector<32xf32> to vector<32x1xf32>
    %get3A_278 = arith.constant 0 : index
    %get3A_279 = arith.constant 5 : index
    %get3A_280 = vector.load %arg8[%get3A_278, %get3A_279] : memref<32x16xf32, #tpu.memory_space<vmem>>, vector<32x1xf32>
    %max3A_281 = arith.maximumf %get3A_280, %broadcast_in_dim3A_277 : vector<32x1xf32>
    %swap3A_282 = arith.constant 0 : index
    %swap3A_283 = arith.constant 5 : index
    %swap3A_284 = vector.load %arg8[%swap3A_282, %swap3A_283] : memref<32x16xf32, #tpu.memory_space<vmem>>, vector<32x1xf32>
    tpu.vector_store %arg8[%swap3A_282, %swap3A_283], %max3A_281 {strides = array<i32>} : memref<32x16xf32, #tpu.memory_space<vmem>>, vector<32x1xf32>,
    %eq3A_285 = arith.constant 6 : i32
    %eq3A_286 = vector.broadcast %eq3A_285 : i32 to vector<1x8000xi32>
    %eq3A_287 = arith.cmpi eq, %add3A_178, %eq3A_286 : vector<1x8000xi32>
    %jit3A_288 = arith.constant 0.000000e+00 : f32
    %broadcast_in_dim3A_289 = vector.shape_cast %eq3A_287 : vector<1x8000xi1> to vector<1x8000xi1>
    %broadcast_in_dim3A_290 = vector.broadcast %broadcast_in_dim3A_289 : vector<1x8000xi1> to vector<32x8000xi1>
    %broadcast_in_dim3A_291 = vector.broadcast %jit3A_288 : f32 to vector<32x8000xf32>
    %select_n3A_292 = arith.select %broadcast_in_dim3A_290, %max3A_25, %broadcast_in_dim3A_291 : vector<32x8000xi1>, vector<32x8000xf32>
    %reduce_max3A_293 = arith.constant dense<0xFF800000> : vector<32xf32>
    %reduce_max3A_294 = vector.multi_reduction <maximumf>, %select_n3A_292, %reduce_max3A_293 [1] : vector<32x8000xf32> to vector<32xf32>
    %broadcast_in_dim3A_295 = vector.shape_cast %reduce_max3A_294 : vector<32xf32> to vector<32x1xf32>
    %get3A_296 = arith.constant 0 : index
    %get3A_297 = arith.constant 6 : index
    %get3A_298 = vector.load %arg8[%get3A_296, %get3A_297] : memref<32x16xf32, #tpu.memory_space<vmem>>, vector<32x1xf32>
    %max3A_299 = arith.maximumf %get3A_298, %broadcast_in_dim3A_295 : vector<32x1xf32>
    %swap3A_300 = arith.constant 0 : index
    %swap3A_301 = arith.constant 6 : index
    %swap3A_302 = vector.load %arg8[%swap3A_300, %swap3A_301] : memref<32x16xf32, #tpu.memory_space<vmem>>, vector<32x1xf32>
    tpu.vector_store %arg8[%swap3A_300, %swap3A_301], %max3A_299 {strides = array<i32>} : memref<32x16xf32, #tpu.memory_space<vmem>>, vector<32x1xf32>,
    %eq3A_303 = arith.constant 7 : i32
    %eq3A_304 = vector.broadcast %eq3A_303 : i32 to vector<1x8000xi32>
    %eq3A_305 = arith.cmpi eq, %add3A_178, %eq3A_304 : vector<1x8000xi32>
    %jit3A_306 = arith.constant 0.000000e+00 : f32
    %broadcast_in_dim3A_307 = vector.shape_cast %eq3A_305 : vector<1x8000xi1> to vector<1x8000xi1>
    %broadcast_in_dim3A_308 = vector.broadcast %broadcast_in_dim3A_307 : vector<1x8000xi1> to vector<32x8000xi1>
    %broadcast_in_dim3A_309 = vector.broadcast %jit3A_306 : f32 to vector<32x8000xf32>
    %select_n3A_310 = arith.select %broadcast_in_dim3A_308, %max3A_25, %broadcast_in_dim3A_309 : vector<32x8000xi1>, vector<32x8000xf32>
    %reduce_max3A_311 = arith.constant dense<0xFF800000> : vector<32xf32>
    %reduce_max3A_312 = vector.multi_reduction <maximumf>, %select_n3A_310, %reduce_max3A_311 [1] : vector<32x8000xf32> to vector<32xf32>
    %broadcast_in_dim3A_313 = vector.shape_cast %reduce_max3A_312 : vector<32xf32> to vector<32x1xf32>
    %get3A_314 = arith.constant 0 : index
    %get3A_315 = arith.constant 7 : index
    %get3A_316 = vector.load %arg8[%get3A_314, %get3A_315] : memref<32x16xf32, #tpu.memory_space<vmem>>, vector<32x1xf32>
    %max3A_317 = arith.maximumf %get3A_316, %broadcast_in_dim3A_313 : vector<32x1xf32>
    %swap3A_318 = arith.constant 0 : index
    %swap3A_319 = arith.constant 7 : index
    %swap3A_320 = vector.load %arg8[%swap3A_318, %swap3A_319] : memref<32x16xf32, #tpu.memory_space<vmem>>, vector<32x1xf32>
    tpu.vector_store %arg8[%swap3A_318, %swap3A_319], %max3A_317 {strides = array<i32>} : memref<32x16xf32, #tpu.memory_space<vmem>>, vector<32x1xf32>,
    %eq3A_321 = arith.constant 8 : i32
    %eq3A_322 = vector.broadcast %eq3A_321 : i32 to vector<1x8000xi32>
    %eq3A_323 = arith.cmpi eq, %add3A_178, %eq3A_322 : vector<1x8000xi32>
    %jit3A_324 = arith.constant 0.000000e+00 : f32
    %broadcast_in_dim3A_325 = vector.shape_cast %eq3A_323 : vector<1x8000xi1> to vector<1x8000xi1>
    %broadcast_in_dim3A_326 = vector.broadcast %broadcast_in_dim3A_325 : vector<1x8000xi1> to vector<32x8000xi1>
    %broadcast_in_dim3A_327 = vector.broadcast %jit3A_324 : f32 to vector<32x8000xf32>
    %select_n3A_328 = arith.select %broadcast_in_dim3A_326, %max3A_25, %broadcast_in_dim3A_327 : vector<32x8000xi1>, vector<32x8000xf32>
    %reduce_max3A_329 = arith.constant dense<0xFF800000> : vector<32xf32>
    %reduce_max3A_330 = vector.multi_reduction <maximumf>, %select_n3A_328, %reduce_max3A_329 [1] : vector<32x8000xf32> to vector<32xf32>
    %broadcast_in_dim3A_331 = vector.shape_cast %reduce_max3A_330 : vector<32xf32> to vector<32x1xf32>
    %get3A_332 = arith.constant 0 : index
    %get3A_333 = arith.constant 8 : index
    %get3A_334 = vector.load %arg8[%get3A_332, %get3A_333] : memref<32x16xf32, #tpu.memory_space<vmem>>, vector<32x1xf32>
    %max3A_335 = arith.maximumf %get3A_334, %broadcast_in_dim3A_331 : vector<32x1xf32>
    %swap3A_336 = arith.constant 0 : index
    %swap3A_337 = arith.constant 8 : index
    %swap3A_338 = vector.load %arg8[%swap3A_336, %swap3A_337] : memref<32x16xf32, #tpu.memory_space<vmem>>, vector<32x1xf32>
    tpu.vector_store %arg8[%swap3A_336, %swap3A_337], %max3A_335 {strides = array<i32>} : memref<32x16xf32, #tpu.memory_space<vmem>>, vector<32x1xf32>,
    %eq3A_339 = arith.constant 9 : i32
    %eq3A_340 = vector.broadcast %eq3A_339 : i32 to vector<1x8000xi32>
    %eq3A_341 = arith.cmpi eq, %add3A_178, %eq3A_340 : vector<1x8000xi32>
    %jit3A_342 = arith.constant 0.000000e+00 : f32
    %broadcast_in_dim3A_343 = vector.shape_cast %eq3A_341 : vector<1x8000xi1> to vector<1x8000xi1>
    %broadcast_in_dim3A_344 = vector.broadcast %broadcast_in_dim3A_343 : vector<1x8000xi1> to vector<32x8000xi1>
    %broadcast_in_dim3A_345 = vector.broadcast %jit3A_342 : f32 to vector<32x8000xf32>
    %select_n3A_346 = arith.select %broadcast_in_dim3A_344, %max3A_25, %broadcast_in_dim3A_345 : vector<32x8000xi1>, vector<32x8000xf32>
    %reduce_max3A_347 = arith.constant dense<0xFF800000> : vector<32xf32>
    %reduce_max3A_348 = vector.multi_reduction <maximumf>, %select_n3A_346, %reduce_max3A_347 [1] : vector<32x8000xf32> to vector<32xf32>
    %broadcast_in_dim3A_349 = vector.shape_cast %reduce_max3A_348 : vector<32xf32> to vector<32x1xf32>
    %get3A_350 = arith.constant 0 : index
    %get3A_351 = arith.constant 9 : index
    %get3A_352 = vector.load %arg8[%get3A_350, %get3A_351] : memref<32x16xf32, #tpu.memory_space<vmem>>, vector<32x1xf32>
    %max3A_353 = arith.maximumf %get3A_352, %broadcast_in_dim3A_349 : vector<32x1xf32>
    %swap3A_354 = arith.constant 0 : index
    %swap3A_355 = arith.constant 9 : index
    %swap3A_356 = vector.load %arg8[%swap3A_354, %swap3A_355] : memref<32x16xf32, #tpu.memory_space<vmem>>, vector<32x1xf32>
    tpu.vector_store %arg8[%swap3A_354, %swap3A_355], %max3A_353 {strides = array<i32>} : memref<32x16xf32, #tpu.memory_space<vmem>>, vector<32x1xf32>,
    %eq3A_357 = arith.constant 10 : i32
    %eq3A_358 = vector.broadcast %eq3A_357 : i32 to vector<1x8000xi32>
    %eq3A_359 = arith.cmpi eq, %add3A_178, %eq3A_358 : vector<1x8000xi32>
    %jit3A_360 = arith.constant 0.000000e+00 : f32
    %broadcast_in_dim3A_361 = vector.shape_cast %eq3A_359 : vector<1x8000xi1> to vector<1x8000xi1>
    %broadcast_in_dim3A_362 = vector.broadcast %broadcast_in_dim3A_361 : vector<1x8000xi1> to vector<32x8000xi1>
    %broadcast_in_dim3A_363 = vector.broadcast %jit3A_360 : f32 to vector<32x8000xf32>
    %select_n3A_364 = arith.select %broadcast_in_dim3A_362, %max3A_25, %broadcast_in_dim3A_363 : vector<32x8000xi1>, vector<32x8000xf32>
    %reduce_max3A_365 = arith.constant dense<0xFF800000> : vector<32xf32>
    %reduce_max3A_366 = vector.multi_reduction <maximumf>, %select_n3A_364, %reduce_max3A_365 [1] : vector<32x8000xf32> to vector<32xf32>
    %broadcast_in_dim3A_367 = vector.shape_cast %reduce_max3A_366 : vector<32xf32> to vector<32x1xf32>
    %get3A_368 = arith.constant 0 : index
    %get3A_369 = arith.constant 10 : index
    %get3A_370 = vector.load %arg8[%get3A_368, %get3A_369] : memref<32x16xf32, #tpu.memory_space<vmem>>, vector<32x1xf32>
    %max3A_371 = arith.maximumf %get3A_370, %broadcast_in_dim3A_367 : vector<32x1xf32>
    %swap3A_372 = arith.constant 0 : index
    %swap3A_373 = arith.constant 10 : index
    %swap3A_374 = vector.load %arg8[%swap3A_372, %swap3A_373] : memref<32x16xf32, #tpu.memory_space<vmem>>, vector<32x1xf32>
    tpu.vector_store %arg8[%swap3A_372, %swap3A_373], %max3A_371 {strides = array<i32>} : memref<32x16xf32, #tpu.memory_space<vmem>>, vector<32x1xf32>,
    %eq3A_375 = arith.constant 11 : i32
    %eq3A_376 = vector.broadcast %eq3A_375 : i32 to vector<1x8000xi32>
    %eq3A_377 = arith.cmpi eq, %add3A_178, %eq3A_376 : vector<1x8000xi32>
    %jit3A_378 = arith.constant 0.000000e+00 : f32
    %broadcast_in_dim3A_379 = vector.shape_cast %eq3A_377 : vector<1x8000xi1> to vector<1x8000xi1>
    %broadcast_in_dim3A_380 = vector.broadcast %broadcast_in_dim3A_379 : vector<1x8000xi1> to vector<32x8000xi1>
    %broadcast_in_dim3A_381 = vector.broadcast %jit3A_378 : f32 to vector<32x8000xf32>
    %select_n3A_382 = arith.select %broadcast_in_dim3A_380, %max3A_25, %broadcast_in_dim3A_381 : vector<32x8000xi1>, vector<32x8000xf32>
    %reduce_max3A_383 = arith.constant dense<0xFF800000> : vector<32xf32>
    %reduce_max3A_384 = vector.multi_reduction <maximumf>, %select_n3A_382, %reduce_max3A_383 [1] : vector<32x8000xf32> to vector<32xf32>
    %broadcast_in_dim3A_385 = vector.shape_cast %reduce_max3A_384 : vector<32xf32> to vector<32x1xf32>
    %get3A_386 = arith.constant 0 : index
    %get3A_387 = arith.constant 11 : index
    %get3A_388 = vector.load %arg8[%get3A_386, %get3A_387] : memref<32x16xf32, #tpu.memory_space<vmem>>, vector<32x1xf32>
    %max3A_389 = arith.maximumf %get3A_388, %broadcast_in_dim3A_385 : vector<32x1xf32>
    %swap3A_390 = arith.constant 0 : index
    %swap3A_391 = arith.constant 11 : index
    %swap3A_392 = vector.load %arg8[%swap3A_390, %swap3A_391] : memref<32x16xf32, #tpu.memory_space<vmem>>, vector<32x1xf32>
    tpu.vector_store %arg8[%swap3A_390, %swap3A_391], %max3A_389 {strides = array<i32>} : memref<32x16xf32, #tpu.memory_space<vmem>>, vector<32x1xf32>,
    %eq3A_393 = arith.constant 12 : i32
    %eq3A_394 = vector.broadcast %eq3A_393 : i32 to vector<1x8000xi32>
    %eq3A_395 = arith.cmpi eq, %add3A_178, %eq3A_394 : vector<1x8000xi32>
    %jit3A_396 = arith.constant 0.000000e+00 : f32
    %broadcast_in_dim3A_397 = vector.shape_cast %eq3A_395 : vector<1x8000xi1> to vector<1x8000xi1>
    %broadcast_in_dim3A_398 = vector.broadcast %broadcast_in_dim3A_397 : vector<1x8000xi1> to vector<32x8000xi1>
    %broadcast_in_dim3A_399 = vector.broadcast %jit3A_396 : f32 to vector<32x8000xf32>
    %select_n3A_400 = arith.select %broadcast_in_dim3A_398, %max3A_25, %broadcast_in_dim3A_399 : vector<32x8000xi1>, vector<32x8000xf32>
    %reduce_max3A_401 = arith.constant dense<0xFF800000> : vector<32xf32>
    %reduce_max3A_402 = vector.multi_reduction <maximumf>, %select_n3A_400, %reduce_max3A_401 [1] : vector<32x8000xf32> to vector<32xf32>
    %broadcast_in_dim3A_403 = vector.shape_cast %reduce_max3A_402 : vector<32xf32> to vector<32x1xf32>
    %get3A_404 = arith.constant 0 : index
    %get3A_405 = arith.constant 12 : index
    %get3A_406 = vector.load %arg8[%get3A_404, %get3A_405] : memref<32x16xf32, #tpu.memory_space<vmem>>, vector<32x1xf32>
    %max3A_407 = arith.maximumf %get3A_406, %broadcast_in_dim3A_403 : vector<32x1xf32>
    %swap3A_408 = arith.constant 0 : index
    %swap3A_409 = arith.constant 12 : index
    %swap3A_410 = vector.load %arg8[%swap3A_408, %swap3A_409] : memref<32x16xf32, #tpu.memory_space<vmem>>, vector<32x1xf32>
    tpu.vector_store %arg8[%swap3A_408, %swap3A_409], %max3A_407 {strides = array<i32>} : memref<32x16xf32, #tpu.memory_space<vmem>>, vector<32x1xf32>,
    %eq3A_411 = arith.constant 13 : i32
    %eq3A_412 = vector.broadcast %eq3A_411 : i32 to vector<1x8000xi32>
    %eq3A_413 = arith.cmpi eq, %add3A_178, %eq3A_412 : vector<1x8000xi32>
    %jit3A_414 = arith.constant 0.000000e+00 : f32
    %broadcast_in_dim3A_415 = vector.shape_cast %eq3A_413 : vector<1x8000xi1> to vector<1x8000xi1>
    %broadcast_in_dim3A_416 = vector.broadcast %broadcast_in_dim3A_415 : vector<1x8000xi1> to vector<32x8000xi1>
    %broadcast_in_dim3A_417 = vector.broadcast %jit3A_414 : f32 to vector<32x8000xf32>
    %select_n3A_418 = arith.select %broadcast_in_dim3A_416, %max3A_25, %broadcast_in_dim3A_417 : vector<32x8000xi1>, vector<32x8000xf32>
    %reduce_max3A_419 = arith.constant dense<0xFF800000> : vector<32xf32>
    %reduce_max3A_420 = vector.multi_reduction <maximumf>, %select_n3A_418, %reduce_max3A_419 [1] : vector<32x8000xf32> to vector<32xf32>
    %broadcast_in_dim3A_421 = vector.shape_cast %reduce_max3A_420 : vector<32xf32> to vector<32x1xf32>
    %get3A_422 = arith.constant 0 : index
    %get3A_423 = arith.constant 13 : index
    %get3A_424 = vector.load %arg8[%get3A_422, %get3A_423] : memref<32x16xf32, #tpu.memory_space<vmem>>, vector<32x1xf32>
    %max3A_425 = arith.maximumf %get3A_424, %broadcast_in_dim3A_421 : vector<32x1xf32>
    %swap3A_426 = arith.constant 0 : index
    %swap3A_427 = arith.constant 13 : index
    %swap3A_428 = vector.load %arg8[%swap3A_426, %swap3A_427] : memref<32x16xf32, #tpu.memory_space<vmem>>, vector<32x1xf32>
    tpu.vector_store %arg8[%swap3A_426, %swap3A_427], %max3A_425 {strides = array<i32>} : memref<32x16xf32, #tpu.memory_space<vmem>>, vector<32x1xf32>,
    %eq3A_429 = arith.constant 14 : i32
    %eq3A_430 = vector.broadcast %eq3A_429 : i32 to vector<1x8000xi32>
    %eq3A_431 = arith.cmpi eq, %add3A_178, %eq3A_430 : vector<1x8000xi32>
    %jit3A_432 = arith.constant 0.000000e+00 : f32
    %broadcast_in_dim3A_433 = vector.shape_cast %eq3A_431 : vector<1x8000xi1> to vector<1x8000xi1>
    %broadcast_in_dim3A_434 = vector.broadcast %broadcast_in_dim3A_433 : vector<1x8000xi1> to vector<32x8000xi1>
    %broadcast_in_dim3A_435 = vector.broadcast %jit3A_432 : f32 to vector<32x8000xf32>
    %select_n3A_436 = arith.select %broadcast_in_dim3A_434, %max3A_25, %broadcast_in_dim3A_435 : vector<32x8000xi1>, vector<32x8000xf32>
    %reduce_max3A_437 = arith.constant dense<0xFF800000> : vector<32xf32>
    %reduce_max3A_438 = vector.multi_reduction <maximumf>, %select_n3A_436, %reduce_max3A_437 [1] : vector<32x8000xf32> to vector<32xf32>
    %broadcast_in_dim3A_439 = vector.shape_cast %reduce_max3A_438 : vector<32xf32> to vector<32x1xf32>
    %get3A_440 = arith.constant 0 : index
    %get3A_441 = arith.constant 14 : index
    %get3A_442 = vector.load %arg8[%get3A_440, %get3A_441] : memref<32x16xf32, #tpu.memory_space<vmem>>, vector<32x1xf32>
    %max3A_443 = arith.maximumf %get3A_442, %broadcast_in_dim3A_439 : vector<32x1xf32>
    %swap3A_444 = arith.constant 0 : index
    %swap3A_445 = arith.constant 14 : index
    %swap3A_446 = vector.load %arg8[%swap3A_444, %swap3A_445] : memref<32x16xf32, #tpu.memory_space<vmem>>, vector<32x1xf32>
    tpu.vector_store %arg8[%swap3A_444, %swap3A_445], %max3A_443 {strides = array<i32>} : memref<32x16xf32, #tpu.memory_space<vmem>>, vector<32x1xf32>,
    %eq3A_447 = arith.constant 15 : i32
    %eq3A_448 = vector.broadcast %eq3A_447 : i32 to vector<1x8000xi32>
    %eq3A_449 = arith.cmpi eq, %add3A_178, %eq3A_448 : vector<1x8000xi32>
    %jit3A_450 = arith.constant 0.000000e+00 : f32
    %broadcast_in_dim3A_451 = vector.shape_cast %eq3A_449 : vector<1x8000xi1> to vector<1x8000xi1>
    %broadcast_in_dim3A_452 = vector.broadcast %broadcast_in_dim3A_451 : vector<1x8000xi1> to vector<32x8000xi1>
    %broadcast_in_dim3A_453 = vector.broadcast %jit3A_450 : f32 to vector<32x8000xf32>
    %select_n3A_454 = arith.select %broadcast_in_dim3A_452, %max3A_25, %broadcast_in_dim3A_453 : vector<32x8000xi1>, vector<32x8000xf32>
    %reduce_max3A_455 = arith.constant dense<0xFF800000> : vector<32xf32>
    %reduce_max3A_456 = vector.multi_reduction <maximumf>, %select_n3A_454, %reduce_max3A_455 [1] : vector<32x8000xf32> to vector<32xf32>
    %broadcast_in_dim3A_457 = vector.shape_cast %reduce_max3A_456 : vector<32xf32> to vector<32x1xf32>
    %get3A_458 = arith.constant 0 : index
    %get3A_459 = arith.constant 15 : index
    %get3A_460 = vector.load %arg8[%get3A_458, %get3A_459] : memref<32x16xf32, #tpu.memory_space<vmem>>, vector<32x1xf32>
    %max3A_461 = arith.maximumf %get3A_460, %broadcast_in_dim3A_457 : vector<32x1xf32>
    %swap3A_462 = arith.constant 0 : index
    %swap3A_463 = arith.constant 15 : index
    %swap3A_464 = vector.load %arg8[%swap3A_462, %swap3A_463] : memref<32x16xf32, #tpu.memory_space<vmem>>, vector<32x1xf32>
    tpu.vector_store %arg8[%swap3A_462, %swap3A_463], %max3A_461 {strides = array<i32>} : memref<32x16xf32, #tpu.memory_space<vmem>>, vector<32x1xf32>,
    return
  }
  func.func @transform_0(%arg0: i32) -> (i32, i32) {
    %c0_i32 = arith.constant 0 : i32
    %c0_i32_0 = arith.constant 0 : i32
    return %arg0, %c0_i32 : i32, i32
  }
  func.func @transform_1(%arg0: i32) -> (i32, i32, i32) {
    %c0_i32 = arith.constant 0 : i32
    %c0_i32_0 = arith.constant 0 : i32
    %c0_i32_1 = arith.constant 0 : i32
    return %arg0, %c0_i32, %c0_i32_0 : i32, i32, i32
  }
  func.func @transform_2(%arg0: i32) -> i32 {
    %c0_i32 = arith.constant 0 : i32
    %c0_i32_0 = arith.constant 0 : i32
    return %c0_i32 : i32
  }
  func.func @transform_3(%arg0: i32) -> (i32, i32) {
    %c0_i32 = arith.constant 0 : i32
    %c0_i32_0 = arith.constant 0 : i32
    %c0_i32_1 = arith.constant 0 : i32
    return %c0_i32, %c0_i32_0 : i32, i32
  }
  func.func @transform_4(%arg0: i32) -> (i32, i32) {
    %c0_i32 = arith.constant 0 : i32
    %c0_i32_0 = arith.constant 0 : i32
    %c0_i32_1 = arith.constant 0 : i32
    return %c0_i32, %c0_i32_0 : i32, i32
  }
  func.func @transform_5(%arg0: i32) -> (i32, i32) {
    %c0_i32 = arith.constant 0 : i32
    %c0_i32_0 = arith.constant 0 : i32
    %c0_i32_1 = arith.constant 0 : i32
    return %c0_i32, %c0_i32_0 : i32, i32
  }
  func.func @transform_6(%arg0: i32) -> (i32, i32) {
    %c0_i32 = arith.constant 0 : i32
    %c0_i32_0 = arith.constant 0 : i32
    %c0_i32_1 = arith.constant 0 : i32
    return %c0_i32, %c0_i32_0 : i32, i32
  }
  func.func @transform_7(%arg0: i32) -> (i32, i32) {
    %c0_i32 = arith.constant 0 : i32
    %c0_i32_0 = arith.constant 0 : i32
    %c0_i32_1 = arith.constant 0 : i32
    return %c0_i32, %c0_i32_0 : i32, i32
  }
}

module attributes {stable_mosaic.version = 14 : i64} {
  func.func @_cls_body(%arg0: memref<16x32xf32, #tpu.memory_space<vmem>>, %arg1: memref<16x64xf32, #tpu.memory_space<vmem>>, %arg2: memref<96x10xf32, #tpu.memory_space<vmem>>, %arg3: memref<1x10xf32, #tpu.memory_space<vmem>>, %arg4: memref<16x10xf32, #tpu.memory_space<vmem>>) attributes {dimension_semantics = [], scalar_prefetch = 0 : i64, scratch_operands = 0 : i64, tpu.core_type = #tpu.core_type<tc>} {
    %get3A = arith.constant 0 : index
    %get3A_0 = arith.constant 0 : index
    %get3A_1 = vector.load %arg0[%get3A, %get3A_0] : memref<16x32xf32, #tpu.memory_space<vmem>>, vector<16x32xf32>
    %get3A_2 = arith.constant 0 : index
    %get3A_3 = arith.constant 0 : index
    %get3A_4 = vector.load %arg1[%get3A_2, %get3A_3] : memref<16x64xf32, #tpu.memory_space<vmem>>, vector<16x64xf32>
    %concatenate3A = tpu.concatenate %get3A_1, %get3A_4 in 1 : vector<16x32xf32>, vector<16x64xf32> -> vector<16x96xf32>
    %get3A_5 = arith.constant 0 : index
    %get3A_6 = arith.constant 0 : index
    %get3A_7 = vector.load %arg2[%get3A_5, %get3A_6] : memref<96x10xf32, #tpu.memory_space<vmem>>, vector<96x10xf32>
    %dot_general3A = arith.constant dense<0.000000e+00> : vector<16x10xf32>
    %dot_general3A_8 = tpu.matmul %concatenate3A, %get3A_7, %dot_general3A {dimension_numbers = #tpu.dot_dimension_numbers<[1], [0], [0], [1], [0, 0, 1, 1], [], []>, transpose_lhs_hint = false} : vector<16x96xf32>, vector<96x10xf32>, vector<16x10xf32> -> vector<16x10xf32>
    %get3A_9 = arith.constant 0 : index
    %get3A_10 = arith.constant 0 : index
    %get3A_11 = vector.load %arg3[%get3A_9, %get3A_10] : memref<1x10xf32, #tpu.memory_space<vmem>>, vector<1x10xf32>
    %add3A = vector.broadcast %get3A_11 : vector<1x10xf32> to vector<16x10xf32>
    %add3A_12 = arith.addf %dot_general3A_8, %add3A : vector<16x10xf32>
    %swap3A = arith.constant 0 : index
    %swap3A_13 = arith.constant 0 : index
    %swap3A_14 = vector.load %arg4[%swap3A, %swap3A_13] : memref<16x10xf32, #tpu.memory_space<vmem>>, vector<16x10xf32>
    tpu.vector_store %arg4[%swap3A, %swap3A_13], %add3A_12 {strides = array<i32>} : memref<16x10xf32, #tpu.memory_space<vmem>>, vector<16x10xf32>,
    return
  }
}

</mosaic_0001>

<sc_bundles>
// kernel: kernel.12.cloned.1.call-start
scs
__scs_entry_jumppad:
0x0: {  	(pc) =	sbr.rel $0x88, $3  }
0x1: {  	(tag) =	ssettag $0x0;
	lr =	simm.s32 $0x1  }
0x2: {  	[smem:$0x3F8F] =	sst lr;
	_ =	strace $0xD0000000  }
0x3: {  	_ = 	snop  }
0x4: {  	_ = 	snop  }
0x5: {  	_ = 	snop  }
0x6: {  	_ = 	snop  }
0x7: {  	_ = 	snop  }
__scs_overlays_trampoline_lowered:
0x8: {  	[smem:$0x3F9E] =	sst s0  }
0x9: {  	[smem:$0x3F9F] =	sst s1  }
0xa: {  	[smem:$0x3FA0] =	sst s2  }
0xb: {  	[smem:$0x3FA1] =	sst s3  }
0xc: {  	[smem:$0x3FA2] =	sst s4  }
0xd: {  	[smem:$0x3FA3] =	sst s5  }
0xe: {  	[smem:$0x3FA4] =	sst s6  }
0xf: {  	[smem:$0x3FA5] =	sst s7  }
0x10: {  	[smem:$0x3FA6] =	sst s8  }
0x11: {  	[smem:$0x3FA7] =	sst s9;
	s0 =	simm.s32 @!p0 $0x0  }
0x12: {  	s1 =	sld [smem:$0x3F8D];
	s0 =	simm.s32 @p0 $0x1  }
0x13: {  	[smem:$0x3FA8] =	sst s0;
	s0 =	simm.s32 @!p1 $0x0  }
0x14: {  	s2 =	sld [smem:$0x3F8C];
	s0 =	simm.s32 @p1 $0x1  }
0x15: {  	[smem:$0x3FA9] =	sst s0;
	s0 =	simm.s32 @!p2 $0x0  }
0x16: {  	s3 =	sld [smem:$0x3FDB];
	s0 =	simm.s32 @p2 $0x1  }
0x17: {  	s4 =	simm.s32 $0x1BF5;
	[smem:$0x3FAB] =	sst s0  }
0x18: {  	s0 =	sld [smem:$0x3F8E];
	_ =	swait.ge [sflag:s4], $0x0  }
0x19: {  	s7 =	sld [smem:$0x3F8F]  }
0x1a: {  	s8 =	sadd.s32 $0xFFFFE003, lr  }
0x1b: {  	s9 =	sadd.s32 $0xFFFFFEF7, lr;
	s5 =	simm.s32 $0xFFFFFFFF;
	p2 =	slt.u32 s8, $0xFFFFF086  }
0x1c: {  	p1 =	slt.u32 s9, $0xF7A;
	s5 =	simm.s32 @!p2 $0x0  }
0x1d: {  	s5 =	simm.s32 @p1 $0x1;
	p0 =	seq.s32 s7, s2  }
0x1e: {  	s7 =	smul.u32 @!p0 $0xF7A, s2;
	p2 =	seq.s32 @!p0 s5, $0x0  }
0x1f: {  	s9 =	smul.u32 $0xF7A, s1;
	s8 =	simm.s32 @!p0 $0x1BF5;
	p2 =	por !p2, p0  }
0x20: {  	[sflag:s8] =	ssyncset.s32 @!p0 $0xFFFFF086;
	s6 =	sadd.s32 @!p0 s3, s7;
	s7 =	simm.s32 @!p0 $0x108  }
0x21: {  	s3 =	sadd.s32 s3, s9;
	s6 =	sadd.s32 @!p0 $0x88, s6;
	s7 =	simm.s32 @p2 $0x1082  }
0x22: {  	[simem:s7], [sflag:s8] =	dma.local @!p0 [hbm:s6], $0xF7A  }
0x23: {  	s9 =	sor.u32 $0xD0000000, s2;
	s6 =	simm.s32 $0x108;
	_ =	swait.ge @!p0 [sflag:s8], $0x0  }
0x24: {  	s3 =	sadd.s32 $0x88, s3;
	s6 =	simm.s32 @!p1 $0x1082;
	[sflag:s4] =	ssyncset.s32 $0xFFFFF086  }
0x25: {  	[simem:s6], [sflag:s4] =	dma.local [hbm:s3], $0xF7A  }
0x26: {  	[smem:$0x3F8F] =	sst s1;
	(tag) =	ssettag s2;
	_ =	strace s9  }
0x27: {  	s1 =	sld [smem:$0x3F9F]  }
0x28: {  	s2 =	sld [smem:$0x3FA0]  }
0x29: {  	s4 =	sld [smem:$0x3FA2]  }
0x2a: {  	p0 =	seq.s32 s5, $0x0;
	s5 =	sld [smem:$0x3FA3]  }
0x2b: {  	s6 =	sld [smem:$0x3FA4]  }
0x2c: {  	s7 =	sld [smem:$0x3FA5]  }
0x2d: {  	s3 =	simm.s32 $0x108;
	s8 =	sld [smem:$0x3FA6]  }
0x2e: {  	s3 =	simm.s32 @!p0 $0x1082;
	s9 =	sld [smem:$0x3FA7]  }
0x2f: {  	lr =	sadd.s32 s0, s3;
	s0 =	sld [smem:$0x3F9E]  }
0x30: {  	s3 =	sld [smem:$0x3FA1]  }
0x31: {  	[smem:$0x3FAA] =	sst s10  }
0x32: {  	s10 =	sld [smem:$0x3FA8];
	_ =	sdelay $0x3  }
0x33: {  	p0 =	seq.s32 s10, $0x1;
	s10 =	sld [smem:$0x3FAA];
	_ =	sdelay $0x3  }
0x34: {  	[smem:$0x3FAA] =	sst s10  }
0x35: {  	s10 =	sld [smem:$0x3FA9];
	_ =	sdelay $0x3  }
0x36: {  	p1 =	seq.s32 s10, $0x1;
	s10 =	sld [smem:$0x3FAA];
	_ =	sdelay $0x3  }
0x37: {  	[smem:$0x3FAA] =	sst s10  }
0x38: {  	s10 =	sld [smem:$0x3FAB]  }
0x39: {  	_ = 	snop;
	(pc) =	sbr.ind lr, $3  }
0x3a: {  	_ = 	snop  }
0x3b: {  	_ = 	snop  }
0x3c: {  	p2 =	seq.s32 s10, $0x1;
	s10 =	sld [smem:$0x3FAA]  }
0x3d: {  	_ =	shalt  }
0x3e: {  	_ =	shalt  }
0x3f: {  	_ =	shalt  }
0x40: {  	_ =	shalt  }
0x41: {  	_ =	shalt  }
0x42: {  	_ =	shalt  }
0x43: {  	_ =	shalt  }
0x44: {  	_ =	shalt  }
0x45: {  	_ =	shalt  }
0x46: {  	_ =	shalt  }
0x47: {  	_ =	shalt  }
0x48: {  	_ =	shalt  }
0x49: {  	_ =	shalt  }
0x4a: {  	_ =	shalt  }
0x4b: {  	_ =	shalt  }
0x4c: {  	_ =	shalt  }
0x4d: {  	_ =	shalt  }
0x4e: {  	_ =	shalt  }
0x4f: {  	_ =	shalt  }
0x50: {  	_ =	shalt  }
0x51: {  	_ =	shalt  }
0x52: {  	_ =	shalt  }
0x53: {  	_ =	shalt  }
0x54: {  	_ =	shalt  }
0x55: {  	_ =	shalt  }
0x56: {  	_ =	shalt  }
0x57: {  	_ =	shalt  }
0x58: {  	_ =	shalt  }
0x59: {  	_ =	shalt  }
0x5a: {  	_ =	shalt  }
0x5b: {  	_ =	shalt  }
0x5c: {  	_ =	shalt  }
0x5d: {  	_ =	shalt  }
0x5e: {  	_ =	shalt  }
0x5f: {  	_ =	shalt  }
0x60: {  	_ =	shalt  }
0x61: {  	_ =	shalt  }
0x62: {  	_ =	shalt  }
0x63: {  	_ =	shalt  }
0x64: {  	_ =	shalt  }
0x65: {  	_ =	shalt  }
0x66: {  	_ =	shalt  }
0x67: {  	_ =	shalt  }
0x68: {  	_ =	shalt  }
0x69: {  	_ =	shalt  }
0x6a: {  	_ =	shalt  }
0x6b: {  	_ =	shalt  }
0x6c: {  	_ =	shalt  }
0x6d: {  	_ =	shalt  }
0x6e: {  	_ =	shalt  }
0x6f: {  	_ =	shalt  }
0x70: {  	_ =	shalt  }
0x71: {  	_ =	shalt  }
0x72: {  	_ =	shalt  }
0x73: {  	_ =	shalt  }
0x74: {  	_ =	shalt  }
0x75: {  	_ =	shalt  }
0x76: {  	_ =	shalt  }
0x77: {  	_ =	shalt  }
0x78: {  	_ =	shalt  }
0x79: {  	_ =	shalt  }
0x7a: {  	_ =	shalt  }
0x7b: {  	_ =	shalt  }
0x7c: {  	_ =	shalt  }
0x7d: {  	_ =	shalt  }
0x7e: {  	_ =	shalt  }
0x7f: {  	_ =	shalt  }
0x80: {  	_ =	shalt  }
0x81: {  	_ =	shalt  }
0x82: {  	_ =	shalt  }
0x83: {  	_ =	shalt  }
0x84: {  	_ =	shalt  }
0x85: {  	_ =	shalt  }
0x86: {  	_ =	shalt  }
0x87: {  	_ =	shalt  }
.Lfunc_end0:
.L_simem_size_0:
called_computation.2_lowered:
.L_overlay_start_0:
0x88: {  	s2 =	sld [smem:$0x3FD9]  }
0x89: {  	s3 =	sld [smem:$0x3FFE];
	_ =	sdelay $0x1  }
0x8a: {  	s1 =	srdreg.scid  }
0x8b: {  	s0 =	sand.u32 $0x1, s1  }
0x8c: {  	s17 =	sshll.u32 s0, $0xA;
	s2 =	sadd.s32 s3, s2  }
0x8d: {  	s2 =	sadd.s32 s2, s17  }
0x8e: {  	[smem:$0x3FB6] =	sst s2  }
0x8f: {  	_ = 	snop  }
0x90: {  	s2 =	sld [smem:$0x3FD0];
	(tm) =	ssettm $0x1  }
0x91: {  	s18 =	sld [smem:$0x3FFB];
	_ =	sdelay $0x3  }
0x92: {  	_ =	strace s18  }
0x93: {  	s3 =	sld [smem:$0x3FFC];
	_ =	sdelay $0x3  }
0x94: {  	_ =	strace s3  }
0x95: {  	s3 =	sld [smem:$0x3FFD];
	_ =	sdelay $0x3  }
0x96: {  	_ =	strace s3  }
0x97: {  	_ =	strace $0x8FFFFFFF  }
0x98: {  	s19 =	sld [smem:$0x3FDB];
	_ =	sdelay $0x1  }
0x99: {  	s4 =	simm.s32 $_scs_section_size  }
0x9a: {  	s5 =	simm.s32 $_size__tile_overlayer_lowered;
	s6 =	simm.s32 $_tile_overlayer_lowered  }
0x9b: {  	s22 =	simm.s32 $0x1BFF;
	s21 =	sshll.u32 s6, $0x1;
	s3 =	sadd.s32 s4, s19  }
0x9c: {  	s7 =	simm.s32 $0x0;
	s20 =	sshll.u32 s5, $0x1;
	s5 =	sadd.s32 s21, s3  }
0x9d: {  	[timem:s7], [sflag:s22] =	dma.local [hbm:s5], s20  }
0x9e: {  	_ =	swait.ge [sflag:s22], s20  }
0x9f: {  	s4 =	ssub.s32 $0x0, s20;
	[sflag:s22] =	ssyncset.done $0x0  }
0xa0: {  	[sflag:s22] =	ssyncadd.s32 s4;
	_ =	sdelay $0x1  }
0xa1: {  	s23 =	simm.s32 $0x1B8B  }
0xa2: {  	_ =	swait.ge [sflag:s23], $0x1  }
0xa3: {  	[sflag:s23] =	ssyncset.done $0x0  }
0xa4: {  	s25 =	simm.s32 $0x1B8E;
	s24 =	sld [smem:$0x3FFE];
	[sflag:s23] =	ssyncadd.s32 $0xFFFFFFFF  }
0xa5: {  	s26 =	simm.s32 $execute0_lowered;
	[smem:$0x3FD2] =	sst s25  }
0xa6: {  	s5 =	sshll.u32 s26, $0x1;
	_ =	strace $0x8000004C;
	[dreg:$0x1] =	wrdreg $0xFFFFFFFF  }
0xa7: {  	s28 =	simm.s32 $_size_execute0_lowered;
	s3 =	sadd.s32 s3, s5;
	[dreg:$0x0] =	wrdreg $0x0  }
0xa8: {  	s5 =	sshll.u32 s28, $0x1;
	[dreg:$0x2] =	wrdreg s3  }
0xa9: {  	[dreg:$0x3] =	wrdreg s5  }
0xaa: {  	[dreg:$0x4] =	wrdreg $0xC0  }
0xab: {  	_ =	task [dreg:s7], $0x5FFFF  }
0xac: {  	[dreg:$0x1] =	wrdreg $0xFFFFFFFF  }
0xad: {  	[dreg:$0x0] =	wrdreg $0x60  }
0xae: {  	[dreg:$0x2] =	wrdreg s24  }
0xaf: {  	[dreg:$0x3] =	wrdreg s2  }
0xb0: {  	[dreg:$0x4] =	wrdreg $0x9  }
0xb1: {  	_ =	task.clear_ibuf [dreg:s7], $0x5FFFF;
	_ =	strace $0x9000004C  }
0xb2: {  	s29 =	simm.s32 $0x9;
	_ =	strace $0x8000004E  }
0xb3: {  	_ =	swait.ge [sflag:s29], $0x1  }
0xb4: {  	[sflag:s29] =	ssyncadd.s32 $0xFFFFFFFF  }
0xb5: {  	_ =	strace $0x9000004E  }
0xb6: {  	_ =	sfence  }
0xb7: {  	s30 =	sld [smem:$0x0];
	_ =	sdelay $0x2  }
0xb8: {  	s31 =	sshll.u32 s1, $0xD;
	s1 =	sshrl.u32 s1, $0x2  }
0xb9: {  	s3 =	sand.u32 $0x4000, s31;
	s1 =	sadd.s32 s1, s30  }
0xba: {  	s0 =	sor.u32 s3, s0;
	s1 =	sshll.u32 s1, $0x11  }
0xbb: {  	s0 =	sor.u32 s1, s0  }
0xbc: {  	s0 =	sadd.s32 $0x8F2B, s0  }
0xbd: {  	[sflag:s0] =	ssyncadd.remote.s32 $0x1  }
0xbe: {  	_ =	sfence.sel $0xFFFF  }
0xbf: {  	[dreg:$0x0] =	wrdreg $0xFFFFFFFF;
	(pc) =	sbr.abs _section_cstart, $3  }
0xc0: {  	[dreg:$0x1] =	wrdreg $0xFFFFFFFF  }
0xc1: {  	_ =	task.clear_ibuf [dreg:s7], $0x2FFFF;
	_ =	strace $0x9FFFFFFF  }
0xc2: {  	(tm) =	ssettm $0x7FFFFFFF  }
0xc3: {  	_ =	shalt  }
tec
execute0_lowered:
.L_overlay_start_1:
0x0: {  	(tag) =	ssettag $0x1  }
0x1: {  	s7 =	rddreg [dreg:$0x0]  }
0x2: {  	s9 =	rddreg [dreg:$0x1]  }
0x3: {  	s0 =	rddreg [dreg:$0x2];
	s1 =	simm.s32 $0x0;
	s5 =	srdreg.scid  }
0x4: {  	s2 =	stileid.u32;
	s13 =	simm.s32 $0xA0;
	s14 =	simm.s32 $0xAA0  }
0x5: {  	s15 =	simm.s32 $0x1;
	s16 =	simm.s32 $0x2;
	s17 =	simm.s32 $0x14A0  }
0x6: {  	s18 =	simm.s32 $0x1EA0;
	s19 =	simm.s32 $0x0;
	[smem:$0x7FF] =	sst s1  }
0x7: {  	s3 =	sadd.s32 $0x64800, s7;
	s4 =	sadd.s32 $0x2C00, s7;
	s8 =	sand.u32 $0x1, s5  }
0x8: {  	s5 =	sadd.s32 $0x1EB200, s7;
	s11 =	sshll.u32 s2, $0x1;
	s6 =	sadd.s32 $0x21C000, s7  }
0x9: {  	s7 =	sadd.s32 $0x24CE00, s7;
	s10 =	ssub.s32 $0x2, s8;
	s8 =	sor.u32 s8, s11  }
0xa: {  	_ =	strace $0x8000004D;
	s12 =	sshrl.u32 s10, $0x1;
	s11 =	sshll.u32 s8, $0x3  }
0xb: {  	s8 =	smul.u32 $0xC350, s8;
	s10 =	ssub.s32 s10, s12;
	s9 =	sadd.s32 s9, s11  }
0xc: {  	s11 =	simm.s32 $0x3;
	s12 =	simm.s32 $0x50;
	s10 =	smax.u32 s10, $0x1  }
.LBB2_1:
0xd: {  	v2 =	vimm.f32 $0.0e+00  }
0xe: {  	v3 =	vimm.f32 $0.0e+00;
	v1 =	vimm.f32 $0.0e+00;
	v0 =	vimm.f32 $0.0e+00;
	s20 =	simm.s32 $0x0  }
.LBB2_2:
0xf: {  	s21 =	smul.u32 $0x50, s20;
	_ =	sdelay $0x1  }
0x10: {  	s21 =	sadd.s32 s8, s21  }
0x11: {  	s22 =	sshrl.u32 s21, $0x3  }
0x12: {  	s23 =	sadd.s32 s5, s22  }
0x13: {  	[tilespmem:s1], [sflag:$0x3] =	stream.linear.gather [hbm4b:s23+s1], $0x50, $0x38;
	[tilespmem:$0x1EE0] =	vst v63  }
0x14: {  	_ =	swait.ge [sflag:s11], $0x50  }
0x15: {  	[sflag:s11] =	ssyncset.done $0x0  }
0x16: {  	s22 =	sadd.s32 s6, s22;
	[sflag:s11] =	ssyncadd.s32 $0xFFFFFFB0  }
0x17: {  	[tilespmem:s12], [sflag:$0x3] =	stream.linear.gather [hbm4b:s22+s1], $0x50, $0x38;
	[tilespmem:$0x1EE0] =	vst v63  }
0x18: {  	_ =	swait.ge [sflag:s11], $0x50  }
0x19: {  	[sflag:s11] =	ssyncset.done $0x0  }
0x1a: {  	[sflag:s11] =	ssyncadd.s32 $0xFFFFFFB0  }
0x1b: {  	[tilespmem:s13], [sflag:$0x1] =	stream.indirect.gather [hbm4b:s3+s12], $0x20, s1, s12, $0xb8;
	[tilespmem:$0x1EE0] =	vst v63  }
0x1c: {  	_ = 	snop  }
0x1d: {  	[tilespmem:s14], [sflag:$0x2] =	stream.indirect.gather [hbm4b:s4+s12], $0x20, s12, s12, $0xb8;
	[tilespmem:$0x1EE0] =	vst v63  }
0x1e: {  	_ =	swait.ge [sflag:s15], $0xA00  }
0x1f: {  	[sflag:s15] =	ssyncset.done $0x0  }
0x20: {  	[sflag:s15] =	ssyncadd.s32 $0xFFFFF600  }
0x21: {  	_ =	swait.ge [sflag:s16], $0xA00  }
0x22: {  	[sflag:s16] =	ssyncset.done $0x0  }
0x23: {  	s23 =	simm.s32 $0x120;
	[sflag:s16] =	ssyncadd.s32 $0xFFFFF600  }
0x24: {  	s24 =	simm.s32 $0xB20;
	v4 =	vld [tilespmem:s23+$0xFFFFFF80]  }
0x25: {  	v5 =	vld [tilespmem:s24+$0xFFFFFF90]  }
0x26: {  	v6 =	vld [tilespmem:s23+$0xFFFFFF90]  }
0x27: {  	v7 =	vld [tilespmem:s24+$0xFFFFFF80];
	_ =	sdelay $0x3  }
0x28: {  	v5 =	vadd.f32 v5, v6  }
0x29: {  	s22 =	simm.s32 $0x1520;
	v4 =	vadd.f32 v7, v4  }
0x2a: {  	[tilespmem:s22+$0xFFFFFF90] =	vst v5  }
0x2b: {  	[tilespmem:s22+$0xFFFFFF80] =	vst v4  }
0x2c: {  	v6 =	vld [tilespmem:s24+$0xFFFFFFB0]  }
0x2d: {  	v8 =	vld [tilespmem:s23+$0xFFFFFFA0]  }
0x2e: {  	v7 =	vld [tilespmem:s23+$0xFFFFFFB0]  }
0x2f: {  	v9 =	vld [tilespmem:s24+$0xFFFFFFA0];
	_ =	sdelay $0x3  }
0x30: {  	v7 =	vadd.f32 v6, v7  }
0x31: {  	v6 =	vadd.f32 v9, v8  }
0x32: {  	[tilespmem:s22+$0xFFFFFFB0] =	vst v7  }
0x33: {  	[tilespmem:s22+$0xFFFFFFA0] =	vst v6  }
0x34: {  	v8 =	vld [tilespmem:s23+$0xFFFFFFC0]  }
0x35: {  	v9 =	vld [tilespmem:s24+$0xFFFFFFD0]  }
0x36: {  	v10 =	vld [tilespmem:s24+$0xFFFFFFC0]  }
0x37: {  	v11 =	vld [tilespmem:s23+$0xFFFFFFD0];
	_ =	sdelay $0x3  }
0x38: {  	v8 =	vadd.f32 v10, v8  }
0x39: {  	v9 =	vadd.f32 v9, v11  }
0x3a: {  	[tilespmem:s22+$0xFFFFFFC0] =	vst v8  }
0x3b: {  	[tilespmem:s22+$0xFFFFFFD0] =	vst v9  }
0x3c: {  	v10 =	vld [tilespmem:s23+$0xFFFFFFE0]  }
0x3d: {  	v11 =	vld [tilespmem:s24+$0xFFFFFFE0]  }
0x3e: {  	v12 =	vld [tilespmem:s24+$0xFFFFFFF0]  }
0x3f: {  	v13 =	vld [tilespmem:s23+$0xFFFFFFF0];
	_ =	sdelay $0x3  }
0x40: {  	v11 =	vadd.f32 v11, v10  }
0x41: {  	v12 =	vadd.f32 v12, v13  }
0x42: {  	[tilespmem:s22+$0xFFFFFFE0] =	vst v11  }
0x43: {  	[tilespmem:s22+$0xFFFFFFF0] =	vst v12  }
0x44: {  	v10 =	vld [tilespmem:s24+$0x0]  }
0x45: {  	v13 =	vld [tilespmem:s24+$0x10]  }
0x46: {  	v14 =	vld [tilespmem:s23+$0x10]  }
0x47: {  	v16 =	vld [tilespmem:s23+$0x0];
	_ =	sdelay $0x3  }
0x48: {  	v15 =	vadd.f32 v13, v14  }
0x49: {  	v17 =	vadd.f32 v10, v16  }
0x4a: {  	[tilespmem:s22+$0x10] =	vst v15  }
0x4b: {  	[tilespmem:s22+$0x0] =	vst v17  }
0x4c: {  	v13 =	vld [tilespmem:s24+$0x30]  }
0x4d: {  	v16 =	vld [tilespmem:s23+$0x30]  }
0x4e: {  	v19 =	vld [tilespmem:s23+$0x20]  }
0x4f: {  	v20 =	vld [tilespmem:s24+$0x20];
	_ =	sdelay $0x3  }
0x50: {  	v18 =	vmul.f32 v6, v6;
	v22 =	vmul.f32 v11, v11;
	v21 =	vadd.f32 v13, v16  }
0x51: {  	v10 =	vmul.f32 v5, v5;
	v14 =	vmul.f32 v4, v4;
	v24 =	vadd.f32 v20, v19  }
0x52: {  	v23 =	vmul.f32 v15, v15;
	v26 =	vmul.f32 v17, v17;
	[tilespmem:s22+$0x30] =	vst v21  }
0x53: {  	v13 =	vmul.f32 v7, v7;
	v19 =	vmul.f32 v8, v8;
	[tilespmem:s22+$0x20] =	vst v24  }
0x54: {  	s26 =	simm.s32 $0x0;
	v16 =	vmul.f32 v9, v9;
	v20 =	vmul.f32 v12, v12;
	v28 =	vld [tilespmem:s24+$0x40]  }
0x55: {  	s28 =	simm.s32 $0x1620;
	s29 =	simm.s32 $0x120;
	s25 =	simm.s32 $0xB20;
	v25 =	vmul.f32 v21, v21;
	v27 =	vmul.f32 v24, v24;
	v29 =	vld [tilespmem:s23+$0x50]  }
.LBB2_3:
0x56: {  	s26 =	sadd.s32 $0x8, s26;
	v30 =	vld [tilespmem:s23+$0x40];
	s29 =	sadd.s32 $0x100, s29;
	s24 =	sadd.s32 $0x100, s24  }
0x57: {  	p0 =	slt.u32 s26, $0x48;
	v31 =	vld [tilespmem:s25+$0x50]  }
0x58: {  	v1 =	vadd.f32 v5, v1  }
0x59: {  	v3 =	vadd.f32 v14, v3;
	v2 =	vadd.f32 v10, v2  }
0x5a: {  	v0 =	vadd.f32 v4, v0;
	v1 =	vadd.f32 v7, v1  }
0x5b: {  	v3 =	vadd.f32 v18, v3;
	v4 =	vadd.f32 v28, v30  }
0x5c: {  	v0 =	vadd.f32 v6, v0;
	v5 =	vadd.f32 v31, v29  }
0x5d: {  	v2 =	vadd.f32 v13, v2;
	v3 =	vadd.f32 v19, v3;
	[tilespmem:s22+$0x40] =	vst v4;
	v6 =	vmul.f32 v4, v4  }
0x5e: {  	v0 =	vadd.f32 v8, v0;
	v1 =	vadd.f32 v9, v1;
	[tilespmem:s22+$0x50] =	vst v5;
	v7 =	vmul.f32 v5, v5  }
0x5f: {  	v2 =	vadd.f32 v16, v2;
	v3 =	vadd.f32 v22, v3;
	v8 =	vld [tilespmem:s23+$0x60]  }
0x60: {  	v0 =	vadd.f32 v11, v0;
	v1 =	vadd.f32 v12, v1;
	v9 =	vld [tilespmem:s25+$0x70]  }
0x61: {  	v2 =	vadd.f32 v20, v2;
	v3 =	vadd.f32 v26, v3;
	v10 =	vld [tilespmem:s25+$0x60];
	s25 =	smov.u32 s24  }
0x62: {  	v0 =	vadd.f32 v17, v0;
	v1 =	vadd.f32 v15, v1;
	v11 =	vld [tilespmem:s23+$0x70];
	s23 =	smov.u32 s29  }
0x63: {  	v2 =	vadd.f32 v23, v2;
	v3 =	vadd.f32 v27, v3  }
0x64: {  	v0 =	vadd.f32 v24, v0;
	v1 =	vadd.f32 v21, v1  }
0x65: {  	v2 =	vadd.f32 v25, v2;
	v3 =	vadd.f32 v6, v3  }
0x66: {  	v0 =	vadd.f32 v4, v0;
	v4 =	vadd.f32 v10, v8  }
0x67: {  	v1 =	vadd.f32 v5, v1;
	v5 =	vadd.f32 v9, v11  }
0x68: {  	v2 =	vadd.f32 v7, v2;
	[tilespmem:s22+$0x60] =	vst v4;
	v0 =	vadd.f32 v4, v0;
	v4 =	vmul.f32 v4, v4  }
0x69: {  	[tilespmem:s22+$0x70] =	vst v5;
	v1 =	vadd.f32 v5, v1;
	v5 =	vmul.f32 v5, v5;
	s22 =	smov.u32 s28  }
0x6a: {  	v6 =	vld [tilespmem:s29+$0xFFFFFF80];
	v3 =	vadd.f32 v4, v3  }
0x6b: {  	v4 =	vld [tilespmem:s24+$0xFFFFFF90];
	v2 =	vadd.f32 v5, v2  }
0x6c: {  	v5 =	vld [tilespmem:s29+$0xFFFFFF90]  }
0x6d: {  	v7 =	vld [tilespmem:s24+$0xFFFFFF80];
	_ =	sdelay $0x3  }
0x6e: {  	v5 =	vadd.f32 v4, v5  }
0x6f: {  	v4 =	vadd.f32 v7, v6  }
0x70: {  	[tilespmem:s28+$0xFFFFFF90] =	vst v5;
	v10 =	vmul.f32 v5, v5  }
0x71: {  	[tilespmem:s28+$0xFFFFFF80] =	vst v4;
	v14 =	vmul.f32 v4, v4  }
0x72: {  	v6 =	vld [tilespmem:s24+$0xFFFFFFB0]  }
0x73: {  	v8 =	vld [tilespmem:s29+$0xFFFFFFA0]  }
0x74: {  	v7 =	vld [tilespmem:s29+$0xFFFFFFB0]  }
0x75: {  	v9 =	vld [tilespmem:s24+$0xFFFFFFA0];
	_ =	sdelay $0x3  }
0x76: {  	v7 =	vadd.f32 v6, v7  }
0x77: {  	v6 =	vadd.f32 v9, v8  }
0x78: {  	[tilespmem:s28+$0xFFFFFFB0] =	vst v7;
	v13 =	vmul.f32 v7, v7  }
0x79: {  	[tilespmem:s28+$0xFFFFFFA0] =	vst v6;
	v18 =	vmul.f32 v6, v6  }
0x7a: {  	v8 =	vld [tilespmem:s29+$0xFFFFFFC0]  }
0x7b: {  	v9 =	vld [tilespmem:s24+$0xFFFFFFD0]  }
0x7c: {  	v11 =	vld [tilespmem:s24+$0xFFFFFFC0]  }
0x7d: {  	v12 =	vld [tilespmem:s29+$0xFFFFFFD0];
	_ =	sdelay $0x3  }
0x7e: {  	v8 =	vadd.f32 v11, v8  }
0x7f: {  	v9 =	vadd.f32 v9, v12  }
0x80: {  	[tilespmem:s28+$0xFFFFFFC0] =	vst v8;
	v19 =	vmul.f32 v8, v8  }
0x81: {  	[tilespmem:s28+$0xFFFFFFD0] =	vst v9;
	v16 =	vmul.f32 v9, v9  }
0x82: {  	v11 =	vld [tilespmem:s29+$0xFFFFFFE0]  }
0x83: {  	v12 =	vld [tilespmem:s24+$0xFFFFFFE0]  }
0x84: {  	v15 =	vld [tilespmem:s24+$0xFFFFFFF0]  }
0x85: {  	v17 =	vld [tilespmem:s29+$0xFFFFFFF0];
	_ =	sdelay $0x2  }
0x86: {  	v11 =	vadd.f32 v12, v11;
	_ =	sdelay $0x1  }
0x87: {  	v12 =	vadd.f32 v15, v17;
	[tilespmem:s28+$0xFFFFFFE0] =	vst v11;
	v22 =	vmul.f32 v11, v11;
	_ =	sdelay $0x1  }
0x88: {  	[tilespmem:s28+$0xFFFFFFF0] =	vst v12;
	v20 =	vmul.f32 v12, v12  }
0x89: {  	v17 =	vld [tilespmem:s24+$0x0]  }
0x8a: {  	v15 =	vld [tilespmem:s24+$0x10]  }
0x8b: {  	v21 =	vld [tilespmem:s29+$0x10]  }
0x8c: {  	v23 =	vld [tilespmem:s29+$0x0];
	_ =	sdelay $0x3  }
0x8d: {  	v15 =	vadd.f32 v15, v21  }
0x8e: {  	v17 =	vadd.f32 v17, v23  }
0x8f: {  	[tilespmem:s28+$0x10] =	vst v15;
	v23 =	vmul.f32 v15, v15  }
0x90: {  	[tilespmem:s28+$0x0] =	vst v17;
	v26 =	vmul.f32 v17, v17  }
0x91: {  	v21 =	vld [tilespmem:s24+$0x30]  }
0x92: {  	v24 =	vld [tilespmem:s29+$0x30]  }
0x93: {  	v25 =	vld [tilespmem:s29+$0x20]  }
0x94: {  	v27 =	vld [tilespmem:s24+$0x20];
	_ =	sdelay $0x2  }
0x95: {  	v21 =	vadd.f32 v21, v24;
	_ =	sdelay $0x1  }
.Ltmp0:
0x96: {  	v24 =	vadd.f32 v27, v25;
	[tilespmem:s28+$0x30] =	vst v21;
	v25 =	vmul.f32 v21, v21;
	(pc) =	sbr.rel @p0 .LBB2_3-.Ltmp0, $4  }
0x97: {  	_ = 	snop  }
0x98: {  	[tilespmem:s28+$0x20] =	vst v24;
	v27 =	vmul.f32 v24, v24  }
0x99: {  	v28 =	vld [tilespmem:s24+$0x40]  }
0x9a: {  	s28 =	sadd.s32 $0x100, s28;
	v29 =	vld [tilespmem:s29+$0x50]  }
0x9b: {  	v30 =	vld [tilespmem:s23+$0x40]  }
0x9c: {  	v31 =	vld [tilespmem:s25+$0x50];
	_ =	sdelay $0x3  }
0x9d: {  	v28 =	vadd.f32 v28, v30  }
0x9e: {  	v3 =	vadd.f32 v14, v3;
	v57 =	vadd.f32 v31, v29  }
0x9f: {  	v1 =	vadd.f32 v5, v1;
	v0 =	vadd.f32 v4, v0;
	[tilespmem:s22+$0x40] =	vst v28  }
0xa0: {  	v2 =	vadd.f32 v10, v2;
	v3 =	vadd.f32 v18, v3;
	[tilespmem:s22+$0x50] =	vst v57  }
0xa1: {  	v1 =	vadd.f32 v7, v1;
	v0 =	vadd.f32 v6, v0;
	v4 =	vld [tilespmem:s23+$0x60]  }
0xa2: {  	v2 =	vadd.f32 v13, v2;
	v3 =	vadd.f32 v19, v3;
	v5 =	vld [tilespmem:s25+$0x70]  }
0xa3: {  	v0 =	vadd.f32 v8, v0;
	v1 =	vadd.f32 v9, v1;
	v58 =	vld [tilespmem:s25+$0x60]  }
0xa4: {  	v2 =	vadd.f32 v16, v2;
	v3 =	vadd.f32 v22, v3;
	v59 =	vld [tilespmem:s23+$0x70]  }
0xa5: {  	v0 =	vadd.f32 v11, v0;
	v1 =	vadd.f32 v12, v1  }
0xa6: {  	v2 =	vadd.f32 v20, v2;
	v3 =	vadd.f32 v26, v3  }
0xa7: {  	v0 =	vadd.f32 v17, v0;
	v1 =	vadd.f32 v15, v1  }
0xa8: {  	v2 =	vadd.f32 v23, v2;
	v4 =	vadd.f32 v58, v4  }
0xa9: {  	s20 =	sadd.s32 $0x1, s20;
	v60 =	vmul.f32 v28, v28;
	v3 =	vadd.f32 v27, v3;
	v5 =	vadd.f32 v5, v59  }
0xaa: {  	s21 =	sshll.u32 s21, $0x2;
	p0 =	sne.s32 s20, $0x271;
	v0 =	vadd.f32 v24, v0;
	v1 =	vadd.f32 v21, v1;
	[tilespmem:s22+$0x60] =	vst v4  }
.Ltmp1:
0xab: {  	s21 =	sadd.s32 s7, s21;
	v61 =	vmul.f32 v57, v57;
	v2 =	vadd.f32 v25, v2;
	v3 =	vadd.f32 v60, v3;
	[tilespmem:s22+$0x70] =	vst v5;
	(pc) =	sbr.rel @p0 .LBB2_2-.Ltmp1, $4  }
0xac: {  	v0 =	vadd.f32 v28, v0;
	v1 =	vadd.f32 v57, v1;
	[hbm4b:s21+s1] =	stream.linear.scatter [tilespmem:s17], [sflag:$0x3], $0xA00, $0x38;
	[tilespmem:$0x1EE0] =	vst v63  }
0xad: {  	v2 =	vadd.f32 v61, v2;
	v62 =	vmul.f32 v4, v4;
	v63 =	vmul.f32 v5, v5;
	_ =	swait.ge [sflag:s11], $0xA00  }
0xae: {  	v0 =	vadd.f32 v4, v0;
	v1 =	vadd.f32 v5, v1;
	[sflag:s11] =	ssyncset.done $0x0  }
0xaf: {  	v3 =	vadd.f32 v62, v3;
	v2 =	vadd.f32 v63, v2;
	[sflag:s11] =	ssyncadd.s32 $0xFFFFF600  }
0xb0: {  	[tilespmem:$0x1EA0] =	vst v0  }
0xb1: {  	[tilespmem:$0x1EB0] =	vst v1;
	s19 =	sadd.s32 $0x1, s19  }
0xb2: {  	[tilespmem:$0x1EC0] =	vst v3;
	p0 =	sne.s32 s19, s10  }
.Ltmp2:
0xb3: {  	[tilespmem:$0x1ED0] =	vst v2;
	(pc) =	sbr.rel @p0 .LBB2_1-.Ltmp2, $4  }
0xb4: {  	[hbm4b:s9+s1] =	stream.linear.scatter [tilespmem:s18], [sflag:$0x3], $0x40, $0x38;
	[tilespmem:$0x1EE0] =	vst v63  }
0xb5: {  	_ =	swait.ge [sflag:s11], $0x40  }
0xb6: {  	[sflag:s11] =	ssyncset.done $0x0  }
0xb7: {  	[sflag:s11] =	ssyncadd.s32 $0xFFFFFFC0  }
0xb8: {  	_ =	sfence.sel $0x180000  }
0xb9: {  	[bflag:$0x0] =	sbarrier.arrive $0xFFFF  }
0xba: {  	p0 =	sne.s32 s2, $0x0;
	_ =	strace $0x9000004D  }
0xbb: {  	s0 =	sadd.s32 @!p0 $0x100000, s0;
	[bflag:$0x2] =	sbarrier.arrive $0xFFFF  }
0xbc: {  	[sflag:s0] =	ssyncadd.tile.s32 @!p0 $0x1;
	_ =	shalt  }
.Lfunc_end2:
_tile_overlayer_lowered:
.L_overlay_start_2:
0xbd: {  	(tag) =	ssettag $0x2  }
0xbe: {  	s0 =	rddreg [dreg:$0x0];
	s2 =	stileid.u32  }
0xbf: {  	s1 =	rddreg [dreg:$0x1];
	p0 =	sne.s32 s2, $0x0  }
0xc0: {  	s3 =	rddreg [dreg:$0x2];
	[bflag:$0x3] =	sbarrier.arrive $0xFFFF;
	s2 =	simm.s32 @!p0 $0x1C03  }
0xc1: {  	[timem:s3], [sflag:s2] =	dma.local @!p0 [hbm:s0], s1  }
0xc2: {  	s0 =	simm.s32 @!p0 $0x3  }
0xc3: {  	_ =	swait.ge @!p0 [sflag:s0], s1  }
0xc4: {  	s1 =	ssub.s32 @!p0 $0x0, s1;
	[sflag:s0] =	ssyncset.done @!p0 $0x0  }
0xc5: {  	[sflag:s0] =	ssyncadd.s32 @!p0 s1  }
0xc6: {  	[bflag:$0x3] =	sbarrier.arrive $0xFFFF  }
0xc7: {  	_ =	shalt  }

// kernel: kernel.9.cloned.1.call-start
scs
__scs_entry_jumppad:
0x0: {  	(pc) =	sbr.rel $0x88, $3  }
0x1: {  	(tag) =	ssettag $0x0;
	lr =	simm.s32 $0x1  }
0x2: {  	[smem:$0x3F8F] =	sst lr;
	_ =	strace $0xD0000000  }
0x3: {  	_ = 	snop  }
0x4: {  	_ = 	snop  }
0x5: {  	_ = 	snop  }
0x6: {  	_ = 	snop  }
0x7: {  	_ = 	snop  }
__scs_overlays_trampoline_lowered:
0x8: {  	[smem:$0x3F9E] =	sst s0  }
0x9: {  	[smem:$0x3F9F] =	sst s1  }
0xa: {  	[smem:$0x3FA0] =	sst s2  }
0xb: {  	[smem:$0x3FA1] =	sst s3  }
0xc: {  	[smem:$0x3FA2] =	sst s4  }
0xd: {  	[smem:$0x3FA3] =	sst s5  }
0xe: {  	[smem:$0x3FA4] =	sst s6  }
0xf: {  	[smem:$0x3FA5] =	sst s7  }
0x10: {  	[smem:$0x3FA6] =	sst s8  }
0x11: {  	[smem:$0x3FA7] =	sst s9;
	s0 =	simm.s32 @!p0 $0x0  }
0x12: {  	s1 =	sld [smem:$0x3F8D];
	s0 =	simm.s32 @p0 $0x1  }
0x13: {  	[smem:$0x3FA8] =	sst s0;
	s0 =	simm.s32 @!p1 $0x0  }
0x14: {  	s2 =	sld [smem:$0x3F8C];
	s0 =	simm.s32 @p1 $0x1  }
0x15: {  	[smem:$0x3FA9] =	sst s0;
	s0 =	simm.s32 @!p2 $0x0  }
0x16: {  	s3 =	sld [smem:$0x3FDB];
	s0 =	simm.s32 @p2 $0x1  }
0x17: {  	s4 =	simm.s32 $0x1BF5;
	[smem:$0x3FAB] =	sst s0  }
0x18: {  	s0 =	sld [smem:$0x3F8E];
	_ =	swait.ge [sflag:s4], $0x0  }
0x19: {  	s7 =	sld [smem:$0x3F8F]  }
0x1a: {  	s8 =	sadd.s32 $0xFFFFE003, lr  }
0x1b: {  	s9 =	sadd.s32 $0xFFFFFEF7, lr;
	s5 =	simm.s32 $0xFFFFFFFF;
	p2 =	slt.u32 s8, $0xFFFFF086  }
0x1c: {  	p1 =	slt.u32 s9, $0xF7A;
	s5 =	simm.s32 @!p2 $0x0  }
0x1d: {  	s5 =	simm.s32 @p1 $0x1;
	p0 =	seq.s32 s7, s2  }
0x1e: {  	s7 =	smul.u32 @!p0 $0xF7A, s2;
	p2 =	seq.s32 @!p0 s5, $0x0  }
0x1f: {  	s9 =	smul.u32 $0xF7A, s1;
	s8 =	simm.s32 @!p0 $0x1BF5;
	p2 =	por !p2, p0  }
0x20: {  	[sflag:s8] =	ssyncset.s32 @!p0 $0xFFFFF086;
	s6 =	sadd.s32 @!p0 s3, s7;
	s7 =	simm.s32 @!p0 $0x108  }
0x21: {  	s3 =	sadd.s32 s3, s9;
	s6 =	sadd.s32 @!p0 $0x88, s6;
	s7 =	simm.s32 @p2 $0x1082  }
0x22: {  	[simem:s7], [sflag:s8] =	dma.local @!p0 [hbm:s6], $0xF7A  }
0x23: {  	s9 =	sor.u32 $0xD0000000, s2;
	s6 =	simm.s32 $0x108;
	_ =	swait.ge @!p0 [sflag:s8], $0x0  }
0x24: {  	s3 =	sadd.s32 $0x88, s3;
	s6 =	simm.s32 @!p1 $0x1082;
	[sflag:s4] =	ssyncset.s32 $0xFFFFF086  }
0x25: {  	[simem:s6], [sflag:s4] =	dma.local [hbm:s3], $0xF7A  }
0x26: {  	[smem:$0x3F8F] =	sst s1;
	(tag) =	ssettag s2;
	_ =	strace s9  }
0x27: {  	s1 =	sld [smem:$0x3F9F]  }
0x28: {  	s2 =	sld [smem:$0x3FA0]  }
0x29: {  	s4 =	sld [smem:$0x3FA2]  }
0x2a: {  	p0 =	seq.s32 s5, $0x0;
	s5 =	sld [smem:$0x3FA3]  }
0x2b: {  	s6 =	sld [smem:$0x3FA4]  }
0x2c: {  	s7 =	sld [smem:$0x3FA5]  }
0x2d: {  	s3 =	simm.s32 $0x108;
	s8 =	sld [smem:$0x3FA6]  }
0x2e: {  	s3 =	simm.s32 @!p0 $0x1082;
	s9 =	sld [smem:$0x3FA7]  }
0x2f: {  	lr =	sadd.s32 s0, s3;
	s0 =	sld [smem:$0x3F9E]  }
0x30: {  	s3 =	sld [smem:$0x3FA1]  }
0x31: {  	[smem:$0x3FAA] =	sst s10  }
0x32: {  	s10 =	sld [smem:$0x3FA8];
	_ =	sdelay $0x3  }
0x33: {  	p0 =	seq.s32 s10, $0x1;
	s10 =	sld [smem:$0x3FAA];
	_ =	sdelay $0x3  }
0x34: {  	[smem:$0x3FAA] =	sst s10  }
0x35: {  	s10 =	sld [smem:$0x3FA9];
	_ =	sdelay $0x3  }
0x36: {  	p1 =	seq.s32 s10, $0x1;
	s10 =	sld [smem:$0x3FAA];
	_ =	sdelay $0x3  }
0x37: {  	[smem:$0x3FAA] =	sst s10  }
0x38: {  	s10 =	sld [smem:$0x3FAB]  }
0x39: {  	_ = 	snop;
	(pc) =	sbr.ind lr, $3  }
0x3a: {  	_ = 	snop  }
0x3b: {  	_ = 	snop  }
0x3c: {  	p2 =	seq.s32 s10, $0x1;
	s10 =	sld [smem:$0x3FAA]  }
0x3d: {  	_ =	shalt  }
0x3e: {  	_ =	shalt  }
0x3f: {  	_ =	shalt  }
0x40: {  	_ =	shalt  }
0x41: {  	_ =	shalt  }
0x42: {  	_ =	shalt  }
0x43: {  	_ =	shalt  }
0x44: {  	_ =	shalt  }
0x45: {  	_ =	shalt  }
0x46: {  	_ =	shalt  }
0x47: {  	_ =	shalt  }
0x48: {  	_ =	shalt  }
0x49: {  	_ =	shalt  }
0x4a: {  	_ =	shalt  }
0x4b: {  	_ =	shalt  }
0x4c: {  	_ =	shalt  }
0x4d: {  	_ =	shalt  }
0x4e: {  	_ =	shalt  }
0x4f: {  	_ =	shalt  }
0x50: {  	_ =	shalt  }
0x51: {  	_ =	shalt  }
0x52: {  	_ =	shalt  }
0x53: {  	_ =	shalt  }
0x54: {  	_ =	shalt  }
0x55: {  	_ =	shalt  }
0x56: {  	_ =	shalt  }
0x57: {  	_ =	shalt  }
0x58: {  	_ =	shalt  }
0x59: {  	_ =	shalt  }
0x5a: {  	_ =	shalt  }
0x5b: {  	_ =	shalt  }
0x5c: {  	_ =	shalt  }
0x5d: {  	_ =	shalt  }
0x5e: {  	_ =	shalt  }
0x5f: {  	_ =	shalt  }
0x60: {  	_ =	shalt  }
0x61: {  	_ =	shalt  }
0x62: {  	_ =	shalt  }
0x63: {  	_ =	shalt  }
0x64: {  	_ =	shalt  }
0x65: {  	_ =	shalt  }
0x66: {  	_ =	shalt  }
0x67: {  	_ =	shalt  }
0x68: {  	_ =	shalt  }
0x69: {  	_ =	shalt  }
0x6a: {  	_ =	shalt  }
0x6b: {  	_ =	shalt  }
0x6c: {  	_ =	shalt  }
0x6d: {  	_ =	shalt  }
0x6e: {  	_ =	shalt  }
0x6f: {  	_ =	shalt  }
0x70: {  	_ =	shalt  }
0x71: {  	_ =	shalt  }
0x72: {  	_ =	shalt  }
0x73: {  	_ =	shalt  }
0x74: {  	_ =	shalt  }
0x75: {  	_ =	shalt  }
0x76: {  	_ =	shalt  }
0x77: {  	_ =	shalt  }
0x78: {  	_ =	shalt  }
0x79: {  	_ =	shalt  }
0x7a: {  	_ =	shalt  }
0x7b: {  	_ =	shalt  }
0x7c: {  	_ =	shalt  }
0x7d: {  	_ =	shalt  }
0x7e: {  	_ =	shalt  }
0x7f: {  	_ =	shalt  }
0x80: {  	_ =	shalt  }
0x81: {  	_ =	shalt  }
0x82: {  	_ =	shalt  }
0x83: {  	_ =	shalt  }
0x84: {  	_ =	shalt  }
0x85: {  	_ =	shalt  }
0x86: {  	_ =	shalt  }
0x87: {  	_ =	shalt  }
.Lfunc_end0:
.L_simem_size_0:
called_computation.1_lowered:
.L_overlay_start_0:
0x88: {  	s2 =	sld [smem:$0x3FD9]  }
0x89: {  	s3 =	sld [smem:$0x3FFE];
	_ =	sdelay $0x1  }
0x8a: {  	s1 =	srdreg.scid  }
0x8b: {  	s0 =	sand.u32 $0x1, s1  }
0x8c: {  	s17 =	sshll.u32 s0, $0xA;
	s2 =	sadd.s32 s3, s2  }
0x8d: {  	s2 =	sadd.s32 s2, s17  }
0x8e: {  	[smem:$0x3FB6] =	sst s2  }
0x8f: {  	_ = 	snop  }
0x90: {  	s2 =	sld [smem:$0x3FD0];
	(tm) =	ssettm $0x1  }
0x91: {  	s18 =	sld [smem:$0x3FFB];
	_ =	sdelay $0x3  }
0x92: {  	_ =	strace s18  }
0x93: {  	s3 =	sld [smem:$0x3FFC];
	_ =	sdelay $0x3  }
0x94: {  	_ =	strace s3  }
0x95: {  	s3 =	sld [smem:$0x3FFD];
	_ =	sdelay $0x3  }
0x96: {  	_ =	strace s3  }
0x97: {  	_ =	strace $0x8FFFFFFF  }
0x98: {  	s19 =	sld [smem:$0x3FDB];
	_ =	sdelay $0x1  }
0x99: {  	s4 =	simm.s32 $_scs_section_size  }
0x9a: {  	s5 =	simm.s32 $_size__tile_overlayer_lowered;
	s6 =	simm.s32 $_tile_overlayer_lowered  }
0x9b: {  	s22 =	simm.s32 $0x1BFF;
	s21 =	sshll.u32 s6, $0x1;
	s3 =	sadd.s32 s4, s19  }
0x9c: {  	s7 =	simm.s32 $0x0;
	s20 =	sshll.u32 s5, $0x1;
	s5 =	sadd.s32 s21, s3  }
0x9d: {  	[timem:s7], [sflag:s22] =	dma.local [hbm:s5], s20  }
0x9e: {  	_ =	swait.ge [sflag:s22], s20  }
0x9f: {  	s4 =	ssub.s32 $0x0, s20;
	[sflag:s22] =	ssyncset.done $0x0  }
0xa0: {  	[sflag:s22] =	ssyncadd.s32 s4;
	_ =	sdelay $0x1  }
0xa1: {  	s23 =	simm.s32 $0x1B8B  }
0xa2: {  	_ =	swait.ge [sflag:s23], $0x1  }
0xa3: {  	[sflag:s23] =	ssyncset.done $0x0  }
0xa4: {  	s25 =	simm.s32 $0x1B8E;
	s24 =	sld [smem:$0x3FFE];
	[sflag:s23] =	ssyncadd.s32 $0xFFFFFFFF  }
0xa5: {  	s26 =	simm.s32 $execute0_lowered;
	[smem:$0x3FD2] =	sst s25  }
0xa6: {  	s5 =	sshll.u32 s26, $0x1;
	_ =	strace $0x80000046;
	[dreg:$0x1] =	wrdreg $0xFFFFFFFF  }
0xa7: {  	s28 =	simm.s32 $_size_execute0_lowered;
	s3 =	sadd.s32 s3, s5;
	[dreg:$0x0] =	wrdreg $0x0  }
0xa8: {  	s5 =	sshll.u32 s28, $0x1;
	[dreg:$0x2] =	wrdreg s3  }
0xa9: {  	[dreg:$0x3] =	wrdreg s5  }
0xaa: {  	[dreg:$0x4] =	wrdreg $0xC0  }
0xab: {  	_ =	task [dreg:s7], $0x5FFFF  }
0xac: {  	[dreg:$0x1] =	wrdreg $0xFFFFFFFF  }
0xad: {  	[dreg:$0x0] =	wrdreg $0x60  }
0xae: {  	[dreg:$0x2] =	wrdreg s24  }
0xaf: {  	[dreg:$0x3] =	wrdreg s2  }
0xb0: {  	[dreg:$0x4] =	wrdreg $0x9  }
0xb1: {  	_ =	task.clear_ibuf [dreg:s7], $0x5FFFF;
	_ =	strace $0x90000046  }
0xb2: {  	s29 =	simm.s32 $0x9;
	_ =	strace $0x80000048  }
0xb3: {  	_ =	swait.ge [sflag:s29], $0x1  }
0xb4: {  	[sflag:s29] =	ssyncadd.s32 $0xFFFFFFFF  }
0xb5: {  	_ =	strace $0x90000048  }
0xb6: {  	_ =	sfence  }
0xb7: {  	s30 =	sld [smem:$0x0];
	_ =	sdelay $0x2  }
0xb8: {  	s31 =	sshll.u32 s1, $0xD;
	s1 =	sshrl.u32 s1, $0x2  }
0xb9: {  	s3 =	sand.u32 $0x4000, s31;
	s1 =	sadd.s32 s1, s30  }
0xba: {  	s0 =	sor.u32 s3, s0;
	s1 =	sshll.u32 s1, $0x11  }
0xbb: {  	s0 =	sor.u32 s1, s0  }
0xbc: {  	s0 =	sadd.s32 $0x8F2B, s0  }
0xbd: {  	[sflag:s0] =	ssyncadd.remote.s32 $0x1  }
0xbe: {  	_ =	sfence.sel $0xFFFF  }
0xbf: {  	[dreg:$0x0] =	wrdreg $0xFFFFFFFF;
	(pc) =	sbr.abs _section_cstart, $3  }
0xc0: {  	[dreg:$0x1] =	wrdreg $0xFFFFFFFF  }
0xc1: {  	_ =	task.clear_ibuf [dreg:s7], $0x2FFFF;
	_ =	strace $0x9FFFFFFF  }
0xc2: {  	(tm) =	ssettm $0x7FFFFFFF  }
0xc3: {  	_ =	shalt  }
tec
execute0_lowered:
.L_overlay_start_1:
0x0: {  	(tag) =	ssettag $0x1  }
0x1: {  	s7 =	rddreg [dreg:$0x0]  }
0x2: {  	s9 =	rddreg [dreg:$0x1]  }
0x3: {  	s0 =	rddreg [dreg:$0x2];
	s1 =	simm.s32 $0x0;
	s5 =	srdreg.scid  }
0x4: {  	s2 =	stileid.u32;
	s13 =	simm.s32 $0xA0;
	s14 =	simm.s32 $0xAA0  }
0x5: {  	s15 =	simm.s32 $0x1;
	s16 =	simm.s32 $0x2;
	s17 =	simm.s32 $0x14A0  }
0x6: {  	s18 =	simm.s32 $0x1EA0;
	s19 =	simm.s32 $0x0;
	[smem:$0x7FF] =	sst s1  }
0x7: {  	s3 =	sadd.s32 $0x189600, s7;
	s4 =	sadd.s32 $0x496A00, s7;
	s8 =	sand.u32 $0x1, s5  }
0x8: {  	s5 =	sadd.s32 $0x1EB200, s7;
	s11 =	sshll.u32 s2, $0x1;
	s6 =	sadd.s32 $0x21C000, s7  }
0x9: {  	s7 =	sadd.s32 $0x4F8600, s7;
	s10 =	ssub.s32 $0x2, s8;
	s8 =	sor.u32 s8, s11  }
0xa: {  	_ =	strace $0x80000047;
	s12 =	sshrl.u32 s10, $0x1;
	s11 =	sshll.u32 s8, $0x3  }
0xb: {  	s8 =	smul.u32 $0xC350, s8;
	s10 =	ssub.s32 s10, s12;
	s9 =	sadd.s32 s9, s11  }
0xc: {  	s11 =	simm.s32 $0x3;
	s12 =	simm.s32 $0x50;
	s10 =	smax.u32 s10, $0x1  }
.LBB2_1:
0xd: {  	v2 =	vimm.f32 $0.0e+00  }
0xe: {  	v3 =	vimm.f32 $0.0e+00;
	v1 =	vimm.f32 $0.0e+00;
	v0 =	vimm.f32 $0.0e+00;
	s20 =	simm.s32 $0x0  }
.LBB2_2:
0xf: {  	s21 =	smul.u32 $0x50, s20;
	_ =	sdelay $0x1  }
0x10: {  	s21 =	sadd.s32 s8, s21  }
0x11: {  	s22 =	sshrl.u32 s21, $0x3  }
0x12: {  	s23 =	sadd.s32 s5, s22  }
0x13: {  	[tilespmem:s1], [sflag:$0x3] =	stream.linear.gather [hbm4b:s23+s1], $0x50, $0x38;
	[tilespmem:$0x1EE0] =	vst v63  }
0x14: {  	_ =	swait.ge [sflag:s11], $0x50  }
0x15: {  	[sflag:s11] =	ssyncset.done $0x0  }
0x16: {  	s22 =	sadd.s32 s6, s22;
	[sflag:s11] =	ssyncadd.s32 $0xFFFFFFB0  }
0x17: {  	[tilespmem:s12], [sflag:$0x3] =	stream.linear.gather [hbm4b:s22+s1], $0x50, $0x38;
	[tilespmem:$0x1EE0] =	vst v63  }
0x18: {  	_ =	swait.ge [sflag:s11], $0x50  }
0x19: {  	[sflag:s11] =	ssyncset.done $0x0  }
0x1a: {  	[sflag:s11] =	ssyncadd.s32 $0xFFFFFFB0  }
0x1b: {  	[tilespmem:s13], [sflag:$0x1] =	stream.indirect.gather [hbm4b:s3+s12], $0x20, s1, s12, $0xb8;
	[tilespmem:$0x1EE0] =	vst v63  }
0x1c: {  	_ = 	snop  }
0x1d: {  	[tilespmem:s14], [sflag:$0x2] =	stream.indirect.gather [hbm4b:s4+s12], $0x20, s12, s12, $0xb8;
	[tilespmem:$0x1EE0] =	vst v63  }
0x1e: {  	_ =	swait.ge [sflag:s15], $0xA00  }
0x1f: {  	[sflag:s15] =	ssyncset.done $0x0  }
0x20: {  	[sflag:s15] =	ssyncadd.s32 $0xFFFFF600  }
0x21: {  	_ =	swait.ge [sflag:s16], $0xA00  }
0x22: {  	[sflag:s16] =	ssyncset.done $0x0  }
0x23: {  	s23 =	simm.s32 $0x120;
	[sflag:s16] =	ssyncadd.s32 $0xFFFFF600  }
0x24: {  	s24 =	simm.s32 $0xB20;
	v4 =	vld [tilespmem:s23+$0xFFFFFF80]  }
0x25: {  	v5 =	vld [tilespmem:s24+$0xFFFFFF90]  }
0x26: {  	v6 =	vld [tilespmem:s23+$0xFFFFFF90]  }
0x27: {  	v7 =	vld [tilespmem:s24+$0xFFFFFF80];
	_ =	sdelay $0x3  }
0x28: {  	v5 =	vadd.f32 v5, v6  }
0x29: {  	s22 =	simm.s32 $0x1520;
	v4 =	vadd.f32 v7, v4  }
0x2a: {  	[tilespmem:s22+$0xFFFFFF90] =	vst v5  }
0x2b: {  	[tilespmem:s22+$0xFFFFFF80] =	vst v4  }
0x2c: {  	v6 =	vld [tilespmem:s24+$0xFFFFFFB0]  }
0x2d: {  	v8 =	vld [tilespmem:s23+$0xFFFFFFA0]  }
0x2e: {  	v7 =	vld [tilespmem:s23+$0xFFFFFFB0]  }
0x2f: {  	v9 =	vld [tilespmem:s24+$0xFFFFFFA0];
	_ =	sdelay $0x3  }
0x30: {  	v7 =	vadd.f32 v6, v7  }
0x31: {  	v6 =	vadd.f32 v9, v8  }
0x32: {  	[tilespmem:s22+$0xFFFFFFB0] =	vst v7  }
0x33: {  	[tilespmem:s22+$0xFFFFFFA0] =	vst v6  }
0x34: {  	v8 =	vld [tilespmem:s23+$0xFFFFFFC0]  }
0x35: {  	v9 =	vld [tilespmem:s24+$0xFFFFFFD0]  }
0x36: {  	v10 =	vld [tilespmem:s24+$0xFFFFFFC0]  }
0x37: {  	v11 =	vld [tilespmem:s23+$0xFFFFFFD0];
	_ =	sdelay $0x3  }
0x38: {  	v8 =	vadd.f32 v10, v8  }
0x39: {  	v9 =	vadd.f32 v9, v11  }
0x3a: {  	[tilespmem:s22+$0xFFFFFFC0] =	vst v8  }
0x3b: {  	[tilespmem:s22+$0xFFFFFFD0] =	vst v9  }
0x3c: {  	v10 =	vld [tilespmem:s23+$0xFFFFFFE0]  }
0x3d: {  	v11 =	vld [tilespmem:s24+$0xFFFFFFE0]  }
0x3e: {  	v12 =	vld [tilespmem:s24+$0xFFFFFFF0]  }
0x3f: {  	v13 =	vld [tilespmem:s23+$0xFFFFFFF0];
	_ =	sdelay $0x3  }
0x40: {  	v11 =	vadd.f32 v11, v10  }
0x41: {  	v12 =	vadd.f32 v12, v13  }
0x42: {  	[tilespmem:s22+$0xFFFFFFE0] =	vst v11  }
0x43: {  	[tilespmem:s22+$0xFFFFFFF0] =	vst v12  }
0x44: {  	v10 =	vld [tilespmem:s24+$0x0]  }
0x45: {  	v13 =	vld [tilespmem:s24+$0x10]  }
0x46: {  	v14 =	vld [tilespmem:s23+$0x10]  }
0x47: {  	v16 =	vld [tilespmem:s23+$0x0];
	_ =	sdelay $0x3  }
0x48: {  	v15 =	vadd.f32 v13, v14  }
0x49: {  	v17 =	vadd.f32 v10, v16  }
0x4a: {  	[tilespmem:s22+$0x10] =	vst v15  }
0x4b: {  	[tilespmem:s22+$0x0] =	vst v17  }
0x4c: {  	v13 =	vld [tilespmem:s24+$0x30]  }
0x4d: {  	v16 =	vld [tilespmem:s23+$0x30]  }
0x4e: {  	v19 =	vld [tilespmem:s23+$0x20]  }
0x4f: {  	v20 =	vld [tilespmem:s24+$0x20];
	_ =	sdelay $0x3  }
0x50: {  	v18 =	vmul.f32 v6, v6;
	v22 =	vmul.f32 v11, v11;
	v21 =	vadd.f32 v13, v16  }
0x51: {  	v10 =	vmul.f32 v5, v5;
	v14 =	vmul.f32 v4, v4;
	v24 =	vadd.f32 v20, v19  }
0x52: {  	v23 =	vmul.f32 v15, v15;
	v26 =	vmul.f32 v17, v17;
	[tilespmem:s22+$0x30] =	vst v21  }
0x53: {  	v13 =	vmul.f32 v7, v7;
	v19 =	vmul.f32 v8, v8;
	[tilespmem:s22+$0x20] =	vst v24  }
0x54: {  	s26 =	simm.s32 $0x0;
	v16 =	vmul.f32 v9, v9;
	v20 =	vmul.f32 v12, v12;
	v28 =	vld [tilespmem:s24+$0x40]  }
0x55: {  	s28 =	simm.s32 $0x1620;
	s29 =	simm.s32 $0x120;
	s25 =	simm.s32 $0xB20;
	v25 =	vmul.f32 v21, v21;
	v27 =	vmul.f32 v24, v24;
	v29 =	vld [tilespmem:s23+$0x50]  }
.LBB2_3:
0x56: {  	s26 =	sadd.s32 $0x8, s26;
	v30 =	vld [tilespmem:s23+$0x40];
	s29 =	sadd.s32 $0x100, s29;
	s24 =	sadd.s32 $0x100, s24  }
0x57: {  	p0 =	slt.u32 s26, $0x48;
	v31 =	vld [tilespmem:s25+$0x50]  }
0x58: {  	v1 =	vadd.f32 v5, v1  }
0x59: {  	v3 =	vadd.f32 v14, v3;
	v2 =	vadd.f32 v10, v2  }
0x5a: {  	v0 =	vadd.f32 v4, v0;
	v1 =	vadd.f32 v7, v1  }
0x5b: {  	v3 =	vadd.f32 v18, v3;
	v4 =	vadd.f32 v28, v30  }
0x5c: {  	v0 =	vadd.f32 v6, v0;
	v5 =	vadd.f32 v31, v29  }
0x5d: {  	v2 =	vadd.f32 v13, v2;
	v3 =	vadd.f32 v19, v3;
	[tilespmem:s22+$0x40] =	vst v4;
	v6 =	vmul.f32 v4, v4  }
0x5e: {  	v0 =	vadd.f32 v8, v0;
	v1 =	vadd.f32 v9, v1;
	[tilespmem:s22+$0x50] =	vst v5;
	v7 =	vmul.f32 v5, v5  }
0x5f: {  	v2 =	vadd.f32 v16, v2;
	v3 =	vadd.f32 v22, v3;
	v8 =	vld [tilespmem:s23+$0x60]  }
0x60: {  	v0 =	vadd.f32 v11, v0;
	v1 =	vadd.f32 v12, v1;
	v9 =	vld [tilespmem:s25+$0x70]  }
0x61: {  	v2 =	vadd.f32 v20, v2;
	v3 =	vadd.f32 v26, v3;
	v10 =	vld [tilespmem:s25+$0x60];
	s25 =	smov.u32 s24  }
0x62: {  	v0 =	vadd.f32 v17, v0;
	v1 =	vadd.f32 v15, v1;
	v11 =	vld [tilespmem:s23+$0x70];
	s23 =	smov.u32 s29  }
0x63: {  	v2 =	vadd.f32 v23, v2;
	v3 =	vadd.f32 v27, v3  }
0x64: {  	v0 =	vadd.f32 v24, v0;
	v1 =	vadd.f32 v21, v1  }
0x65: {  	v2 =	vadd.f32 v25, v2;
	v3 =	vadd.f32 v6, v3  }
0x66: {  	v0 =	vadd.f32 v4, v0;
	v4 =	vadd.f32 v10, v8  }
0x67: {  	v1 =	vadd.f32 v5, v1;
	v5 =	vadd.f32 v9, v11  }
0x68: {  	v2 =	vadd.f32 v7, v2;
	[tilespmem:s22+$0x60] =	vst v4;
	v0 =	vadd.f32 v4, v0;
	v4 =	vmul.f32 v4, v4  }
0x69: {  	[tilespmem:s22+$0x70] =	vst v5;
	v1 =	vadd.f32 v5, v1;
	v5 =	vmul.f32 v5, v5;
	s22 =	smov.u32 s28  }
0x6a: {  	v6 =	vld [tilespmem:s29+$0xFFFFFF80];
	v3 =	vadd.f32 v4, v3  }
0x6b: {  	v4 =	vld [tilespmem:s24+$0xFFFFFF90];
	v2 =	vadd.f32 v5, v2  }
0x6c: {  	v5 =	vld [tilespmem:s29+$0xFFFFFF90]  }
0x6d: {  	v7 =	vld [tilespmem:s24+$0xFFFFFF80];
	_ =	sdelay $0x3  }
0x6e: {  	v5 =	vadd.f32 v4, v5  }
0x6f: {  	v4 =	vadd.f32 v7, v6  }
0x70: {  	[tilespmem:s28+$0xFFFFFF90] =	vst v5;
	v10 =	vmul.f32 v5, v5  }
0x71: {  	[tilespmem:s28+$0xFFFFFF80] =	vst v4;
	v14 =	vmul.f32 v4, v4  }
0x72: {  	v6 =	vld [tilespmem:s24+$0xFFFFFFB0]  }
0x73: {  	v8 =	vld [tilespmem:s29+$0xFFFFFFA0]  }
0x74: {  	v7 =	vld [tilespmem:s29+$0xFFFFFFB0]  }
0x75: {  	v9 =	vld [tilespmem:s24+$0xFFFFFFA0];
	_ =	sdelay $0x3  }
0x76: {  	v7 =	vadd.f32 v6, v7  }
0x77: {  	v6 =	vadd.f32 v9, v8  }
0x78: {  	[tilespmem:s28+$0xFFFFFFB0] =	vst v7;
	v13 =	vmul.f32 v7, v7  }
0x79: {  	[tilespmem:s28+$0xFFFFFFA0] =	vst v6;
	v18 =	vmul.f32 v6, v6  }
0x7a: {  	v8 =	vld [tilespmem:s29+$0xFFFFFFC0]  }
0x7b: {  	v9 =	vld [tilespmem:s24+$0xFFFFFFD0]  }
0x7c: {  	v11 =	vld [tilespmem:s24+$0xFFFFFFC0]  }
0x7d: {  	v12 =	vld [tilespmem:s29+$0xFFFFFFD0];
	_ =	sdelay $0x3  }
0x7e: {  	v8 =	vadd.f32 v11, v8  }
0x7f: {  	v9 =	vadd.f32 v9, v12  }
0x80: {  	[tilespmem:s28+$0xFFFFFFC0] =	vst v8;
	v19 =	vmul.f32 v8, v8  }
0x81: {  	[tilespmem:s28+$0xFFFFFFD0] =	vst v9;
	v16 =	vmul.f32 v9, v9  }
0x82: {  	v11 =	vld [tilespmem:s29+$0xFFFFFFE0]  }
0x83: {  	v12 =	vld [tilespmem:s24+$0xFFFFFFE0]  }
0x84: {  	v15 =	vld [tilespmem:s24+$0xFFFFFFF0]  }
0x85: {  	v17 =	vld [tilespmem:s29+$0xFFFFFFF0];
	_ =	sdelay $0x2  }
0x86: {  	v11 =	vadd.f32 v12, v11;
	_ =	sdelay $0x1  }
0x87: {  	v12 =	vadd.f32 v15, v17;
	[tilespmem:s28+$0xFFFFFFE0] =	vst v11;
	v22 =	vmul.f32 v11, v11;
	_ =	sdelay $0x1  }
0x88: {  	[tilespmem:s28+$0xFFFFFFF0] =	vst v12;
	v20 =	vmul.f32 v12, v12  }
0x89: {  	v17 =	vld [tilespmem:s24+$0x0]  }
0x8a: {  	v15 =	vld [tilespmem:s24+$0x10]  }
0x8b: {  	v21 =	vld [tilespmem:s29+$0x10]  }
0x8c: {  	v23 =	vld [tilespmem:s29+$0x0];
	_ =	sdelay $0x3  }
0x8d: {  	v15 =	vadd.f32 v15, v21  }
0x8e: {  	v17 =	vadd.f32 v17, v23  }
0x8f: {  	[tilespmem:s28+$0x10] =	vst v15;
	v23 =	vmul.f32 v15, v15  }
0x90: {  	[tilespmem:s28+$0x0] =	vst v17;
	v26 =	vmul.f32 v17, v17  }
0x91: {  	v21 =	vld [tilespmem:s24+$0x30]  }
0x92: {  	v24 =	vld [tilespmem:s29+$0x30]  }
0x93: {  	v25 =	vld [tilespmem:s29+$0x20]  }
0x94: {  	v27 =	vld [tilespmem:s24+$0x20];
	_ =	sdelay $0x2  }
0x95: {  	v21 =	vadd.f32 v21, v24;
	_ =	sdelay $0x1  }
.Ltmp0:
0x96: {  	v24 =	vadd.f32 v27, v25;
	[tilespmem:s28+$0x30] =	vst v21;
	v25 =	vmul.f32 v21, v21;
	(pc) =	sbr.rel @p0 .LBB2_3-.Ltmp0, $4  }
0x97: {  	_ = 	snop  }
0x98: {  	[tilespmem:s28+$0x20] =	vst v24;
	v27 =	vmul.f32 v24, v24  }
0x99: {  	v28 =	vld [tilespmem:s24+$0x40]  }
0x9a: {  	s28 =	sadd.s32 $0x100, s28;
	v29 =	vld [tilespmem:s29+$0x50]  }
0x9b: {  	v30 =	vld [tilespmem:s23+$0x40]  }
0x9c: {  	v31 =	vld [tilespmem:s25+$0x50];
	_ =	sdelay $0x3  }
0x9d: {  	v28 =	vadd.f32 v28, v30  }
0x9e: {  	v3 =	vadd.f32 v14, v3;
	v57 =	vadd.f32 v31, v29  }
0x9f: {  	v1 =	vadd.f32 v5, v1;
	v0 =	vadd.f32 v4, v0;
	[tilespmem:s22+$0x40] =	vst v28  }
0xa0: {  	v2 =	vadd.f32 v10, v2;
	v3 =	vadd.f32 v18, v3;
	[tilespmem:s22+$0x50] =	vst v57  }
0xa1: {  	v1 =	vadd.f32 v7, v1;
	v0 =	vadd.f32 v6, v0;
	v4 =	vld [tilespmem:s23+$0x60]  }
0xa2: {  	v2 =	vadd.f32 v13, v2;
	v3 =	vadd.f32 v19, v3;
	v5 =	vld [tilespmem:s25+$0x70]  }
0xa3: {  	v0 =	vadd.f32 v8, v0;
	v1 =	vadd.f32 v9, v1;
	v58 =	vld [tilespmem:s25+$0x60]  }
0xa4: {  	v2 =	vadd.f32 v16, v2;
	v3 =	vadd.f32 v22, v3;
	v59 =	vld [tilespmem:s23+$0x70]  }
0xa5: {  	v0 =	vadd.f32 v11, v0;
	v1 =	vadd.f32 v12, v1  }
0xa6: {  	v2 =	vadd.f32 v20, v2;
	v3 =	vadd.f32 v26, v3  }
0xa7: {  	v0 =	vadd.f32 v17, v0;
	v1 =	vadd.f32 v15, v1  }
0xa8: {  	v2 =	vadd.f32 v23, v2;
	v4 =	vadd.f32 v58, v4  }
0xa9: {  	s20 =	sadd.s32 $0x1, s20;
	v60 =	vmul.f32 v28, v28;
	v3 =	vadd.f32 v27, v3;
	v5 =	vadd.f32 v5, v59  }
0xaa: {  	s21 =	sshll.u32 s21, $0x2;
	p0 =	sne.s32 s20, $0x271;
	v0 =	vadd.f32 v24, v0;
	v1 =	vadd.f32 v21, v1;
	[tilespmem:s22+$0x60] =	vst v4  }
.Ltmp1:
0xab: {  	s21 =	sadd.s32 s7, s21;
	v61 =	vmul.f32 v57, v57;
	v2 =	vadd.f32 v25, v2;
	v3 =	vadd.f32 v60, v3;
	[tilespmem:s22+$0x70] =	vst v5;
	(pc) =	sbr.rel @p0 .LBB2_2-.Ltmp1, $4  }
0xac: {  	v0 =	vadd.f32 v28, v0;
	v1 =	vadd.f32 v57, v1;
	[hbm4b:s21+s1] =	stream.linear.scatter [tilespmem:s17], [sflag:$0x3], $0xA00, $0x38;
	[tilespmem:$0x1EE0] =	vst v63  }
0xad: {  	v2 =	vadd.f32 v61, v2;
	v62 =	vmul.f32 v4, v4;
	v63 =	vmul.f32 v5, v5;
	_ =	swait.ge [sflag:s11], $0xA00  }
0xae: {  	v0 =	vadd.f32 v4, v0;
	v1 =	vadd.f32 v5, v1;
	[sflag:s11] =	ssyncset.done $0x0  }
0xaf: {  	v3 =	vadd.f32 v62, v3;
	v2 =	vadd.f32 v63, v2;
	[sflag:s11] =	ssyncadd.s32 $0xFFFFF600  }
0xb0: {  	[tilespmem:$0x1EA0] =	vst v0  }
0xb1: {  	[tilespmem:$0x1EB0] =	vst v1;
	s19 =	sadd.s32 $0x1, s19  }
0xb2: {  	[tilespmem:$0x1EC0] =	vst v3;
	p0 =	sne.s32 s19, s10  }
.Ltmp2:
0xb3: {  	[tilespmem:$0x1ED0] =	vst v2;
	(pc) =	sbr.rel @p0 .LBB2_1-.Ltmp2, $4  }
0xb4: {  	[hbm4b:s9+s1] =	stream.linear.scatter [tilespmem:s18], [sflag:$0x3], $0x40, $0x38;
	[tilespmem:$0x1EE0] =	vst v63  }
0xb5: {  	_ =	swait.ge [sflag:s11], $0x40  }
0xb6: {  	[sflag:s11] =	ssyncset.done $0x0  }
0xb7: {  	[sflag:s11] =	ssyncadd.s32 $0xFFFFFFC0  }
0xb8: {  	_ =	sfence.sel $0x180000  }
0xb9: {  	[bflag:$0x0] =	sbarrier.arrive $0xFFFF  }
0xba: {  	p0 =	sne.s32 s2, $0x0;
	_ =	strace $0x90000047  }
0xbb: {  	s0 =	sadd.s32 @!p0 $0x100000, s0;
	[bflag:$0x2] =	sbarrier.arrive $0xFFFF  }
0xbc: {  	[sflag:s0] =	ssyncadd.tile.s32 @!p0 $0x1;
	_ =	shalt  }
.Lfunc_end2:
_tile_overlayer_lowered:
.L_overlay_start_2:
0xbd: {  	(tag) =	ssettag $0x2  }
0xbe: {  	s0 =	rddreg [dreg:$0x0];
	s2 =	stileid.u32  }
0xbf: {  	s1 =	rddreg [dreg:$0x1];
	p0 =	sne.s32 s2, $0x0  }
0xc0: {  	s3 =	rddreg [dreg:$0x2];
	[bflag:$0x3] =	sbarrier.arrive $0xFFFF;
	s2 =	simm.s32 @!p0 $0x1C03  }
0xc1: {  	[timem:s3], [sflag:s2] =	dma.local @!p0 [hbm:s0], s1  }
0xc2: {  	s0 =	simm.s32 @!p0 $0x3  }
0xc3: {  	_ =	swait.ge @!p0 [sflag:s0], s1  }
0xc4: {  	s1 =	ssub.s32 @!p0 $0x0, s1;
	[sflag:s0] =	ssyncset.done @!p0 $0x0  }
0xc5: {  	[sflag:s0] =	ssyncadd.s32 @!p0 s1  }
0xc6: {  	[bflag:$0x3] =	sbarrier.arrive $0xFFFF  }
0xc7: {  	_ =	shalt  }

// kernel: scatter_offload_async_start
scs
__scs_entry_jumppad:
0x0: {  	(pc) =	sbr.rel $0x88, $3  }
0x1: {  	(tag) =	ssettag $0x0;
	lr =	simm.s32 $0x1  }
0x2: {  	[smem:$0x3F8F] =	sst lr;
	_ =	strace $0xD0000000  }
0x3: {  	_ = 	snop  }
0x4: {  	_ = 	snop  }
0x5: {  	_ = 	snop  }
0x6: {  	_ = 	snop  }
0x7: {  	_ = 	snop  }
__scs_overlays_trampoline_lowered:
0x8: {  	[smem:$0x3F9E] =	sst s0  }
0x9: {  	[smem:$0x3F9F] =	sst s1  }
0xa: {  	[smem:$0x3FA0] =	sst s2  }
0xb: {  	[smem:$0x3FA1] =	sst s3  }
0xc: {  	[smem:$0x3FA2] =	sst s4  }
0xd: {  	[smem:$0x3FA3] =	sst s5  }
0xe: {  	[smem:$0x3FA4] =	sst s6  }
0xf: {  	[smem:$0x3FA5] =	sst s7  }
0x10: {  	[smem:$0x3FA6] =	sst s8  }
0x11: {  	[smem:$0x3FA7] =	sst s9;
	s0 =	simm.s32 @!p0 $0x0  }
0x12: {  	s1 =	sld [smem:$0x3F8D];
	s0 =	simm.s32 @p0 $0x1  }
0x13: {  	[smem:$0x3FA8] =	sst s0;
	s0 =	simm.s32 @!p1 $0x0  }
0x14: {  	s2 =	sld [smem:$0x3F8C];
	s0 =	simm.s32 @p1 $0x1  }
0x15: {  	[smem:$0x3FA9] =	sst s0;
	s0 =	simm.s32 @!p2 $0x0  }
0x16: {  	s3 =	sld [smem:$0x3FDB];
	s0 =	simm.s32 @p2 $0x1  }
0x17: {  	s4 =	simm.s32 $0x1BF5;
	[smem:$0x3FAB] =	sst s0  }
0x18: {  	s0 =	sld [smem:$0x3F8E];
	_ =	swait.ge [sflag:s4], $0x0  }
0x19: {  	s7 =	sld [smem:$0x3F8F]  }
0x1a: {  	s8 =	sadd.s32 $0xFFFFE003, lr  }
0x1b: {  	s9 =	sadd.s32 $0xFFFFFEF7, lr;
	s5 =	simm.s32 $0xFFFFFFFF;
	p2 =	slt.u32 s8, $0xFFFFF086  }
0x1c: {  	p1 =	slt.u32 s9, $0xF7A;
	s5 =	simm.s32 @!p2 $0x0  }
0x1d: {  	s5 =	simm.s32 @p1 $0x1;
	p0 =	seq.s32 s7, s2  }
0x1e: {  	s7 =	smul.u32 @!p0 $0xF7A, s2;
	p2 =	seq.s32 @!p0 s5, $0x0  }
0x1f: {  	s9 =	smul.u32 $0xF7A, s1;
	s8 =	simm.s32 @!p0 $0x1BF5;
	p2 =	por !p2, p0  }
0x20: {  	[sflag:s8] =	ssyncset.s32 @!p0 $0xFFFFF086;
	s6 =	sadd.s32 @!p0 s3, s7;
	s7 =	simm.s32 @!p0 $0x108  }
0x21: {  	s3 =	sadd.s32 s3, s9;
	s6 =	sadd.s32 @!p0 $0x88, s6;
	s7 =	simm.s32 @p2 $0x1082  }
0x22: {  	[simem:s7], [sflag:s8] =	dma.local @!p0 [hbm:s6], $0xF7A  }
0x23: {  	s9 =	sor.u32 $0xD0000000, s2;
	s6 =	simm.s32 $0x108;
	_ =	swait.ge @!p0 [sflag:s8], $0x0  }
0x24: {  	s3 =	sadd.s32 $0x88, s3;
	s6 =	simm.s32 @!p1 $0x1082;
	[sflag:s4] =	ssyncset.s32 $0xFFFFF086  }
0x25: {  	[simem:s6], [sflag:s4] =	dma.local [hbm:s3], $0xF7A  }
0x26: {  	[smem:$0x3F8F] =	sst s1;
	(tag) =	ssettag s2;
	_ =	strace s9  }
0x27: {  	s1 =	sld [smem:$0x3F9F]  }
0x28: {  	s2 =	sld [smem:$0x3FA0]  }
0x29: {  	s4 =	sld [smem:$0x3FA2]  }
0x2a: {  	p0 =	seq.s32 s5, $0x0;
	s5 =	sld [smem:$0x3FA3]  }
0x2b: {  	s6 =	sld [smem:$0x3FA4]  }
0x2c: {  	s7 =	sld [smem:$0x3FA5]  }
0x2d: {  	s3 =	simm.s32 $0x108;
	s8 =	sld [smem:$0x3FA6]  }
0x2e: {  	s3 =	simm.s32 @!p0 $0x1082;
	s9 =	sld [smem:$0x3FA7]  }
0x2f: {  	lr =	sadd.s32 s0, s3;
	s0 =	sld [smem:$0x3F9E]  }
0x30: {  	s3 =	sld [smem:$0x3FA1]  }
0x31: {  	[smem:$0x3FAA] =	sst s10  }
0x32: {  	s10 =	sld [smem:$0x3FA8];
	_ =	sdelay $0x3  }
0x33: {  	p0 =	seq.s32 s10, $0x1;
	s10 =	sld [smem:$0x3FAA];
	_ =	sdelay $0x3  }
0x34: {  	[smem:$0x3FAA] =	sst s10  }
0x35: {  	s10 =	sld [smem:$0x3FA9];
	_ =	sdelay $0x3  }
0x36: {  	p1 =	seq.s32 s10, $0x1;
	s10 =	sld [smem:$0x3FAA];
	_ =	sdelay $0x3  }
0x37: {  	[smem:$0x3FAA] =	sst s10  }
0x38: {  	s10 =	sld [smem:$0x3FAB]  }
0x39: {  	_ = 	snop;
	(pc) =	sbr.ind lr, $3  }
0x3a: {  	_ = 	snop  }
0x3b: {  	_ = 	snop  }
0x3c: {  	p2 =	seq.s32 s10, $0x1;
	s10 =	sld [smem:$0x3FAA]  }
0x3d: {  	_ =	shalt  }
0x3e: {  	_ =	shalt  }
0x3f: {  	_ =	shalt  }
0x40: {  	_ =	shalt  }
0x41: {  	_ =	shalt  }
0x42: {  	_ =	shalt  }
0x43: {  	_ =	shalt  }
0x44: {  	_ =	shalt  }
0x45: {  	_ =	shalt  }
0x46: {  	_ =	shalt  }
0x47: {  	_ =	shalt  }
0x48: {  	_ =	shalt  }
0x49: {  	_ =	shalt  }
0x4a: {  	_ =	shalt  }
0x4b: {  	_ =	shalt  }
0x4c: {  	_ =	shalt  }
0x4d: {  	_ =	shalt  }
0x4e: {  	_ =	shalt  }
0x4f: {  	_ =	shalt  }
0x50: {  	_ =	shalt  }
0x51: {  	_ =	shalt  }
0x52: {  	_ =	shalt  }
0x53: {  	_ =	shalt  }
0x54: {  	_ =	shalt  }
0x55: {  	_ =	shalt  }
0x56: {  	_ =	shalt  }
0x57: {  	_ =	shalt  }
0x58: {  	_ =	shalt  }
0x59: {  	_ =	shalt  }
0x5a: {  	_ =	shalt  }
0x5b: {  	_ =	shalt  }
0x5c: {  	_ =	shalt  }
0x5d: {  	_ =	shalt  }
0x5e: {  	_ =	shalt  }
0x5f: {  	_ =	shalt  }
0x60: {  	_ =	shalt  }
0x61: {  	_ =	shalt  }
0x62: {  	_ =	shalt  }
0x63: {  	_ =	shalt  }
0x64: {  	_ =	shalt  }
0x65: {  	_ =	shalt  }
0x66: {  	_ =	shalt  }
0x67: {  	_ =	shalt  }
0x68: {  	_ =	shalt  }
0x69: {  	_ =	shalt  }
0x6a: {  	_ =	shalt  }
0x6b: {  	_ =	shalt  }
0x6c: {  	_ =	shalt  }
0x6d: {  	_ =	shalt  }
0x6e: {  	_ =	shalt  }
0x6f: {  	_ =	shalt  }
0x70: {  	_ =	shalt  }
0x71: {  	_ =	shalt  }
0x72: {  	_ =	shalt  }
0x73: {  	_ =	shalt  }
0x74: {  	_ =	shalt  }
0x75: {  	_ =	shalt  }
0x76: {  	_ =	shalt  }
0x77: {  	_ =	shalt  }
0x78: {  	_ =	shalt  }
0x79: {  	_ =	shalt  }
0x7a: {  	_ =	shalt  }
0x7b: {  	_ =	shalt  }
0x7c: {  	_ =	shalt  }
0x7d: {  	_ =	shalt  }
0x7e: {  	_ =	shalt  }
0x7f: {  	_ =	shalt  }
0x80: {  	_ =	shalt  }
0x81: {  	_ =	shalt  }
0x82: {  	_ =	shalt  }
0x83: {  	_ =	shalt  }
0x84: {  	_ =	shalt  }
0x85: {  	_ =	shalt  }
0x86: {  	_ =	shalt  }
0x87: {  	_ =	shalt  }
.Lfunc_end0:
.L_simem_size_0:
called_computation_lowered:
.L_overlay_start_0:
0x88: {  	s2 =	sld [smem:$0x3FD9]  }
0x89: {  	s3 =	sld [smem:$0x3FFE];
	_ =	sdelay $0x1  }
0x8a: {  	s1 =	srdreg.scid  }
0x8b: {  	s0 =	sand.u32 $0x1, s1  }
0x8c: {  	s15 =	sshll.u32 s0, $0xA;
	s2 =	sadd.s32 s3, s2  }
0x8d: {  	s2 =	sadd.s32 s2, s15  }
0x8e: {  	[smem:$0x3FB6] =	sst s2  }
0x8f: {  	_ = 	snop  }
0x90: {  	(tm) =	ssettm $0x1  }
0x91: {  	s16 =	sld [smem:$0x3FFB];
	_ =	sdelay $0x3  }
0x92: {  	_ =	strace s16  }
0x93: {  	s2 =	sld [smem:$0x3FFC];
	_ =	sdelay $0x3  }
0x94: {  	_ =	strace s2  }
0x95: {  	s2 =	sld [smem:$0x3FFD];
	_ =	sdelay $0x3  }
0x96: {  	_ =	strace s2  }
0x97: {  	_ =	strace $0x8FFFFFFF  }
0x98: {  	s17 =	sld [smem:$0x3FDB];
	_ =	sdelay $0x1  }
0x99: {  	s18 =	simm.s32 $_scs_section_size  }
0x9a: {  	s4 =	simm.s32 $_size__tile_overlayer_lowered;
	s5 =	simm.s32 $_tile_overlayer_lowered  }
0x9b: {  	s21 =	simm.s32 $0x1BFF;
	s20 =	sshll.u32 s5, $0x1;
	s2 =	sadd.s32 s18, s17  }
0x9c: {  	s6 =	simm.s32 $0x0;
	s19 =	sshll.u32 s4, $0x1;
	s4 =	sadd.s32 s20, s2  }
0x9d: {  	[timem:s6], [sflag:s21] =	dma.local [hbm:s4], s19  }
0x9e: {  	_ =	swait.ge [sflag:s21], s19  }
0x9f: {  	s3 =	ssub.s32 $0x0, s19;
	[sflag:s21] =	ssyncset.done $0x0  }
0xa0: {  	[sflag:s21] =	ssyncadd.s32 s3;
	_ =	sdelay $0x1  }
0xa1: {  	s22 =	simm.s32 $0x1B8B  }
0xa2: {  	_ =	swait.ge [sflag:s22], $0x1  }
0xa3: {  	[sflag:s22] =	ssyncset.done $0x0  }
0xa4: {  	s23 =	sld [smem:$0x3FFE];
	[sflag:s22] =	ssyncadd.s32 $0xFFFFFFFF  }
0xa5: {  	s25 =	simm.s32 $0x1B8E;
	s24 =	sld [smem:$0x0]  }
0xa6: {  	s26 =	simm.s32 $execute0_lowered;
	[smem:$0x3FD2] =	sst s25  }
0xa7: {  	s5 =	sshll.u32 s26, $0x1;
	_ =	strace $0x80000049;
	[dreg:$0x1] =	wrdreg $0xFFFFFFFF  }
0xa8: {  	s28 =	simm.s32 $_size_execute0_lowered;
	s2 =	sadd.s32 s2, s5;
	[dreg:$0x0] =	wrdreg $0x0  }
0xa9: {  	s5 =	sshll.u32 s28, $0x1;
	[dreg:$0x2] =	wrdreg s2  }
0xaa: {  	[dreg:$0x3] =	wrdreg s5  }
0xab: {  	[dreg:$0x4] =	wrdreg $0xC0  }
0xac: {  	_ =	task [dreg:s6], $0x5FFFF  }
0xad: {  	[dreg:$0x1] =	wrdreg $0xFFFFFFFF  }
0xae: {  	[dreg:$0x0] =	wrdreg $0x60  }
0xaf: {  	[dreg:$0x2] =	wrdreg s23  }
0xb0: {  	[dreg:$0x3] =	wrdreg s1  }
0xb1: {  	[dreg:$0x4] =	wrdreg s24  }
0xb2: {  	[dreg:$0x5] =	wrdreg $0x9  }
0xb3: {  	_ =	task.clear_ibuf [dreg:s6], $0x6FFFF;
	_ =	strace $0x90000049  }
0xb4: {  	s29 =	simm.s32 $0x9;
	_ =	strace $0x8000004B  }
0xb5: {  	_ =	swait.ge [sflag:s29], $0x1  }
0xb6: {  	[sflag:s29] =	ssyncadd.s32 $0xFFFFFFFF  }
0xb7: {  	_ =	strace $0x9000004B  }
0xb8: {  	_ =	sfence  }
0xb9: {  	s30 =	sld [smem:$0x0];
	_ =	sdelay $0x2  }
0xba: {  	s31 =	sshll.u32 s1, $0xD;
	s1 =	sshrl.u32 s1, $0x2  }
0xbb: {  	s3 =	sand.u32 $0x4000, s31;
	s1 =	sadd.s32 s1, s30  }
0xbc: {  	s0 =	sor.u32 s3, s0;
	s1 =	sshll.u32 s1, $0x11  }
0xbd: {  	s0 =	sor.u32 s1, s0  }
0xbe: {  	s0 =	sadd.s32 $0x8F2B, s0  }
0xbf: {  	[sflag:s0] =	ssyncadd.remote.s32 $0x1  }
0xc0: {  	_ =	sfence.sel $0xFFFF  }
0xc1: {  	[dreg:$0x0] =	wrdreg $0xFFFFFFFF;
	(pc) =	sbr.abs _section_cstart, $3  }
0xc2: {  	[dreg:$0x1] =	wrdreg $0xFFFFFFFF  }
0xc3: {  	_ =	task.clear_ibuf [dreg:s6], $0x2FFFF;
	_ =	strace $0x9FFFFFFF  }
0xc4: {  	(tm) =	ssettm $0x7FFFFFFF  }
0xc5: {  	_ =	shalt  }
tec
execute0_lowered:
.L_overlay_start_1:
0x0: {  	(tag) =	ssettag $0x1  }
0x1: {  	s7 =	rddreg [dreg:$0x0]  }
0x2: {  	s2 =	rddreg [dreg:$0x1];
	_ =	strace $0x8000004A;
	s3 =	simm.s32 $0x1  }
0x3: {  	v0 =	vimm.s32 $0x0;
	[sflag:s3] =	ssyncpa.u1 $0x0  }
0x4: {  	[tilespmem:$0x48] =	vst v0  }
0x5: {  	[tilespmem:$0x58] =	vst v0  }
0x6: {  	[tilespmem:$0x68] =	vst v0  }
0x7: {  	[tilespmem:$0x78] =	vst v0  }
0x8: {  	[tilespmem:$0x88] =	vst v0  }
0x9: {  	[tilespmem:$0x98] =	vst v0  }
0xa: {  	[tilespmem:$0xA8] =	vst v0  }
0xb: {  	[tilespmem:$0xB8] =	vst v0  }
0xc: {  	[tilespmem:$0xC8] =	vst v0  }
0xd: {  	[tilespmem:$0xD8] =	vst v0  }
0xe: {  	[tilespmem:$0xE8] =	vst v0  }
0xf: {  	[tilespmem:$0xF8] =	vst v0  }
0x10: {  	[tilespmem:$0x108] =	vst v0  }
0x11: {  	[tilespmem:$0x118] =	vst v0  }
0x12: {  	[tilespmem:$0x128] =	vst v0  }
0x13: {  	[tilespmem:$0x138] =	vst v0  }
0x14: {  	[tilespmem:$0x148] =	vst v0  }
0x15: {  	[tilespmem:$0x158] =	vst v0  }
0x16: {  	[tilespmem:$0x168] =	vst v0  }
0x17: {  	[tilespmem:$0x178] =	vst v0  }
0x18: {  	[tilespmem:$0x188] =	vst v0  }
0x19: {  	[tilespmem:$0x198] =	vst v0  }
0x1a: {  	[tilespmem:$0x1A8] =	vst v0  }
0x1b: {  	[tilespmem:$0x1B8] =	vst v0  }
0x1c: {  	[tilespmem:$0x1C8] =	vst v0  }
0x1d: {  	[tilespmem:$0x1D8] =	vst v0  }
0x1e: {  	[tilespmem:$0x1E8] =	vst v0  }
0x1f: {  	[tilespmem:$0x1F8] =	vst v0  }
0x20: {  	[tilespmem:$0x208] =	vst v0  }
0x21: {  	[tilespmem:$0x218] =	vst v0  }
0x22: {  	[tilespmem:$0x228] =	vst v0  }
0x23: {  	[tilespmem:$0x238] =	vst v0  }
0x24: {  	[tilespmem:$0x248] =	vst v0  }
0x25: {  	[tilespmem:$0x258] =	vst v0  }
0x26: {  	[tilespmem:$0x268] =	vst v0  }
0x27: {  	[tilespmem:$0x278] =	vst v0  }
0x28: {  	[tilespmem:$0x288] =	vst v0  }
0x29: {  	[tilespmem:$0x298] =	vst v0  }
0x2a: {  	[tilespmem:$0x2A8] =	vst v0  }
0x2b: {  	[tilespmem:$0x2B8] =	vst v0  }
0x2c: {  	[tilespmem:$0x2C8] =	vst v0  }
0x2d: {  	[tilespmem:$0x2D8] =	vst v0  }
0x2e: {  	[tilespmem:$0x2E8] =	vst v0  }
0x2f: {  	[tilespmem:$0x2F8] =	vst v0  }
0x30: {  	[tilespmem:$0x308] =	vst v0  }
0x31: {  	[tilespmem:$0x318] =	vst v0  }
0x32: {  	[tilespmem:$0x328] =	vst v0  }
0x33: {  	[tilespmem:$0x338] =	vst v0  }
0x34: {  	[tilespmem:$0x348] =	vst v0  }
0x35: {  	[tilespmem:$0x358] =	vst v0  }
0x36: {  	[tilespmem:$0x368] =	vst v0  }
0x37: {  	[tilespmem:$0x378] =	vst v0  }
0x38: {  	[tilespmem:$0x388] =	vst v0  }
0x39: {  	[tilespmem:$0x398] =	vst v0  }
0x3a: {  	[tilespmem:$0x3A8] =	vst v0  }
0x3b: {  	[tilespmem:$0x3B8] =	vst v0  }
0x3c: {  	[tilespmem:$0x3C8] =	vst v0  }
0x3d: {  	[tilespmem:$0x3D8] =	vst v0  }
0x3e: {  	[tilespmem:$0x3E8] =	vst v0  }
0x3f: {  	[tilespmem:$0x3F8] =	vst v0  }
0x40: {  	[tilespmem:$0x408] =	vst v0  }
0x41: {  	[tilespmem:$0x418] =	vst v0  }
0x42: {  	[tilespmem:$0x428] =	vst v0  }
0x43: {  	[tilespmem:$0x438] =	vst v0  }
0x44: {  	[tilespmem:$0x448] =	vst v0  }
0x45: {  	[tilespmem:$0x458] =	vst v0  }
0x46: {  	[tilespmem:$0x468] =	vst v0  }
0x47: {  	[tilespmem:$0x478] =	vst v0  }
0x48: {  	[tilespmem:$0x488] =	vst v0  }
0x49: {  	[tilespmem:$0x498] =	vst v0  }
0x4a: {  	[tilespmem:$0x4A8] =	vst v0  }
0x4b: {  	[tilespmem:$0x4B8] =	vst v0  }
0x4c: {  	[tilespmem:$0x4C8] =	vst v0  }
0x4d: {  	[tilespmem:$0x4D8] =	vst v0  }
0x4e: {  	[tilespmem:$0x4E8] =	vst v0  }
0x4f: {  	[tilespmem:$0x4F8] =	vst v0  }
0x50: {  	[tilespmem:$0x508] =	vst v0  }
0x51: {  	[tilespmem:$0x518] =	vst v0  }
0x52: {  	[tilespmem:$0x528] =	vst v0  }
0x53: {  	[tilespmem:$0x538] =	vst v0  }
0x54: {  	[tilespmem:$0x548] =	vst v0  }
0x55: {  	[tilespmem:$0x558] =	vst v0  }
0x56: {  	[tilespmem:$0x568] =	vst v0  }
0x57: {  	[tilespmem:$0x578] =	vst v0  }
0x58: {  	[tilespmem:$0x588] =	vst v0  }
0x59: {  	[tilespmem:$0x598] =	vst v0  }
0x5a: {  	[tilespmem:$0x5A8] =	vst v0  }
0x5b: {  	[tilespmem:$0x5B8] =	vst v0  }
0x5c: {  	[tilespmem:$0x5C8] =	vst v0  }
0x5d: {  	[tilespmem:$0x5D8] =	vst v0  }
0x5e: {  	[tilespmem:$0x5E8] =	vst v0  }
0x5f: {  	[tilespmem:$0x5F8] =	vst v0  }
0x60: {  	[tilespmem:$0x608] =	vst v0  }
0x61: {  	[tilespmem:$0x618] =	vst v0  }
0x62: {  	[tilespmem:$0x628] =	vst v0  }
0x63: {  	[tilespmem:$0x638] =	vst v0  }
0x64: {  	[tilespmem:$0x648] =	vst v0  }
0x65: {  	[tilespmem:$0x658] =	vst v0  }
0x66: {  	[tilespmem:$0x668] =	vst v0  }
0x67: {  	[tilespmem:$0x678] =	vst v0  }
0x68: {  	[tilespmem:$0x688] =	vst v0  }
0x69: {  	[tilespmem:$0x698] =	vst v0  }
0x6a: {  	[tilespmem:$0x6A8] =	vst v0  }
0x6b: {  	[tilespmem:$0x6B8] =	vst v0  }
0x6c: {  	[tilespmem:$0x6C8] =	vst v0  }
0x6d: {  	[tilespmem:$0x6D8] =	vst v0  }
0x6e: {  	[tilespmem:$0x6E8] =	vst v0  }
0x6f: {  	[tilespmem:$0x6F8] =	vst v0  }
0x70: {  	[tilespmem:$0x708] =	vst v0  }
0x71: {  	[tilespmem:$0x718] =	vst v0  }
0x72: {  	[tilespmem:$0x728] =	vst v0  }
0x73: {  	[tilespmem:$0x738] =	vst v0  }
0x74: {  	[tilespmem:$0x748] =	vst v0  }
0x75: {  	[tilespmem:$0x758] =	vst v0  }
0x76: {  	[tilespmem:$0x768] =	vst v0  }
0x77: {  	[tilespmem:$0x778] =	vst v0  }
0x78: {  	[tilespmem:$0x788] =	vst v0  }
0x79: {  	[tilespmem:$0x798] =	vst v0  }
0x7a: {  	[tilespmem:$0x7A8] =	vst v0  }
0x7b: {  	[tilespmem:$0x7B8] =	vst v0  }
0x7c: {  	[tilespmem:$0x7C8] =	vst v0  }
0x7d: {  	[tilespmem:$0x7D8] =	vst v0  }
0x7e: {  	[tilespmem:$0x7E8] =	vst v0  }
0x7f: {  	[tilespmem:$0x7F8] =	vst v0  }
0x80: {  	[tilespmem:$0x808] =	vst v0  }
0x81: {  	[tilespmem:$0x818] =	vst v0  }
0x82: {  	[tilespmem:$0x828] =	vst v0  }
0x83: {  	[tilespmem:$0x838] =	vst v0  }
0x84: {  	[tilespmem:$0x848] =	vst v0  }
0x85: {  	[tilespmem:$0x858] =	vst v0  }
0x86: {  	[tilespmem:$0x868] =	vst v0  }
0x87: {  	[tilespmem:$0x878] =	vst v0  }
0x88: {  	[tilespmem:$0x888] =	vst v0  }
0x89: {  	[tilespmem:$0x898] =	vst v0  }
0x8a: {  	[tilespmem:$0x8A8] =	vst v0  }
0x8b: {  	[tilespmem:$0x8B8] =	vst v0  }
0x8c: {  	[tilespmem:$0x8C8] =	vst v0  }
0x8d: {  	[tilespmem:$0x8D8] =	vst v0  }
0x8e: {  	[tilespmem:$0x8E8] =	vst v0  }
0x8f: {  	[tilespmem:$0x8F8] =	vst v0  }
0x90: {  	[tilespmem:$0x908] =	vst v0  }
0x91: {  	[tilespmem:$0x918] =	vst v0  }
0x92: {  	[tilespmem:$0x928] =	vst v0  }
0x93: {  	[tilespmem:$0x938] =	vst v0  }
0x94: {  	[tilespmem:$0x948] =	vst v0  }
0x95: {  	[tilespmem:$0x958] =	vst v0  }
0x96: {  	[tilespmem:$0x968] =	vst v0  }
0x97: {  	[tilespmem:$0x978] =	vst v0  }
0x98: {  	[tilespmem:$0x988] =	vst v0  }
0x99: {  	[tilespmem:$0x998] =	vst v0  }
0x9a: {  	[tilespmem:$0x9A8] =	vst v0  }
0x9b: {  	[tilespmem:$0x9B8] =	vst v0  }
0x9c: {  	[tilespmem:$0x9C8] =	vst v0  }
0x9d: {  	[tilespmem:$0x9D8] =	vst v0  }
0x9e: {  	[tilespmem:$0x9E8] =	vst v0  }
0x9f: {  	[tilespmem:$0x9F8] =	vst v0  }
0xa0: {  	[tilespmem:$0xA08] =	vst v0  }
0xa1: {  	[tilespmem:$0xA18] =	vst v0  }
0xa2: {  	[tilespmem:$0xA28] =	vst v0  }
0xa3: {  	[tilespmem:$0xA38] =	vst v0  }
0xa4: {  	[tilespmem:$0xA48] =	vst v0  }
0xa5: {  	[tilespmem:$0xA58] =	vst v0  }
0xa6: {  	[tilespmem:$0xA68] =	vst v0  }
0xa7: {  	[tilespmem:$0xA78] =	vst v0  }
0xa8: {  	[tilespmem:$0xA88] =	vst v0  }
0xa9: {  	[tilespmem:$0xA98] =	vst v0  }
0xaa: {  	[tilespmem:$0xAA8] =	vst v0  }
0xab: {  	[tilespmem:$0xAB8] =	vst v0  }
0xac: {  	[tilespmem:$0xAC8] =	vst v0  }
0xad: {  	[tilespmem:$0xAD8] =	vst v0  }
0xae: {  	[tilespmem:$0xAE8] =	vst v0  }
0xaf: {  	[tilespmem:$0xAF8] =	vst v0  }
0xb0: {  	[tilespmem:$0xB08] =	vst v0  }
0xb1: {  	[tilespmem:$0xB18] =	vst v0  }
0xb2: {  	[tilespmem:$0xB28] =	vst v0  }
0xb3: {  	[tilespmem:$0xB38] =	vst v0  }
0xb4: {  	[tilespmem:$0xB48] =	vst v0  }
0xb5: {  	[tilespmem:$0xB58] =	vst v0  }
0xb6: {  	[tilespmem:$0xB68] =	vst v0  }
0xb7: {  	[tilespmem:$0xB78] =	vst v0  }
0xb8: {  	[tilespmem:$0xB88] =	vst v0  }
0xb9: {  	[tilespmem:$0xB98] =	vst v0  }
0xba: {  	[tilespmem:$0xBA8] =	vst v0  }
0xbb: {  	[tilespmem:$0xBB8] =	vst v0  }
0xbc: {  	[tilespmem:$0xBC8] =	vst v0  }
0xbd: {  	[tilespmem:$0xBD8] =	vst v0  }
0xbe: {  	[tilespmem:$0xBE8] =	vst v0  }
0xbf: {  	[tilespmem:$0xBF8] =	vst v0  }
0xc0: {  	[tilespmem:$0xC08] =	vst v0  }
0xc1: {  	[tilespmem:$0xC18] =	vst v0  }
0xc2: {  	[tilespmem:$0xC28] =	vst v0  }
0xc3: {  	[tilespmem:$0xC38] =	vst v0  }
0xc4: {  	[tilespmem:$0xC48] =	vst v0  }
0xc5: {  	[tilespmem:$0xC58] =	vst v0  }
0xc6: {  	[tilespmem:$0xC68] =	vst v0  }
0xc7: {  	[tilespmem:$0xC78] =	vst v0  }
0xc8: {  	[tilespmem:$0xC88] =	vst v0  }
0xc9: {  	[tilespmem:$0xC98] =	vst v0  }
0xca: {  	[tilespmem:$0xCA8] =	vst v0  }
0xcb: {  	[tilespmem:$0xCB8] =	vst v0  }
0xcc: {  	[tilespmem:$0xCC8] =	vst v0  }
0xcd: {  	[tilespmem:$0xCD8] =	vst v0  }
0xce: {  	[tilespmem:$0xCE8] =	vst v0  }
0xcf: {  	[tilespmem:$0xCF8] =	vst v0  }
0xd0: {  	[tilespmem:$0xD08] =	vst v0  }
0xd1: {  	[tilespmem:$0xD18] =	vst v0  }
0xd2: {  	[tilespmem:$0xD28] =	vst v0  }
0xd3: {  	[tilespmem:$0xD38] =	vst v0  }
0xd4: {  	[tilespmem:$0xD48] =	vst v0  }
0xd5: {  	[tilespmem:$0xD58] =	vst v0  }
0xd6: {  	[tilespmem:$0xD68] =	vst v0  }
0xd7: {  	[tilespmem:$0xD78] =	vst v0  }
0xd8: {  	[tilespmem:$0xD88] =	vst v0  }
0xd9: {  	[tilespmem:$0xD98] =	vst v0  }
0xda: {  	[tilespmem:$0xDA8] =	vst v0  }
0xdb: {  	[tilespmem:$0xDB8] =	vst v0  }
0xdc: {  	[tilespmem:$0xDC8] =	vst v0  }
0xdd: {  	[tilespmem:$0xDD8] =	vst v0  }
0xde: {  	[tilespmem:$0xDE8] =	vst v0  }
0xdf: {  	[tilespmem:$0xDF8] =	vst v0  }
0xe0: {  	[tilespmem:$0xE08] =	vst v0  }
0xe1: {  	[tilespmem:$0xE18] =	vst v0  }
0xe2: {  	[tilespmem:$0xE28] =	vst v0  }
0xe3: {  	[tilespmem:$0xE38] =	vst v0  }
0xe4: {  	[tilespmem:$0xE48] =	vst v0  }
0xe5: {  	[tilespmem:$0xE58] =	vst v0  }
0xe6: {  	[tilespmem:$0xE68] =	vst v0  }
0xe7: {  	[tilespmem:$0xE78] =	vst v0  }
0xe8: {  	[tilespmem:$0xE88] =	vst v0  }
0xe9: {  	[tilespmem:$0xE98] =	vst v0  }
0xea: {  	[tilespmem:$0xEA8] =	vst v0  }
0xeb: {  	[tilespmem:$0xEB8] =	vst v0  }
0xec: {  	[tilespmem:$0xEC8] =	vst v0  }
0xed: {  	[tilespmem:$0xED8] =	vst v0  }
0xee: {  	[tilespmem:$0xEE8] =	vst v0  }
0xef: {  	[tilespmem:$0xEF8] =	vst v0  }
0xf0: {  	[tilespmem:$0xF08] =	vst v0  }
0xf1: {  	[tilespmem:$0xF18] =	vst v0  }
0xf2: {  	[tilespmem:$0xF28] =	vst v0  }
0xf3: {  	[tilespmem:$0xF38] =	vst v0  }
0xf4: {  	[tilespmem:$0xF48] =	vst v0  }
0xf5: {  	[tilespmem:$0xF58] =	vst v0  }
0xf6: {  	[tilespmem:$0xF68] =	vst v0  }
0xf7: {  	[tilespmem:$0xF78] =	vst v0  }
0xf8: {  	[tilespmem:$0xF88] =	vst v0  }
0xf9: {  	[tilespmem:$0xF98] =	vst v0  }
0xfa: {  	[tilespmem:$0xFA8] =	vst v0  }
0xfb: {  	[tilespmem:$0xFB8] =	vst v0  }
0xfc: {  	[tilespmem:$0xFC8] =	vst v0  }
0xfd: {  	[tilespmem:$0xFD8] =	vst v0  }
0xfe: {  	[tilespmem:$0xFE8] =	vst v0  }
0xff: {  	[tilespmem:$0xFF8] =	vst v0  }
0x100: {  	[tilespmem:$0x1008] =	vst v0  }
0x101: {  	[tilespmem:$0x1018] =	vst v0  }
0x102: {  	[tilespmem:$0x1028] =	vst v0  }
0x103: {  	[tilespmem:$0x1168] =	vst v0  }
0x104: {  	[tilespmem:$0x1038] =	vst v0  }
0x105: {  	[tilespmem:$0x1048] =	vst v0  }
0x106: {  	[tilespmem:$0x1058] =	vst v0  }
0x107: {  	[tilespmem:$0x1068] =	vst v0  }
0x108: {  	[tilespmem:$0x1078] =	vst v0  }
0x109: {  	[tilespmem:$0x1088] =	vst v0  }
0x10a: {  	[tilespmem:$0x1098] =	vst v0  }
0x10b: {  	[tilespmem:$0x10A8] =	vst v0  }
0x10c: {  	[tilespmem:$0x10B8] =	vst v0  }
0x10d: {  	[tilespmem:$0x10C8] =	vst v0  }
0x10e: {  	[tilespmem:$0x10D8] =	vst v0  }
0x10f: {  	[tilespmem:$0x10E8] =	vst v0  }
0x110: {  	[tilespmem:$0x10F8] =	vst v0  }
0x111: {  	[tilespmem:$0x1108] =	vst v0  }
0x112: {  	[tilespmem:$0x1118] =	vst v0  }
0x113: {  	[tilespmem:$0x1128] =	vst v0  }
0x114: {  	[tilespmem:$0x1138] =	vst v0  }
0x115: {  	[tilespmem:$0x1148] =	vst v0  }
0x116: {  	[tilespmem:$0x1158] =	vst v0  }
0x117: {  	[tilespmem:$0x1178] =	vst v0  }
0x118: {  	[tilespmem:$0x1188] =	vst v0  }
0x119: {  	[tilespmem:$0x1198] =	vst v0  }
0x11a: {  	[tilespmem:$0x11A8] =	vst v0  }
0x11b: {  	[tilespmem:$0x11B8] =	vst v0  }
0x11c: {  	[tilespmem:$0x11C8] =	vst v0  }
0x11d: {  	[tilespmem:$0x11D8] =	vst v0  }
0x11e: {  	[tilespmem:$0x11E8] =	vst v0  }
0x11f: {  	[tilespmem:$0x11F8] =	vst v0  }
0x120: {  	[tilespmem:$0x1208] =	vst v0  }
0x121: {  	[tilespmem:$0x1218] =	vst v0  }
0x122: {  	[tilespmem:$0x1228] =	vst v0  }
0x123: {  	[tilespmem:$0x1238] =	vst v0  }
0x124: {  	[tilespmem:$0x1248] =	vst v0  }
0x125: {  	[tilespmem:$0x1258] =	vst v0  }
0x126: {  	[tilespmem:$0x1268] =	vst v0  }
0x127: {  	[tilespmem:$0x1278] =	vst v0  }
0x128: {  	[tilespmem:$0x1288] =	vst v0  }
0x129: {  	[tilespmem:$0x1298] =	vst v0  }
0x12a: {  	[tilespmem:$0x12A8] =	vst v0  }
0x12b: {  	[tilespmem:$0x12B8] =	vst v0  }
0x12c: {  	[tilespmem:$0x12C8] =	vst v0  }
0x12d: {  	[tilespmem:$0x12D8] =	vst v0  }
0x12e: {  	[tilespmem:$0x12E8] =	vst v0  }
0x12f: {  	[tilespmem:$0x12F8] =	vst v0  }
0x130: {  	[tilespmem:$0x1308] =	vst v0  }
0x131: {  	[tilespmem:$0x1318] =	vst v0  }
0x132: {  	[tilespmem:$0x1328] =	vst v0  }
0x133: {  	[tilespmem:$0x1338] =	vst v0  }
0x134: {  	[tilespmem:$0x1348] =	vst v0  }
0x135: {  	[tilespmem:$0x1358] =	vst v0  }
0x136: {  	[tilespmem:$0x1368] =	vst v0  }
0x137: {  	[tilespmem:$0x1378] =	vst v0  }
0x138: {  	[tilespmem:$0x1388] =	vst v0  }
0x139: {  	[tilespmem:$0x1398] =	vst v0  }
0x13a: {  	[tilespmem:$0x13A8] =	vst v0  }
0x13b: {  	[tilespmem:$0x13B8] =	vst v0  }
0x13c: {  	[tilespmem:$0x13C8] =	vst v0  }
0x13d: {  	[tilespmem:$0x13D8] =	vst v0  }
0x13e: {  	[tilespmem:$0x13E8] =	vst v0  }
0x13f: {  	[tilespmem:$0x13F8] =	vst v0  }
0x140: {  	[tilespmem:$0x1408] =	vst v0  }
0x141: {  	[tilespmem:$0x1418] =	vst v0  }
0x142: {  	[tilespmem:$0x1428] =	vst v0  }
0x143: {  	[tilespmem:$0x1438] =	vst v0  }
0x144: {  	[tilespmem:$0x1448] =	vst v0  }
0x145: {  	[tilespmem:$0x1458] =	vst v0  }
0x146: {  	[tilespmem:$0x1468] =	vst v0  }
0x147: {  	[tilespmem:$0x1478] =	vst v0  }
0x148: {  	[tilespmem:$0x1488] =	vst v0  }
0x149: {  	[tilespmem:$0x1498] =	vst v0  }
0x14a: {  	[tilespmem:$0x14A8] =	vst v0  }
0x14b: {  	[tilespmem:$0x14B8] =	vst v0  }
0x14c: {  	[tilespmem:$0x14C8] =	vst v0  }
0x14d: {  	[tilespmem:$0x14D8] =	vst v0  }
0x14e: {  	[tilespmem:$0x14E8] =	vst v0  }
0x14f: {  	[tilespmem:$0x14F8] =	vst v0  }
0x150: {  	[tilespmem:$0x1508] =	vst v0  }
0x151: {  	[tilespmem:$0x1518] =	vst v0  }
0x152: {  	[tilespmem:$0x1528] =	vst v0  }
0x153: {  	[tilespmem:$0x1538] =	vst v0  }
0x154: {  	[tilespmem:$0x1548] =	vst v0  }
0x155: {  	[tilespmem:$0x1558] =	vst v0  }
0x156: {  	[tilespmem:$0x1568] =	vst v0  }
0x157: {  	[tilespmem:$0x1578] =	vst v0  }
0x158: {  	[tilespmem:$0x1588] =	vst v0  }
0x159: {  	[tilespmem:$0x1598] =	vst v0  }
0x15a: {  	[tilespmem:$0x15A8] =	vst v0  }
0x15b: {  	[tilespmem:$0x15B8] =	vst v0  }
0x15c: {  	[tilespmem:$0x15C8] =	vst v0  }
0x15d: {  	[tilespmem:$0x15D8] =	vst v0  }
0x15e: {  	[tilespmem:$0x15E8] =	vst v0  }
0x15f: {  	[tilespmem:$0x15F8] =	vst v0  }
0x160: {  	[tilespmem:$0x1608] =	vst v0  }
0x161: {  	[tilespmem:$0x1618] =	vst v0  }
0x162: {  	[tilespmem:$0x1628] =	vst v0  }
0x163: {  	[tilespmem:$0x1638] =	vst v0  }
0x164: {  	[tilespmem:$0x1648] =	vst v0  }
0x165: {  	[tilespmem:$0x1658] =	vst v0  }
0x166: {  	[tilespmem:$0x1668] =	vst v0  }
0x167: {  	[tilespmem:$0x1678] =	vst v0  }
0x168: {  	[tilespmem:$0x1688] =	vst v0  }
0x169: {  	[tilespmem:$0x1698] =	vst v0  }
0x16a: {  	[tilespmem:$0x16A8] =	vst v0  }
0x16b: {  	[tilespmem:$0x16B8] =	vst v0  }
0x16c: {  	[tilespmem:$0x16C8] =	vst v0  }
0x16d: {  	[tilespmem:$0x16D8] =	vst v0  }
0x16e: {  	[tilespmem:$0x16E8] =	vst v0  }
0x16f: {  	[tilespmem:$0x16F8] =	vst v0  }
0x170: {  	[tilespmem:$0x1708] =	vst v0  }
0x171: {  	[tilespmem:$0x1718] =	vst v0  }
0x172: {  	[tilespmem:$0x1728] =	vst v0  }
0x173: {  	[tilespmem:$0x1738] =	vst v0  }
0x174: {  	[tilespmem:$0x1748] =	vst v0  }
0x175: {  	[tilespmem:$0x1758] =	vst v0  }
0x176: {  	[tilespmem:$0x1768] =	vst v0  }
0x177: {  	[tilespmem:$0x1778] =	vst v0  }
0x178: {  	[tilespmem:$0x1788] =	vst v0  }
0x179: {  	[tilespmem:$0x1798] =	vst v0  }
0x17a: {  	[tilespmem:$0x17A8] =	vst v0  }
0x17b: {  	[tilespmem:$0x17B8] =	vst v0  }
0x17c: {  	[tilespmem:$0x17C8] =	vst v0  }
0x17d: {  	[tilespmem:$0x17D8] =	vst v0  }
0x17e: {  	[tilespmem:$0x17E8] =	vst v0  }
0x17f: {  	[tilespmem:$0x17F8] =	vst v0  }
0x180: {  	[tilespmem:$0x1808] =	vst v0  }
0x181: {  	[tilespmem:$0x1818] =	vst v0  }
0x182: {  	[tilespmem:$0x1828] =	vst v0  }
0x183: {  	[tilespmem:$0x1838] =	vst v0  }
0x184: {  	[tilespmem:$0x1848] =	vst v0  }
0x185: {  	[tilespmem:$0x1858] =	vst v0  }
0x186: {  	[tilespmem:$0x1868] =	vst v0  }
0x187: {  	[tilespmem:$0x1878] =	vst v0  }
0x188: {  	[tilespmem:$0x1888] =	vst v0  }
0x189: {  	[tilespmem:$0x1898] =	vst v0  }
0x18a: {  	[tilespmem:$0x18A8] =	vst v0  }
0x18b: {  	[tilespmem:$0x18B8] =	vst v0  }
0x18c: {  	[tilespmem:$0x18C8] =	vst v0  }
0x18d: {  	[tilespmem:$0x18D8] =	vst v0  }
0x18e: {  	[tilespmem:$0x18E8] =	vst v0  }
0x18f: {  	[tilespmem:$0x18F8] =	vst v0  }
0x190: {  	[tilespmem:$0x1908] =	vst v0  }
0x191: {  	[tilespmem:$0x1918] =	vst v0  }
0x192: {  	[tilespmem:$0x1928] =	vst v0  }
0x193: {  	[tilespmem:$0x1938] =	vst v0  }
0x194: {  	[tilespmem:$0x1948] =	vst v0  }
0x195: {  	[tilespmem:$0x1958] =	vst v0  }
0x196: {  	[tilespmem:$0x1968] =	vst v0  }
0x197: {  	[tilespmem:$0x1978] =	vst v0  }
0x198: {  	[tilespmem:$0x1988] =	vst v0  }
0x199: {  	[tilespmem:$0x1998] =	vst v0  }
0x19a: {  	[tilespmem:$0x19A8] =	vst v0  }
0x19b: {  	[tilespmem:$0x19B8] =	vst v0  }
0x19c: {  	[tilespmem:$0x19C8] =	vst v0  }
0x19d: {  	[tilespmem:$0x19D8] =	vst v0  }
0x19e: {  	[tilespmem:$0x19E8] =	vst v0  }
0x19f: {  	[tilespmem:$0x19F8] =	vst v0  }
0x1a0: {  	[tilespmem:$0x1A08] =	vst v0  }
0x1a1: {  	[tilespmem:$0x1A18] =	vst v0  }
0x1a2: {  	[tilespmem:$0x1A28] =	vst v0  }
0x1a3: {  	[tilespmem:$0x1A38] =	vst v0  }
0x1a4: {  	[tilespmem:$0x1A48] =	vst v0  }
0x1a5: {  	[tilespmem:$0x1A58] =	vst v0  }
0x1a6: {  	[tilespmem:$0x1A68] =	vst v0  }
0x1a7: {  	[tilespmem:$0x1A78] =	vst v0  }
0x1a8: {  	[tilespmem:$0x1A88] =	vst v0  }
0x1a9: {  	[tilespmem:$0x1A98] =	vst v0  }
0x1aa: {  	[tilespmem:$0x1AA8] =	vst v0  }
0x1ab: {  	[tilespmem:$0x1AB8] =	vst v0  }
0x1ac: {  	[tilespmem:$0x1AC8] =	vst v0  }
0x1ad: {  	[tilespmem:$0x1AD8] =	vst v0  }
0x1ae: {  	[tilespmem:$0x1AE8] =	vst v0  }
0x1af: {  	[tilespmem:$0x1AF8] =	vst v0  }
0x1b0: {  	[tilespmem:$0x1B08] =	vst v0  }
0x1b1: {  	[tilespmem:$0x1B18] =	vst v0  }
0x1b2: {  	[tilespmem:$0x1B28] =	vst v0  }
0x1b3: {  	[tilespmem:$0x1B38] =	vst v0  }
0x1b4: {  	[tilespmem:$0x1B48] =	vst v0  }
0x1b5: {  	[tilespmem:$0x1B58] =	vst v0  }
0x1b6: {  	[tilespmem:$0x1B68] =	vst v0  }
0x1b7: {  	[tilespmem:$0x1B78] =	vst v0  }
0x1b8: {  	[tilespmem:$0x1B88] =	vst v0  }
0x1b9: {  	[tilespmem:$0x1B98] =	vst v0  }
0x1ba: {  	[tilespmem:$0x1BA8] =	vst v0  }
0x1bb: {  	[tilespmem:$0x1BB8] =	vst v0  }
0x1bc: {  	[tilespmem:$0x1BC8] =	vst v0  }
0x1bd: {  	[tilespmem:$0x1BD8] =	vst v0  }
0x1be: {  	[tilespmem:$0x1BE8] =	vst v0  }
0x1bf: {  	[tilespmem:$0x1BF8] =	vst v0  }
0x1c0: {  	[tilespmem:$0x1C08] =	vst v0  }
0x1c1: {  	[tilespmem:$0x1C18] =	vst v0  }
0x1c2: {  	[tilespmem:$0x1C28] =	vst v0  }
0x1c3: {  	[tilespmem:$0x1C38] =	vst v0  }
0x1c4: {  	[tilespmem:$0x1C48] =	vst v0  }
0x1c5: {  	[tilespmem:$0x1C58] =	vst v0  }
0x1c6: {  	[tilespmem:$0x1C68] =	vst v0  }
0x1c7: {  	[tilespmem:$0x1C78] =	vst v0  }
0x1c8: {  	[tilespmem:$0x1C88] =	vst v0  }
0x1c9: {  	[tilespmem:$0x1C98] =	vst v0  }
0x1ca: {  	[tilespmem:$0x1CA8] =	vst v0  }
0x1cb: {  	[tilespmem:$0x1CB8] =	vst v0  }
0x1cc: {  	[tilespmem:$0x1CC8] =	vst v0  }
0x1cd: {  	[tilespmem:$0x1CD8] =	vst v0  }
0x1ce: {  	[tilespmem:$0x1CE8] =	vst v0  }
0x1cf: {  	[tilespmem:$0x1CF8] =	vst v0  }
0x1d0: {  	[tilespmem:$0x1D08] =	vst v0  }
0x1d1: {  	[tilespmem:$0x1D18] =	vst v0  }
0x1d2: {  	[tilespmem:$0x1D28] =	vst v0  }
0x1d3: {  	[tilespmem:$0x1D38] =	vst v0  }
0x1d4: {  	[tilespmem:$0x1D48] =	vst v0  }
0x1d5: {  	[tilespmem:$0x1D58] =	vst v0  }
0x1d6: {  	[tilespmem:$0x1D68] =	vst v0  }
0x1d7: {  	[tilespmem:$0x1D78] =	vst v0  }
0x1d8: {  	[tilespmem:$0x1D88] =	vst v0  }
0x1d9: {  	[tilespmem:$0x1D98] =	vst v0  }
0x1da: {  	[tilespmem:$0x1DA8] =	vst v0  }
0x1db: {  	[tilespmem:$0x1DB8] =	vst v0  }
0x1dc: {  	[tilespmem:$0x1DC8] =	vst v0  }
0x1dd: {  	[tilespmem:$0x1DD8] =	vst v0  }
0x1de: {  	[tilespmem:$0x1DE8] =	vst v0  }
0x1df: {  	[tilespmem:$0x1DF8] =	vst v0  }
0x1e0: {  	[tilespmem:$0x1E08] =	vst v0  }
0x1e1: {  	[tilespmem:$0x1E18] =	vst v0  }
0x1e2: {  	[tilespmem:$0x1E28] =	vst v0  }
0x1e3: {  	[tilespmem:$0x1E38] =	vst v0  }
0x1e4: {  	[tilespmem:$0x1E48] =	vst v0  }
0x1e5: {  	[tilespmem:$0x1E58] =	vst v0  }
0x1e6: {  	[tilespmem:$0x1E68] =	vst v0  }
0x1e7: {  	[tilespmem:$0x1E78] =	vst v0  }
0x1e8: {  	[tilespmem:$0x1E88] =	vst v0  }
0x1e9: {  	[tilespmem:$0x1E98] =	vst v0  }
0x1ea: {  	[tilespmem:$0x1EA8] =	vst v0  }
0x1eb: {  	[tilespmem:$0x1EB8] =	vst v0  }
0x1ec: {  	[tilespmem:$0x1EC8] =	vst v0  }
0x1ed: {  	[tilespmem:$0x1ED8] =	vst v0  }
0x1ee: {  	[tilespmem:$0x1EE8] =	vst v0  }
0x1ef: {  	[tilespmem:$0x1EF8] =	vst v0  }
0x1f0: {  	[tilespmem:$0x1F08] =	vst v0  }
0x1f1: {  	[tilespmem:$0x1F18] =	vst v0  }
0x1f2: {  	[tilespmem:$0x1F28] =	vst v0  }
0x1f3: {  	[tilespmem:$0x1F38] =	vst v0  }
0x1f4: {  	[tilespmem:$0x1F48] =	vst v0  }
0x1f5: {  	[tilespmem:$0x1F58] =	vst v0  }
0x1f6: {  	[tilespmem:$0x1F68] =	vst v0  }
0x1f7: {  	[tilespmem:$0x1F78] =	vst v0  }
0x1f8: {  	[tilespmem:$0x1F88] =	vst v0  }
0x1f9: {  	[tilespmem:$0x1F98] =	vst v0  }
0x1fa: {  	[tilespmem:$0x1FA8] =	vst v0  }
0x1fb: {  	[tilespmem:$0x1FB8] =	vst v0  }
0x1fc: {  	[tilespmem:$0x1FC8] =	vst v0  }
0x1fd: {  	[tilespmem:$0x1FD8] =	vst v0  }
0x1fe: {  	[tilespmem:$0x1FE8] =	vst v0  }
0x1ff: {  	[tilespmem:$0x1FF8] =	vst v0  }
0x200: {  	[tilespmem:$0x2008] =	vst v0  }
0x201: {  	[tilespmem:$0x2018] =	vst v0  }
0x202: {  	[tilespmem:$0x2028] =	vst v0  }
0x203: {  	[tilespmem:$0x2038] =	vst v0  }
0x204: {  	[tilespmem:$0x2048] =	vst v0  }
0x205: {  	[tilespmem:$0x2058] =	vst v0  }
0x206: {  	[tilespmem:$0x2068] =	vst v0  }
0x207: {  	[tilespmem:$0x2078] =	vst v0  }
0x208: {  	[tilespmem:$0x2088] =	vst v0  }
0x209: {  	[tilespmem:$0x2098] =	vst v0  }
0x20a: {  	[tilespmem:$0x20A8] =	vst v0  }
0x20b: {  	[tilespmem:$0x20B8] =	vst v0  }
0x20c: {  	[tilespmem:$0x20C8] =	vst v0  }
0x20d: {  	[tilespmem:$0x20D8] =	vst v0  }
0x20e: {  	[tilespmem:$0x20E8] =	vst v0  }
0x20f: {  	[tilespmem:$0x20F8] =	vst v0  }
0x210: {  	[tilespmem:$0x2108] =	vst v0  }
0x211: {  	[tilespmem:$0x2118] =	vst v0  }
0x212: {  	[tilespmem:$0x2128] =	vst v0  }
0x213: {  	[tilespmem:$0x2138] =	vst v0  }
0x214: {  	[tilespmem:$0x2148] =	vst v0  }
0x215: {  	[tilespmem:$0x2158] =	vst v0  }
0x216: {  	[tilespmem:$0x2168] =	vst v0  }
0x217: {  	[tilespmem:$0x2218] =	vst v0  }
0x218: {  	[tilespmem:$0x3058] =	vst v0  }
0x219: {  	[tilespmem:$0x3048] =	vst v0  }
0x21a: {  	[tilespmem:$0x3038] =	vst v0  }
0x21b: {  	[tilespmem:$0x3028] =	vst v0  }
0x21c: {  	[tilespmem:$0x3018] =	vst v0  }
0x21d: {  	[tilespmem:$0x3008] =	vst v0  }
0x21e: {  	[tilespmem:$0x2FF8] =	vst v0  }
0x21f: {  	[tilespmem:$0x2FE8] =	vst v0  }
0x220: {  	[tilespmem:$0x2FD8] =	vst v0  }
0x221: {  	[tilespmem:$0x2FC8] =	vst v0  }
0x222: {  	[tilespmem:$0x2FB8] =	vst v0  }
0x223: {  	[tilespmem:$0x2FA8] =	vst v0  }
0x224: {  	[tilespmem:$0x2F98] =	vst v0  }
0x225: {  	[tilespmem:$0x2F88] =	vst v0  }
0x226: {  	[tilespmem:$0x2F78] =	vst v0  }
0x227: {  	[tilespmem:$0x2F68] =	vst v0  }
0x228: {  	[tilespmem:$0x2F58] =	vst v0  }
0x229: {  	[tilespmem:$0x2F48] =	vst v0  }
0x22a: {  	[tilespmem:$0x2F38] =	vst v0  }
0x22b: {  	[tilespmem:$0x2F28] =	vst v0  }
0x22c: {  	[tilespmem:$0x2F18] =	vst v0  }
0x22d: {  	[tilespmem:$0x2F08] =	vst v0  }
0x22e: {  	[tilespmem:$0x2EF8] =	vst v0  }
0x22f: {  	[tilespmem:$0x2EE8] =	vst v0  }
0x230: {  	[tilespmem:$0x2ED8] =	vst v0  }
0x231: {  	[tilespmem:$0x2EC8] =	vst v0  }
0x232: {  	[tilespmem:$0x2EB8] =	vst v0  }
0x233: {  	[tilespmem:$0x2EA8] =	vst v0  }
0x234: {  	[tilespmem:$0x2E98] =	vst v0  }
0x235: {  	[tilespmem:$0x2E88] =	vst v0  }
0x236: {  	[tilespmem:$0x2E78] =	vst v0  }
0x237: {  	[tilespmem:$0x2E68] =	vst v0  }
0x238: {  	[tilespmem:$0x2E58] =	vst v0  }
0x239: {  	[tilespmem:$0x2E48] =	vst v0  }
0x23a: {  	[tilespmem:$0x2E38] =	vst v0  }
0x23b: {  	[tilespmem:$0x2E28] =	vst v0  }
0x23c: {  	[tilespmem:$0x2E18] =	vst v0  }
0x23d: {  	[tilespmem:$0x2E08] =	vst v0  }
0x23e: {  	[tilespmem:$0x2DF8] =	vst v0  }
0x23f: {  	[tilespmem:$0x2DE8] =	vst v0  }
0x240: {  	[tilespmem:$0x2DD8] =	vst v0  }
0x241: {  	[tilespmem:$0x2DC8] =	vst v0  }
0x242: {  	[tilespmem:$0x2DB8] =	vst v0  }
0x243: {  	[tilespmem:$0x2DA8] =	vst v0  }
0x244: {  	[tilespmem:$0x2D98] =	vst v0  }
0x245: {  	[tilespmem:$0x2D88] =	vst v0  }
0x246: {  	[tilespmem:$0x2D78] =	vst v0  }
0x247: {  	[tilespmem:$0x2D68] =	vst v0  }
0x248: {  	[tilespmem:$0x2D58] =	vst v0  }
0x249: {  	[tilespmem:$0x2D48] =	vst v0  }
0x24a: {  	[tilespmem:$0x2D38] =	vst v0  }
0x24b: {  	[tilespmem:$0x2D28] =	vst v0  }
0x24c: {  	[tilespmem:$0x2D18] =	vst v0  }
0x24d: {  	[tilespmem:$0x2D08] =	vst v0  }
0x24e: {  	[tilespmem:$0x2CF8] =	vst v0  }
0x24f: {  	[tilespmem:$0x2CE8] =	vst v0  }
0x250: {  	[tilespmem:$0x2CD8] =	vst v0  }
0x251: {  	[tilespmem:$0x2CC8] =	vst v0  }
0x252: {  	[tilespmem:$0x2CB8] =	vst v0  }
0x253: {  	[tilespmem:$0x2CA8] =	vst v0  }
0x254: {  	[tilespmem:$0x2C98] =	vst v0  }
0x255: {  	[tilespmem:$0x2C88] =	vst v0  }
0x256: {  	[tilespmem:$0x2C78] =	vst v0  }
0x257: {  	[tilespmem:$0x2C68] =	vst v0  }
0x258: {  	[tilespmem:$0x2C58] =	vst v0  }
0x259: {  	[tilespmem:$0x2C48] =	vst v0  }
0x25a: {  	[tilespmem:$0x2C38] =	vst v0  }
0x25b: {  	[tilespmem:$0x2C28] =	vst v0  }
0x25c: {  	[tilespmem:$0x2C18] =	vst v0  }
0x25d: {  	[tilespmem:$0x2C08] =	vst v0  }
0x25e: {  	[tilespmem:$0x2BF8] =	vst v0  }
0x25f: {  	[tilespmem:$0x2BE8] =	vst v0  }
0x260: {  	[tilespmem:$0x2BD8] =	vst v0  }
0x261: {  	[tilespmem:$0x2BC8] =	vst v0  }
0x262: {  	[tilespmem:$0x2BB8] =	vst v0  }
0x263: {  	[tilespmem:$0x2BA8] =	vst v0  }
0x264: {  	[tilespmem:$0x2B98] =	vst v0  }
0x265: {  	[tilespmem:$0x2B88] =	vst v0  }
0x266: {  	[tilespmem:$0x2B78] =	vst v0  }
0x267: {  	[tilespmem:$0x2B68] =	vst v0  }
0x268: {  	[tilespmem:$0x2B58] =	vst v0  }
0x269: {  	[tilespmem:$0x2B48] =	vst v0  }
0x26a: {  	[tilespmem:$0x2B38] =	vst v0  }
0x26b: {  	[tilespmem:$0x2B28] =	vst v0  }
0x26c: {  	[tilespmem:$0x2B18] =	vst v0  }
0x26d: {  	[tilespmem:$0x2B08] =	vst v0  }
0x26e: {  	[tilespmem:$0x2AF8] =	vst v0  }
0x26f: {  	[tilespmem:$0x2AE8] =	vst v0  }
0x270: {  	[tilespmem:$0x2AD8] =	vst v0  }
0x271: {  	[tilespmem:$0x2AC8] =	vst v0  }
0x272: {  	[tilespmem:$0x2AB8] =	vst v0  }
0x273: {  	[tilespmem:$0x2AA8] =	vst v0  }
0x274: {  	[tilespmem:$0x2A98] =	vst v0  }
0x275: {  	[tilespmem:$0x2A88] =	vst v0  }
0x276: {  	[tilespmem:$0x2A78] =	vst v0  }
0x277: {  	[tilespmem:$0x2A68] =	vst v0  }
0x278: {  	[tilespmem:$0x2A58] =	vst v0  }
0x279: {  	[tilespmem:$0x2A48] =	vst v0  }
0x27a: {  	[tilespmem:$0x2A38] =	vst v0  }
0x27b: {  	[tilespmem:$0x2A28] =	vst v0  }
0x27c: {  	[tilespmem:$0x2A18] =	vst v0  }
0x27d: {  	[tilespmem:$0x2A08] =	vst v0  }
0x27e: {  	[tilespmem:$0x29F8] =	vst v0  }
0x27f: {  	[tilespmem:$0x29E8] =	vst v0  }
0x280: {  	[tilespmem:$0x29D8] =	vst v0  }
0x281: {  	[tilespmem:$0x29C8] =	vst v0  }
0x282: {  	[tilespmem:$0x29B8] =	vst v0  }
0x283: {  	[tilespmem:$0x29A8] =	vst v0  }
0x284: {  	[tilespmem:$0x2998] =	vst v0  }
0x285: {  	[tilespmem:$0x2988] =	vst v0  }
0x286: {  	[tilespmem:$0x2978] =	vst v0  }
0x287: {  	[tilespmem:$0x2968] =	vst v0  }
0x288: {  	[tilespmem:$0x2958] =	vst v0  }
0x289: {  	[tilespmem:$0x2948] =	vst v0  }
0x28a: {  	[tilespmem:$0x2938] =	vst v0  }
0x28b: {  	[tilespmem:$0x2928] =	vst v0  }
0x28c: {  	[tilespmem:$0x2918] =	vst v0  }
0x28d: {  	[tilespmem:$0x2908] =	vst v0  }
0x28e: {  	[tilespmem:$0x28F8] =	vst v0  }
0x28f: {  	[tilespmem:$0x28E8] =	vst v0  }
0x290: {  	[tilespmem:$0x28D8] =	vst v0  }
0x291: {  	[tilespmem:$0x28C8] =	vst v0  }
0x292: {  	[tilespmem:$0x28B8] =	vst v0  }
0x293: {  	[tilespmem:$0x28A8] =	vst v0  }
0x294: {  	[tilespmem:$0x2898] =	vst v0  }
0x295: {  	[tilespmem:$0x2888] =	vst v0  }
0x296: {  	[tilespmem:$0x2878] =	vst v0  }
0x297: {  	[tilespmem:$0x2868] =	vst v0  }
0x298: {  	[tilespmem:$0x2858] =	vst v0  }
0x299: {  	[tilespmem:$0x2848] =	vst v0  }
0x29a: {  	[tilespmem:$0x2838] =	vst v0  }
0x29b: {  	[tilespmem:$0x2828] =	vst v0  }
0x29c: {  	[tilespmem:$0x2818] =	vst v0  }
0x29d: {  	[tilespmem:$0x2808] =	vst v0  }
0x29e: {  	[tilespmem:$0x27F8] =	vst v0  }
0x29f: {  	[tilespmem:$0x27E8] =	vst v0  }
0x2a0: {  	[tilespmem:$0x27D8] =	vst v0  }
0x2a1: {  	[tilespmem:$0x27C8] =	vst v0  }
0x2a2: {  	[tilespmem:$0x27B8] =	vst v0  }
0x2a3: {  	[tilespmem:$0x27A8] =	vst v0  }
0x2a4: {  	[tilespmem:$0x2798] =	vst v0  }
0x2a5: {  	[tilespmem:$0x2788] =	vst v0  }
0x2a6: {  	[tilespmem:$0x2778] =	vst v0  }
0x2a7: {  	[tilespmem:$0x2768] =	vst v0  }
0x2a8: {  	[tilespmem:$0x2758] =	vst v0  }
0x2a9: {  	[tilespmem:$0x2748] =	vst v0  }
0x2aa: {  	[tilespmem:$0x2738] =	vst v0  }
0x2ab: {  	[tilespmem:$0x2728] =	vst v0  }
0x2ac: {  	[tilespmem:$0x2718] =	vst v0  }
0x2ad: {  	[tilespmem:$0x2708] =	vst v0  }
0x2ae: {  	[tilespmem:$0x26F8] =	vst v0  }
0x2af: {  	[tilespmem:$0x26E8] =	vst v0  }
0x2b0: {  	[tilespmem:$0x26D8] =	vst v0  }
0x2b1: {  	[tilespmem:$0x26C8] =	vst v0  }
0x2b2: {  	[tilespmem:$0x26B8] =	vst v0  }
0x2b3: {  	[tilespmem:$0x26A8] =	vst v0  }
0x2b4: {  	[tilespmem:$0x2698] =	vst v0  }
0x2b5: {  	[tilespmem:$0x2688] =	vst v0  }
0x2b6: {  	[tilespmem:$0x2678] =	vst v0  }
0x2b7: {  	[tilespmem:$0x2668] =	vst v0  }
0x2b8: {  	[tilespmem:$0x2658] =	vst v0  }
0x2b9: {  	[tilespmem:$0x2648] =	vst v0  }
0x2ba: {  	[tilespmem:$0x2638] =	vst v0  }
0x2bb: {  	[tilespmem:$0x2628] =	vst v0  }
0x2bc: {  	[tilespmem:$0x2618] =	vst v0  }
0x2bd: {  	[tilespmem:$0x2608] =	vst v0  }
0x2be: {  	[tilespmem:$0x25F8] =	vst v0  }
0x2bf: {  	[tilespmem:$0x25E8] =	vst v0  }
0x2c0: {  	[tilespmem:$0x25D8] =	vst v0  }
0x2c1: {  	[tilespmem:$0x25C8] =	vst v0  }
0x2c2: {  	[tilespmem:$0x25B8] =	vst v0  }
0x2c3: {  	[tilespmem:$0x25A8] =	vst v0  }
0x2c4: {  	[tilespmem:$0x2598] =	vst v0  }
0x2c5: {  	[tilespmem:$0x2588] =	vst v0  }
0x2c6: {  	[tilespmem:$0x2578] =	vst v0  }
0x2c7: {  	[tilespmem:$0x2568] =	vst v0  }
0x2c8: {  	[tilespmem:$0x2558] =	vst v0  }
0x2c9: {  	[tilespmem:$0x2548] =	vst v0  }
0x2ca: {  	[tilespmem:$0x2538] =	vst v0  }
0x2cb: {  	[tilespmem:$0x2528] =	vst v0  }
0x2cc: {  	[tilespmem:$0x2518] =	vst v0  }
0x2cd: {  	[tilespmem:$0x2508] =	vst v0  }
0x2ce: {  	[tilespmem:$0x24F8] =	vst v0  }
0x2cf: {  	[tilespmem:$0x24E8] =	vst v0  }
0x2d0: {  	[tilespmem:$0x24D8] =	vst v0  }
0x2d1: {  	[tilespmem:$0x24C8] =	vst v0  }
0x2d2: {  	[tilespmem:$0x24B8] =	vst v0  }
0x2d3: {  	[tilespmem:$0x24A8] =	vst v0  }
0x2d4: {  	[tilespmem:$0x2498] =	vst v0  }
0x2d5: {  	[tilespmem:$0x2488] =	vst v0  }
0x2d6: {  	[tilespmem:$0x2478] =	vst v0  }
0x2d7: {  	[tilespmem:$0x2468] =	vst v0  }
0x2d8: {  	[tilespmem:$0x2458] =	vst v0  }
0x2d9: {  	[tilespmem:$0x2448] =	vst v0  }
0x2da: {  	[tilespmem:$0x2438] =	vst v0  }
0x2db: {  	[tilespmem:$0x2428] =	vst v0  }
0x2dc: {  	[tilespmem:$0x2418] =	vst v0  }
0x2dd: {  	[tilespmem:$0x2408] =	vst v0  }
0x2de: {  	[tilespmem:$0x23F8] =	vst v0  }
0x2df: {  	[tilespmem:$0x23E8] =	vst v0  }
0x2e0: {  	[tilespmem:$0x23D8] =	vst v0  }
0x2e1: {  	[tilespmem:$0x23C8] =	vst v0  }
0x2e2: {  	[tilespmem:$0x23B8] =	vst v0  }
0x2e3: {  	[tilespmem:$0x23A8] =	vst v0  }
0x2e4: {  	[tilespmem:$0x2398] =	vst v0  }
0x2e5: {  	[tilespmem:$0x2388] =	vst v0  }
0x2e6: {  	[tilespmem:$0x2378] =	vst v0  }
0x2e7: {  	[tilespmem:$0x2368] =	vst v0  }
0x2e8: {  	[tilespmem:$0x2358] =	vst v0  }
0x2e9: {  	[tilespmem:$0x2348] =	vst v0  }
0x2ea: {  	[tilespmem:$0x2338] =	vst v0  }
0x2eb: {  	[tilespmem:$0x2328] =	vst v0  }
0x2ec: {  	[tilespmem:$0x2318] =	vst v0  }
0x2ed: {  	[tilespmem:$0x2308] =	vst v0  }
0x2ee: {  	[tilespmem:$0x22F8] =	vst v0  }
0x2ef: {  	[tilespmem:$0x22E8] =	vst v0  }
0x2f0: {  	[tilespmem:$0x22D8] =	vst v0  }
0x2f1: {  	[tilespmem:$0x22C8] =	vst v0  }
0x2f2: {  	[tilespmem:$0x22B8] =	vst v0  }
0x2f3: {  	[tilespmem:$0x22A8] =	vst v0  }
0x2f4: {  	[tilespmem:$0x2298] =	vst v0  }
0x2f5: {  	[tilespmem:$0x2288] =	vst v0  }
0x2f6: {  	[tilespmem:$0x2278] =	vst v0  }
0x2f7: {  	s10 =	stileid.u32;
	[tilespmem:$0x2268] =	vst v0  }
0x2f8: {  	s0 =	smul.u32 $0x82, s10;
	[tilespmem:$0x2258] =	vst v0  }
0x2f9: {  	s1 =	smin.u32 s10, $0x4;
	[tilespmem:$0x2248] =	vst v0  }
0x2fa: {  	[tilespmem:$0x2238] =	vst v0;
	s0 =	sadd.s32 s1, s0  }
0x2fb: {  	p0 =	slt.u32 s10, $0x4;
	[tilespmem:$0x2228] =	vst v0;
	s1 =	simm.s32 $0xC480;
	s8 =	smul.u32 $0x180, s0  }
0x2fc: {  	s1 =	simm.s32 @!p0 $0xC300;
	[tilespmem:$0x21F8] =	vst v0  }
0x2fd: {  	[tilespmem:$0x2208] =	vst v0;
	s0 =	sadd.s32 s1, s8  }
0x2fe: {  	s4 =	simm.s32 $0x2;
	[tilespmem:$0x21E8] =	vst v0;
	s9 =	smin.u32 s0, $0xC3500  }
0x2ff: {  	s31 =	simm.s32 $0x9;
	s5 =	simm.s32 $0xA;
	[tilespmem:$0x2188] =	vst v0;
	s0 =	ssub.s32 s9, s8  }
0x300: {  	s12 =	simm.s32 $0xB;
	s18 =	simm.s32 $0x0;
	[tilespmem:$0x21D8] =	vst v0;
	p0 =	sgt.s32 s0, $0x0  }
0x301: {  	p1 =	por $0x0, $0x0;
	s19 =	simm.s32 $0xC;
	[tilespmem:$0x21C8] =	vst v0;
	s0 =	simm.s32 @!p0 $0x0  }
0x302: {  	s23 =	simm.s32 $0x0;
	s20 =	simm.s32 $0x0;
	[tilespmem:$0x21B8] =	vst v0;
	s30 =	smulhi.u32 $0x2AAAAAAB, s0  }
0x303: {  	s22 =	simm.s32 $0x0;
	s2 =	sand.u32 $0x1, s2;
	s16 =	sshll.u32 s10, $0x6;
	[tilespmem:$0x21A8] =	vst v0  }
0x304: {  	s1 =	sshrl.u32 s30, $0x6;
	[tilespmem:$0x2198] =	vst v0;
	[dreg:$0x4] =	wrdreg s2;
	s2 =	smul.u32 $0x186A0, s2  }
0x305: {  	[tilespmem:$0x2178] =	vst v0;
	[sflag:s4] =	ssyncpa.u1 $0x0;
	v0 =	vimm.s32 $0xFFFFFFFF;
	s4 =	sadd.s32 $0x2AEA00, s7;
	s6 =	smul.u32 $0x180, s1  }
.Ltmp0:
0x306: {  	[tilespmem:$0x6088] =	vst v0;
	[sflag:s31] =	ssyncpa.u1 $0x0;
	s2 =	sadd.s32 s2, s7;
	(pc) =	sbr.rel .LBB2_1-.Ltmp0, $4  }
0x307: {  	[sflag:s5] =	ssyncpa.u1 $0x0;
	p0 =	sne.s32 s0, s6;
	s0 =	simm.s32 $0x1  }
0x308: {  	s7 =	sadd.s32 $0x237CE00, s7;
	[sflag:s12] =	ssyncpa.u1 $0x0;
	s0 =	simm.s32 @!p0 $0x0  }
0x309: {  	s14 =	sadd.s32 $0x27DC00, s2;
	s15 =	sadd.s32 $0x24CE00, s2;
	s13 =	sadd.s32 s0, s1  }
0x30a: {  	v0 =	vlaneseq.u32;
	s21 =	smov.u32 s8;
	p0 =	por $0x1, $0x1;
	s17 =	sadd.s32 $0x1, s13  }
.LBB2_22:
0x30b: {  	s0 =	sshrl.u32 s0, $0x2  }
.LBB2_24:
0x30c: {  	_ =	swait.ge [sflag:s19], s0  }
0x30d: {  	s30 =	ssub.s32 $0x0, s0;
	v1 =	vmov s25;
	vm0 =	veq.s32 v0, $0x0;
	[sflag:s19] =	ssyncset.done $0x0  }
0x30e: {  	vm15 =	veq.s32 v0, $0x2;
	v1 =	vsel vm0, s31, v1;
	[sflag:s19] =	ssyncadd.s32 s30  }
0x30f: {  	v1 =	vsel vm15, s23, v1;
	[sflag:s19] =	ssyncpa.u1 $0x1  }
0x310: {  	[tilespmem:$0x6088] =	vst v1  }
.LBB2_25:
0x311: {  	s0 =	sadd.s32 $0x180, s21  }
0x312: {  	s1 =	smov.u32 s8;
	p2 =	slt.s32 s0, s9  }
0x313: {  	s1 =	smov.u32 @p2 s0;
	p2 =	sne.s32 s22, s17  }
.Ltmp1:
0x314: {  	_ = 	snop;
	(pc) =	sbr.rel @!p2 .LBB2_26-.Ltmp1, $4  }
0x315: {  	_ = 	snop  }
0x316: {  	s23 =	smov.u32 s20  }
0x317: {  	s31 =	sadd.s32 $0x1, s22;
	s20 =	smov.u32 s21;
	p0 =	por !p0, !p0  }
0x318: {  	p1 =	por !p1, !p1;
	s22 =	smov.u32 s31;
	s21 =	smov.u32 s1  }
.LBB2_1:
0x319: {  	p2 =	sge.u32 s22, s13  }
0x31a: {  	s0 =	smulhi.u32 @!p2 $0xAAAAAAAB, s22  }
0x31b: {  	s1 =	smov.u32 s21;
	p3 =	sgt.s32 @!p2 s21, $0xC3380  }
0x31c: {  	s2 =	sshra.s32 @!p2 s21, $0x1F;
	p3 =	por !p3, p2;
	s0 =	sshrl.u32 @!p2 s0, $0x1  }
0x31d: {  	s2 =	sand.u32 @!p2 s2, s21;
	s1 =	simm.s32 @p3 $0xC3380;
	s0 =	smul.u32 @!p2 $0x3, s0  }
0x31e: {  	s1 =	ssub.s32 @!p2 s1, s2  }
0x31f: {  	s1 =	sadd.s32 @!p2 $0xFFF3CC80, s1;
	s0 =	ssub.s32 @!p2 s22, s0  }
0x320: {  	s2 =	sshll.u32 @!p2 s1, $0x2;
	p3 =	sgt.s32 @!p2 s1, $0x17F;
	s0 =	smul.u32 @!p2 $0x600, s0  }
0x321: {  	s5 =	sand.u32 @!p2 $0x7, s21;
	s1 =	ssub.s32 @!p2 $0x600, s2;
	p3 =	por !p3, p2  }
0x322: {  	s2 =	sshrl.u32 @!p2 s21, $0x3;
	s1 =	sshrl.u32 @!p2 s1, $0x2;
	s0 =	sshrl.u32 @!p2 s0, $0x2  }
0x323: {  	s2 =	sadd.s32 @!p2 s2, s14;
	s1 =	simm.s32 @!p3 $0x0;
	s0 =	sadd.s32 @!p2 $0x64C8, s0  }
0x324: {  	[tilespmem:s0], [sflag:$0xA] =	stream.linear.gather @!p2 [hbm4b:s2+s5], s1, $0x38;
	[tilespmem:$0x1EC48] =	vst v63  }
0x325: {  	s1 =	sadd.s32 $0xFFFFFFFF, s22  }
0x326: {  	p2 =	sge.u32 s1, s13  }
0x327: {  	p3 =	sgt.s32 @!p2 s20, $0xC3380  }
0x328: {  	s0 =	smov.u32 s20;
	s2 =	sshra.s32 @!p2 s20, $0x1F;
	p3 =	por !p3, p2  }
0x329: {  	s2 =	sand.u32 @!p2 s2, s20;
	s0 =	simm.s32 @p3 $0xC3380  }
0x32a: {  	s0 =	ssub.s32 @!p2 s0, s2  }
0x32b: {  	s0 =	sadd.s32 @!p2 $0xFFF3CC80, s0  }
0x32c: {  	s2 =	sshll.u32 @!p2 s0, $0x2  }
0x32d: {  	p3 =	sgt.s32 @!p2 s0, $0x17F;
	s0 =	ssub.s32 @!p2 $0x600, s2  }
0x32e: {  	p3 =	por !p3, p2;
	s0 =	sshrl.u32 @!p2 s0, $0x2  }
0x32f: {  	s5 =	simm.s32 @!p2 $0xA;
	s2 =	sand.u32 @!p2 $0x1, s1;
	s0 =	simm.s32 @!p3 $0x0  }
0x330: {  	s2 =	smul.u32 @!p2 $0x600, s2;
	_ =	swait.ge @!p2 [sflag:s5], s0  }
0x331: {  	s6 =	ssub.s32 @!p2 $0x0, s0;
	[sflag:s5] =	ssyncset.done @!p2 $0x0  }
0x332: {  	s2 =	sshrl.u32 @!p2 s2, $0x2;
	[sflag:s5] =	ssyncadd.s32 @!p2 s6;
	s5 =	sshrl.u32 @!p2 s20, $0x3  }
0x333: {  	s2 =	sadd.s32 @!p2 $0x6948, s2;
	s6 =	sand.u32 @!p2 $0x7, s20;
	s5 =	sadd.s32 @!p2 s5, s15  }
0x334: {  	[tilespmem:s2], [sflag:$0xB] =	stream.linear.gather @!p2 [hbm4b:s5+s6], s0, $0x38;
	[tilespmem:$0x1EC48] =	vst v63  }
0x335: {  	s0 =	ssub.s32 @!p2 $0xC3500, s20  }
0x336: {  	p3 =	slt.s32 @!p2 s0, $0x1  }
0x337: {  	p3 =	por p2, p3  }
.Ltmp2:
0x338: {  	_ = 	snop;
	(pc) =	sbr.rel @p3 .LBB2_7-.Ltmp2, $1  }
0x339: {  	_ =	sdelay $0x3  }
0x33a: {  	s2 =	smulhi.u32 $0xAAAAAAAB, s1;
	_ =	sdelay $0x1  }
0x33b: {  	s2 =	sshrl.u32 s2, $0x1  }
0x33c: {  	s2 =	smul.u32 $0x3, s2;
	_ =	sdelay $0x1  }
0x33d: {  	s29 =	ssub.s32 s1, s2  }
0x33e: {  	s5 =	simm.s32 $0x1;
	s1 =	smul.u32 $0x600, s29  }
.Ltmp3:
0x33f: {  	s5 =	simm.s32 @!p0 $0x0;
	(pc) =	sbr.rel .LBB2_4-.Ltmp3, $4  }
0x340: {  	s30 =	smul.u32 $0x30000, s5  }
0x341: {  	p3 =	slt.s32 @!p2 s0, $0x180;
	s1 =	sshrl.u32 s1, $0x2  }
0x342: {  	p2 =	por !p3, p2;
	s2 =	sshrl.u32 s30, $0x2;
	s31 =	sadd.s32 $0x64C8, s1  }
0x343: {  	s24 =	simm.s32 $0x0;
	s0 =	simm.s32 @p2 $0x180;
	s1 =	sadd.s32 $0x6C48, s2;
	v1 =	vmov s31  }
.LBB2_3:
0x344: {  	p2 =	sge.s32 s24, s0  }
.Ltmp4:
0x345: {  	_ = 	snop;
	(pc) =	sbr.rel @p2 .LBB2_7-.Ltmp4, $2  }
0x346: {  	_ =	sdelay $0x2  }
0x347: {  	s1 =	sadd.s32 $0x800, s1  }
.LBB2_4:
0x348: {  	p2 =	sle.s32 s0, s24  }
.Ltmp5:
0x349: {  	_ = 	snop;
	(pc) =	sbr.rel @p2 .LBB2_3-.Ltmp5, $2  }
0x34a: {  	_ =	sdelay $0x2  }
0x34b: {  	s2 =	smov.u32 s24;
	s24 =	sadd.s32 $0x10, s24  }
0x34c: {  	s5 =	ssub.s32 s0, s2  }
0x34d: {  	p2 =	slt.s32 s5, $0x10  }
0x34e: {  	s5 =	simm.s32 @!p2 $0x10  }
0x34f: {  	v2 =	vmov s5  }
0x350: {  	vm0 =	vgt.s32 v2, v0;
	_ =	sdelay $0x5  }
0x351: {  	v2 =	vld.idx.msk [tilespmem:v1+s2+$0x0 ss:$0x1], vm0;
	_ =	sdelay $0x2  }
0x352: {  	s6 =	smov.u32 s0;
	p2 =	slt.s32 s24, s0  }
0x353: {  	s25 =	simm.s32 $0x0;
	s6 =	smov.u32 @p2 s24;
	s5 =	smov.u32 s1  }
.LBB2_6:
0x354: {  	(v2sf) =	vpush v2, s25;
	_ =	sdelay $0xc  }
0x355: {  	s25 =	sadd.s32 $0x1, s25  }
0x356: {  	s31 =	sadd.s32 s25, s2  }
0x357: {  	p2 =	slt.s32 s31, s6;
	s10 =	spop (v2sf)  }
.Ltmp6:
0x358: {  	s10 =	sshll.u32 s10, $0x4;
	(pc) =	sbr.rel @p2 .LBB2_6-.Ltmp6, $4  }
0x359: {  	s10 =	sand.u32 $0x1FFFFFF0, s10  }
0x35a: {  	s10 =	sadd.s32 s7, s10  }
0x35b: {  	[tilespmem:s5], [sflag:$0x9] =	stream.linear.gather [hbm4b:s10+s18], $0x20, $0x38;
	[tilespmem:$0x1EC48] =	vst v63  }
0x35c: {  	s5 =	sadd.s32 $0x80, s5  }
.Ltmp7:
0x35d: {  	_ = 	snop;
	(pc) =	sbr.rel .LBB2_3-.Ltmp7, $1  }
0x35e: {  	_ =	sdelay $0x3  }
.LBB2_7:
0x35f: {  	p2 =	slt.u32 s22, $0x2  }
.Ltmp8:
0x360: {  	_ = 	snop;
	(pc) =	sbr.rel @p2 .LBB2_25-.Ltmp8, $1  }
0x361: {  	_ =	sdelay $0x3  }
0x362: {  	p2 =	sgt.s32 s23, $0xC3380  }
0x363: {  	s0 =	smov.u32 s23;
	s1 =	sshra.s32 s23, $0x1F;
	s2 =	ssub.s32 $0xC3500, s23  }
0x364: {  	s0 =	simm.s32 @!p2 $0xC3380;
	s1 =	sand.u32 s1, s23;
	p2 =	slt.s32 s2, $0x180  }
0x365: {  	s0 =	ssub.s32 s0, s1;
	s2 =	simm.s32 @!p2 $0x180  }
0x366: {  	s0 =	sadd.s32 $0xFFF3CC80, s0;
	s11 =	sshll.u32 s2, $0x5  }
0x367: {  	s26 =	simm.s32 $0x9;
	s24 =	sshll.u32 s0, $0x2;
	s1 =	sand.u32 $0x3FFFFFE0, s11  }
0x368: {  	p2 =	sgt.s32 s0, $0x17F;
	s25 =	ssub.s32 $0x600, s24;
	_ =	swait.ge [sflag:s26], s1  }
0x369: {  	s1 =	ssub.s32 $0x0, s1;
	[sflag:s26] =	ssyncset.done $0x0;
	s0 =	sshrl.u32 s25, $0x2  }
0x36a: {  	[sflag:s26] =	ssyncadd.s32 s1;
	s0 =	simm.s32 @p2 $0x0  }
0x36b: {  	_ =	swait.ge [sflag:s12], s0  }
0x36c: {  	s0 =	ssub.s32 $0x0, s0;
	[sflag:s12] =	ssyncset.done $0x0  }
0x36d: {  	[sflag:s12] =	ssyncadd.s32 s0  }
0x36e: {  	v1 =	vld [tilespmem:$0x6088];
	_ =	sdelay $0x4  }
0x36f: {  	(v2sf) =	vpush v1, $0x0  }
0x370: {  	(v2sf) =	vpush v1, $0x1  }
0x371: {  	(v2sf) =	vpush v1, $0x2;
	_ =	sdelay $0x3  }
0x372: {  	s0 =	sadd.s32 $0x180, s23  }
0x373: {  	s1 =	ssub.s32 $0x186A00, s23;
	p2 =	slt.s32 s9, s0  }
0x374: {  	s0 =	smov.u32 @p2 s9;
	p2 =	sgt.s32 s1, $0x0  }
0x375: {  	s28 =	ssub.s32 s0, s23;
	s1 =	simm.s32 @!p2 $0x0  }
0x376: {  	p2 =	slt.s32 s1, s28  }
0x377: {  	s28 =	smov.u32 @p2 s1  }
0x378: {  	s26 =	simm.s32 $0x1;
	p2 =	slt.s32 s28, $0x1  }
.Ltmp9:
0x379: {  	s26 =	simm.s32 @!p1 $0x0;
	(pc) =	sbr.rel @p2 .LBB2_12-.Ltmp9, $4  }
0x37a: {  	s30 =	smul.u32 $0x600, s26  }
0x37b: {  	s0 =	spop (v2sf)  }
0x37c: {  	s31 =	sshrl.u32 s30, $0x2;
	s29 =	spop (v2sf)  }
0x37d: {  	s24 =	sadd.s32 $0x6948, s31;
	s23 =	spop (v2sf)  }
0x37e: {  	s1 =	smin.u32 s28, $0x10  }
0x37f: {  	v1 =	vmov s1  }
0x380: {  	p3 =	sgt.s32 s28, $0x10;
	vm1 =	vgt.u32 v1, v0  }
.Ltmp10:
0x381: {  	_ = 	snop;
	(pc) =	sbr.rel @!p3 .LBB2_11-.Ltmp10, $2  }
0x382: {  	_ =	sdelay $0x2  }
0x383: {  	s2 =	simm.s32 $0x10;
	s25 =	sadd.s32 $0xFFFFFFF0, s28;
	s1 =	smov.u32 s24;
	vm0 =	vmmov vm1  }
.LBB2_10:
0x384: {  	s5 =	smin.u32 s25, $0x10;
	s2 =	sadd.s32 $0x10, s2;
	v1 =	vld.msk [tilespmem:s1+$0x0 ss:$0x1], vm1  }
0x385: {  	v2 =	vmov s5;
	p3 =	slt.s32 s2, s28  }
0x386: {  	vm1 =	vgt.u32 v2, v0  }
.Ltmp11:
0x387: {  	(pc) =	sbr.rel @p3 .LBB2_10-.Ltmp11, $3  }
0x388: {  	_ =	sdelay $0x1  }
0x389: {  	v1 =	vshll.u32 v1, $0x4  }
0x38a: {  	s25 =	sadd.s32 $0xFFFFFFF0, s25;
	[tilespmem:s1+$0x0] =	vst.msk vm0, v1;
	s1 =	sadd.s32 $0x10, s1;
	vm0 =	vmmov vm1  }
.LBB2_11:
0x38b: {  	_ =	sdelay $0x4  }
0x38c: {  	v1 =	vld.msk [tilespmem:s1+$0x0 ss:$0x1], vm1;
	_ =	sdelay $0x4  }
0x38d: {  	v1 =	vshll.u32 v1, $0x4  }
0x38e: {  	[tilespmem:s1+$0x0] =	vst.msk vm0, v1  }
.LBB2_12:
0x38f: {  	s1 =	sand.u32 $0x1, s22  }
0x390: {  	s2 =	smul.u32 $0x180, s1  }
0x391: {  	p3 =	sne.s32 s29, $0xFFFFFFFF  }
0x392: {  	v1 =	vld.msk @!p3 [tilespmem:s2+$0x6948], $0x1;
	_ =	sdelay $0x4  }
0x393: {  	(v2sf) =	vpush @!p3 v1, $0x0;
	_ =	sdelay $0x3  }
0x394: {  	s1 =	smul.u32 $0xC000, s1;
	_ =	sdelay $0x1  }
0x395: {  	v1 =	vld @!p3 [tilespmem:s1+$0x6C48];
	_ =	sdelay $0x4  }
0x396: {  	[tilespmem:$0x48] =	vst @!p3 v1  }
0x397: {  	v1 =	vld @!p3 [tilespmem:s1+$0x6C58]  }
.Ltmp12:
0x398: {  	_ = 	snop;
	(pc) =	sbr.rel @p2 .LBB2_23-.Ltmp12, $4  }
0x399: {  	_ = 	snop  }
0x39a: {  	s30 =	spop @!p3 (v2sf)  }
0x39b: {  	s23 =	simm.s32 @!p3 $0x0;
	s25 =	smov.u32 s30  }
0x39c: {  	[tilespmem:$0x58] =	vst @!p3 v1;
	[sflag:s19] =	ssyncpa.u1 $0x0;
	s30 =	smov.u32 @p3 s0;
	s25 =	smov.u32 @p3 s29  }
0x39d: {  	v1 =	vld.msk [tilespmem:s24+$0x0], $0x1;
	_ =	sdelay $0x4  }
0x39e: {  	(v2sf) =	vpush v1, $0x0;
	_ =	sdelay $0xe  }
0x39f: {  	s0 =	smul.u32 $0x30000, s26;
	s1 =	spop (v2sf)  }
0x3a0: {  	s28 =	ssub.s32 $0x0, s28;
	p2 =	seq.s32 s30, s1  }
0x3a1: {  	s5 =	smov.u32 s30;
	s0 =	sshrl.u32 s0, $0x2;
	p3 =	sgt.s32 @!p2 s30, $0x0  }
0x3a2: {  	s26 =	sadd.s32 $0x6C58, s0;
	s0 =	sadd.s32 $0x1, s28;
	p3 =	por !p3, p2  }
0x3a3: {  	s5 =	simm.s32 @p3 $0x0;
	p3 =	seq.s32 s0, $0x0  }
.Ltmp13:
0x3a4: {  	_ = 	snop;
	(pc) =	sbr.rel @p3 .LBB2_15-.Ltmp13, $4  }
0x3a5: {  	_ = 	snop  }
0x3a6: {  	s29 =	simm.s32 $0x0;
	s31 =	sadd.s32 $0x1, s24;
	s5 =	smin.u32 @!p2 s5, $0x1869FC  }
0x3a7: {  	s2 =	simm.s32 @!p2 $0x1;
	s6 =	simm.s32 @!p2 $0x3068;
	s10 =	sand.u32 @!p2 $0x1FFFF8, s5  }
0x3a8: {  	s2 =	smov.u32 @p2 s29;
	s5 =	sand.u32 @!p2 $0x7, s5;
	s10 =	sadd.s32 @!p2 s4, s10  }
.LBB2_14:
0x3a9: {  	s11 =	smov.u32 s2  }
0x3aa: {  	[tilespmem:s6], [sflag:$0x2] =	stream.linear.gather @!p2 [hbm4b:s10+s5], $0x20, $0x38;
	[tilespmem:$0x1EC48] =	vst v63  }
0x3ab: {  	s0 =	sadd.s32 $0x1, s0;
	s5 =	smov.u32 s1;
	v1 =	vld.msk [tilespmem:s31+$0x0], $0x1  }
0x3ac: {  	p3 =	seq.s32 s0, $0x0;
	_ =	sdelay $0x3  }
0x3ad: {  	(v2sf) =	vpush v1, $0x0;
	_ =	sdelay $0xe  }
0x3ae: {  	s1 =	spop (v2sf)  }
0x3af: {  	p2 =	seq.s32 s5, s1  }
0x3b0: {  	p4 =	sgt.s32 @!p2 s5, $0x0;
	s6 =	sshll.u32 @!p2 s2, $0x7;
	s2 =	sadd.s32 @!p2 $0x1, s2  }
.Ltmp14:
0x3b1: {  	p4 =	por !p4, p2;
	s6 =	sshra.s32 @!p2 s6, $0x2;
	(pc) =	sbr.rel @!p3 .LBB2_14-.Ltmp14, $4  }
0x3b2: {  	s2 =	smov.u32 @p2 s11;
	s5 =	simm.s32 @p4 $0x0;
	s6 =	sadd.s32 @!p2 $0x3068, s6  }
0x3b3: {  	s5 =	smin.u32 @!p2 s5, $0x1869FC  }
0x3b4: {  	s10 =	sand.u32 @!p2 $0x1FFFF8, s5;
	s5 =	sand.u32 @!p2 $0x7, s5  }
0x3b5: {  	s31 =	sadd.s32 $0x1, s31;
	s10 =	sadd.s32 @!p2 s4, s10  }
.LBB2_15:
0x3b6: {  	[tilespmem:s6], [sflag:$0x2] =	stream.linear.gather @!p2 [hbm4b:s10+s5], $0x20, $0x38;
	[tilespmem:$0x1EC48] =	vst v63  }
.Ltmp15:
0x3b7: {  	s0 =	sshll.u32 s2, $0x5;
	(pc) =	sbr.rel .LBB2_16-.Ltmp15, $4  }
0x3b8: {  	s1 =	simm.s32 $0x2;
	s0 =	sand.u32 $0x3FFFFFE0, s0  }
0x3b9: {  	_ =	swait.ge [sflag:s1], s0  }
0x3ba: {  	s0 =	ssub.s32 $0x0, s0;
	[sflag:s1] =	ssyncset.done $0x0  }
0x3bb: {  	[sflag:s1] =	ssyncadd.s32 s0;
	s0 =	simm.s32 $0x0  }
.LBB2_17:
0x3bc: {  	v1 =	vld [tilespmem:s26+$0xFFFFFFF0]  }
0x3bd: {  	v2 =	vld [tilespmem:s1+$0x48];
	_ =	sdelay $0x4  }
0x3be: {  	v1 =	vmax.f32 v1, v2  }
0x3bf: {  	v2 =	vld [tilespmem:s1+$0x58];
	[tilespmem:s1+$0x48] =	vst v1  }
0x3c0: {  	v1 =	vld [tilespmem:s26+$0x0];
	_ =	sdelay $0x4  }
0x3c1: {  	v1 =	vmax.f32 v1, v2  }
0x3c2: {  	[tilespmem:s1+$0x58] =	vst v1  }
.LBB2_21:
0x3c3: {  	s28 =	sadd.s32 $0x1, s28  }
0x3c4: {  	p2 =	seq.s32 s28, $0x0  }
.Ltmp16:
0x3c5: {  	_ = 	snop;
	(pc) =	sbr.rel @p2 .LBB2_22-.Ltmp16, $2  }
0x3c6: {  	_ =	sdelay $0x2  }
0x3c7: {  	s26 =	sadd.s32 $0x80, s26;
	s24 =	sadd.s32 $0x1, s24;
	s30 =	smov.u32 s31  }
.LBB2_16:
0x3c8: {  	v1 =	vld.msk [tilespmem:s24+$0x0], $0x1;
	_ =	sdelay $0x4  }
0x3c9: {  	(v2sf) =	vpush v1, $0x0;
	_ =	sdelay $0xe  }
0x3ca: {  	s31 =	spop (v2sf)  }
0x3cb: {  	p2 =	sne.s32 s30, s31  }
.Ltmp17:
0x3cc: {  	_ = 	snop;
	(pc) =	sbr.rel @!p2 .LBB2_17-.Ltmp17, $3  }
0x3cd: {  	_ =	sdelay $0x1  }
0x3ce: {  	s1 =	sshll.u32 s23, $0x7  }
0x3cf: {  	s1 =	sshra.s32 s1, $0x2  }
0x3d0: {  	p2 =	seq.s32 s30, s25  }
.Ltmp18:
0x3d1: {  	_ = 	snop;
	(pc) =	sbr.rel @!p2 .LBB2_19-.Ltmp18, $1  }
0x3d2: {  	_ =	sdelay $0x3  }
.Ltmp19:
0x3d3: {  	s1 =	sadd.s32 $0x48, s1;
	(pc) =	sbr.rel .LBB2_20-.Ltmp19, $4  }
0x3d4: {  	[spmem:s16] =	stream.linear.scatter [tilespmem:s1], [sflag:$0x1], $0x20, $0x38;
	[tilespmem:$0x1EC48] =	vst v63  }
0x3d5: {  	_ =	swait.ge [sflag:s3], $0x20  }
0x3d6: {  	[sflag:s3] =	ssyncset.done $0x0  }
0x3d7: {  	[sflag:s3] =	ssyncadd.s32 $0xFFFFFFE0  }
.LBB2_19:
0x3d8: {  	s2 =	sshll.u32 s29, $0x7  }
0x3d9: {  	v2 =	vld [tilespmem:s1+$0x48];
	s2 =	sshra.s32 s2, $0x2  }
0x3da: {  	v1 =	vld [tilespmem:s2+$0x3068];
	_ =	sdelay $0x4  }
0x3db: {  	v1 =	vmax.f32 v1, v2  }
0x3dc: {  	v2 =	vld [tilespmem:s1+$0x58];
	[tilespmem:s1+$0x48] =	vst v1  }
0x3dd: {  	v1 =	vld [tilespmem:s2+$0x3078];
	_ =	sdelay $0x3  }
0x3de: {  	p2 =	sgt.u32 s30, $0x1869FC  }
0x3df: {  	s2 =	sand.u32 @!p2 $0x1FFFF8, s30;
	v1 =	vmax.f32 v1, v2  }
0x3e0: {  	s5 =	sadd.s32 $0x48, s1;
	[tilespmem:s1+$0x58] =	vst v1;
	s1 =	sadd.s32 @!p2 s4, s2;
	s2 =	sand.u32 @!p2 $0x7, s30  }
0x3e1: {  	[hbm4b:s1+s2] =	stream.linear.scatter @!p2 [tilespmem:s5], [sflag:$0xC], $0x20, $0x38;
	[tilespmem:$0x1EC48] =	vst v63  }
0x3e2: {  	s1 =	simm.s32 $0x0  }
0x3e3: {  	s1 =	simm.s32 @!p2 $0x80  }
0x3e4: {  	s0 =	sadd.s32 s1, s0  }
.LBB2_20:
0x3e5: {  	s1 =	sadd.s32 $0x1, s23  }
0x3e6: {  	s2 =	smulhi.u32 $0xAAAAAAAB, s1;
	_ =	sdelay $0x1  }
0x3e7: {  	v1 =	vld [tilespmem:s26+$0xFFFFFFF0];
	s2 =	sshrl.u32 s2, $0x8  }
0x3e8: {  	s2 =	smul.u32 $0x180, s2;
	_ =	sdelay $0x1  }
0x3e9: {  	s23 =	ssub.s32 s1, s2  }
0x3ea: {  	s1 =	sshll.u32 s23, $0x5  }
0x3eb: {  	[tilespmem:s1+$0x48] =	vst v1  }
0x3ec: {  	v1 =	vld [tilespmem:s26+$0x0]  }
.Ltmp20:
0x3ed: {  	_ = 	snop;
	(pc) =	sbr.rel .LBB2_21-.Ltmp20, $2  }
0x3ee: {  	_ =	sdelay $0x2  }
0x3ef: {  	s29 =	sadd.s32 $0x1, s29;
	[tilespmem:s1+$0x58] =	vst v1  }
.LBB2_23:
.Ltmp21:
0x3f0: {  	(pc) =	sbr.rel .LBB2_24-.Ltmp21, $4  }
0x3f1: {  	_ = 	snop  }
0x3f2: {  	s0 =	simm.s32 $0x2  }
0x3f3: {  	_ =	swait.ge [sflag:s0], $0x0  }
0x3f4: {  	s31 =	smov.u32 s30;
	[sflag:s0] =	ssyncset.done $0x0;
	s0 =	simm.s32 $0x0  }
.LBB2_26:
0x3f5: {  	_ =	sfence.sel $0x180000  }
0x3f6: {  	s0 =	simm.s32 $0x9;
	[bflag:$0x0] =	sbarrier.arrive $0xFFFF  }
0x3f7: {  	s24 =	simm.s32 $0xA;
	[sflag:s0] =	ssyncpa.u1 $0x1  }
0x3f8: {  	s25 =	simm.s32 $0xB;
	[sflag:s24] =	ssyncpa.u1 $0x1  }
0x3f9: {  	s26 =	simm.s32 $0x2;
	[sflag:s25] =	ssyncpa.u1 $0x1  }
0x3fa: {  	[sflag:s26] =	ssyncpa.u1 $0x1  }
0x3fb: {  	v0 =	vld [tilespmem:$0x6088];
	_ =	sdelay $0x4  }
0x3fc: {  	(v2sf) =	vpush v0, $0x0  }
0x3fd: {  	(v2sf) =	vpush v0, $0x1;
	_ =	sdelay $0x1  }
0x3fe: {  	(v2sf) =	vpush v0, $0x2;
	_ =	sdelay $0xb  }
0x3ff: {  	s0 =	spop (v2sf)  }
0x400: {  	s1 =	spop (v2sf)  }
0x401: {  	s2 =	smov.u32 s0;
	p0 =	sne.s32 s0, s1  }
0x402: {  	s3 =	spop (v2sf);
	s2 =	simm.s32 @!p0 $0xFFFFFFFF  }
0x403: {  	v2 =	vimm.s32 $0x1;
	v3 =	vlaneseq.u32;
	p0 =	seq.s32 s3, $0xFFFFFFFF;
	v1 =	vmov s2  }
0x404: {  	s14 =	stileid.u32;
	v0 =	vperm.xlane v0, v2;
	p1 =	sne.s32 @!p0 s0, s1;
	v1 =	vperm.xlane v1, v3  }
0x405: {  	vm0 =	vcmask $0x3F04;
	s6 =	simm.s32 $0x6088;
	s0 =	simm.s32 @!p0 $0x1;
	p1 =	por !p1, p0  }
0x406: {  	s2 =	sshll.u32 s14, $0x1;
	s1 =	sshll.u32 @!p0 s3, $0x7;
	s0 =	simm.s32 @p1 $0x0;
	v0 =	vsel vm0, v1, v0  }
0x407: {  	s5 =	sor.u32 $0x400, s2;
	s1 =	sshra.s32 @!p0 s1, $0x2;
	s0 =	sor.u32 @!p0 s0, s2;
	[tilespmem:$0x6088] =	vst v0  }
0x408: {  	[spmem:s5] =	stream.linear.scatter [tilespmem:s6], [sflag:$0x1], $0x2, $0x38;
	[tilespmem:$0x1EC48] =	vst v63  }
0x409: {  	s1 =	sadd.s32 @!p0 $0x48, s1;
	s0 =	sshll.u32 @!p0 s0, $0x5  }
0x40a: {  	[spmem:s0] =	stream.linear.scatter @!p0 [tilespmem:s1], [sflag:$0x1], $0x20, $0x38;
	[tilespmem:$0x1EC48] =	vst v63  }
0x40b: {  	s0 =	simm.s32 @!p0 $0x22  }
0x40c: {  	s28 =	simm.s32 $0x1;
	s0 =	simm.s32 @p0 $0x2  }
0x40d: {  	_ =	swait.ge [sflag:s28], s0  }
0x40e: {  	s0 =	ssub.s32 $0x0, s0;
	[sflag:s28] =	ssyncset.done $0x0  }
0x40f: {  	p0 =	sne.s32 s14, $0x0;
	[sflag:s28] =	ssyncadd.s32 s0  }
.Ltmp22:
0x410: {  	_ =	sfence.stream.spmem;
	(pc) =	sbr.rel @p0 .LBB2_43-.Ltmp22, $4  }
0x411: {  	s29 =	simm.s32 $0x3;
	[bflag:$0x0] =	sbarrier.arrive $0xFFFF  }
0x412: {  	s30 =	simm.s32 $0x4;
	[sflag:s29] =	ssyncpa.u1 $0x1  }
0x413: {  	s31 =	simm.s32 $0x3C;
	[sflag:s30] =	ssyncpa.u1 $0x1  }
0x414: {  	s15 =	rddreg [dreg:$0x4];
	[sflag:s31] =	ssyncpa.u1 $0x1  }
0x415: {  	_ =	sfence.stream.spmem;
	s0 =	simm.s32 $0x5  }
0x416: {  	s1 =	simm.s32 $0x400;
	s2 =	simm.s32 $0x6098;
	[sflag:s0] =	ssyncpa.u1 $0x0  }
0x417: {  	[tilespmem:s2], [sflag:$0x5] =	stream.linear.gather [spmem:s1], $0x20, $0x38;
	[tilespmem:$0x1EC48] =	vst v63  }
0x418: {  	s26 =	simm.s32 $0x0;
	s28 =	simm.s32 $0x60B8  }
0x419: {  	[tilespmem:s28], [sflag:$0x5] =	stream.linear.gather [spmem:s26], $0x400, $0x38;
	[tilespmem:$0x1EC48] =	vst v63  }
0x41a: {  	_ =	swait.ge [sflag:s0], $0x420  }
0x41b: {  	[sflag:s0] =	ssyncset.done $0x0  }
0x41c: {  	s29 =	simm.s32 $0x0;
	[sflag:s0] =	ssyncadd.s32 $0xFFFFFBE0  }
0x41d: {  	v0 =	vld.msk [tilespmem:s29+$0x6098], $0x1;
	_ =	sdelay $0x1  }
0x41e: {  	s30 =	simm.s32 $0x1  }
0x41f: {  	v1 =	vld.msk [tilespmem:s30+$0x6098], $0x1;
	_ =	sdelay $0x1  }
0x420: {  	(v2sf) =	vpush v0, $0x0;
	_ =	sdelay $0x2  }
0x421: {  	(v2sf) =	vpush v1, $0x0;
	_ =	sdelay $0x2  }
0x422: {  	s31 =	simm.s32 $0x2  }
0x423: {  	v0 =	vld.msk [tilespmem:s31+$0x6098], $0x1;
	_ =	sdelay $0x2  }
0x424: {  	s1 =	simm.s32 $0xFFFFFFFF;
	s2 =	simm.s32 $0xFFFFFFFF;
	s0 =	simm.s32 $0xC  }
.LBB2_28:
0x425: {  	s3 =	smov.u32 s2;
	s5 =	smov.u32 s1  }
0x426: {  	s1 =	sshra.s32 s0, $0x2;
	p1 =	sne.s32 s0, $0x7C;
	s0 =	sadd.s32 $0x4, s0;
	(v2sf) =	vpush v0, $0x0  }
0x427: {  	v0 =	vld.msk [tilespmem:s1+$0x6098], $0x1  }
.Ltmp23:
0x428: {  	(pc) =	sbr.rel @p1 .LBB2_28-.Ltmp23, $4  }
0x429: {  	s2 =	spop (v2sf)  }
0x42a: {  	p2 =	sne.s32 s5, $0xFFFFFFFF;
	s1 =	smov.u32 s2  }
0x42b: {  	p3 =	seq.s32 s2, $0xFFFFFFFF;
	s1 =	smov.u32 @p2 s5  }
0x42c: {  	s2 =	smov.u32 @p3 s3;
	s1 =	smov.u32 @p3 s5  }
0x42d: {  	(v2sf) =	vpush v0, $0x0;
	_ =	sdelay $0x8  }
0x42e: {  	s0 =	spop (v2sf)  }
0x42f: {  	p1 =	sne.s32 s1, $0xFFFFFFFF;
	s3 =	smov.u32 s0  }
0x430: {  	s9 =	simm.s32 $0x6;
	p2 =	seq.s32 s0, $0xFFFFFFFF;
	s3 =	smov.u32 @p1 s1  }
0x431: {  	s10 =	simm.s32 $0x6068;
	s3 =	smov.u32 @p2 s1;
	s1 =	spop (v2sf)  }
0x432: {  	s0 =	smov.u32 @p2 s2;
	p1 =	sne.s32 s3, $0xFFFFFFFF;
	s5 =	smov.u32 s1  }
.Ltmp24:
0x433: {  	p2 =	seq.s32 s1, $0xFFFFFFFF;
	s5 =	smov.u32 @p1 s3;
	(pc) =	sbr.rel .LBB2_30-.Ltmp24, $4  }
0x434: {  	s11 =	simm.s32 $0x0;
	s5 =	smov.u32 @p2 s3;
	s7 =	spop (v2sf)  }
0x435: {  	[sflag:s9] =	ssyncpa.u1 $0x0;
	p1 =	sne.s32 s5, $0xFFFFFFFF;
	s8 =	smov.u32 s7  }
0x436: {  	s1 =	smov.u32 @p2 s0;
	p2 =	seq.s32 s7, $0xFFFFFFFF;
	s8 =	smov.u32 @p1 s5  }
0x437: {  	s3 =	simm.s32 $0x0;
	s7 =	smov.u32 @p2 s1;
	s8 =	smov.u32 @p2 s5  }
.LBB2_36:
0x438: {  	p1 =	sgt.u32 s12, $0x1869FC  }
0x439: {  	p2 =	seq.s32 @!p1 s12, s8  }
0x43a: {  	p1 =	por p1, p2  }
0x43b: {  	p2 =	sne.s32 @!p1 s12, s7  }
0x43c: {  	p1 =	por p1, !p2  }
0x43d: {  	s0 =	sshll.u32 @p1 s11, $0x7  }
0x43e: {  	s0 =	sand.u32 @!p1 $0x1FFFF8, s12  }
0x43f: {  	s1 =	sand.u32 @!p1 $0x7, s12;
	s0 =	sadd.s32 @!p1 s4, s0  }
0x440: {  	[tilespmem:s10], [sflag:$0x6] =	stream.linear.gather @!p1 [hbm4b:s0+s1], $0x20, $0x38;
	[tilespmem:$0x1EC48] =	vst v63  }
0x441: {  	_ =	swait.ge @!p1 [sflag:s9], $0x20  }
0x442: {  	[sflag:s9] =	ssyncset.done @!p1 $0x0  }
0x443: {  	s0 =	sshll.u32 @!p1 s11, $0x7;
	[sflag:s9] =	ssyncadd.s32 @!p1 $0xFFFFFFE0  }
0x444: {  	s1 =	sshrl.u32 @!p1 s0, $0x2;
	v1 =	vld @!p1 [tilespmem:$0x6068]  }
0x445: {  	v2 =	vld @!p1 [tilespmem:s1+$0x60B8];
	_ =	sdelay $0x4  }
0x446: {  	v1 =	vmax.f32 @!p1 v1, v2  }
0x447: {  	v2 =	vld @!p1 [tilespmem:s1+$0x60C8];
	[tilespmem:s1+$0x60B8] =	vst @!p1 v1  }
0x448: {  	v1 =	vld @!p1 [tilespmem:$0x6078];
	_ =	sdelay $0x4  }
0x449: {  	v1 =	vmax.f32 @!p1 v1, v2  }
0x44a: {  	[tilespmem:s1+$0x60C8] =	vst @!p1 v1  }
0x44b: {  	s0 =	sshrl.u32 s0, $0x2;
	[tilespmem:s3+$0x6098] =	vst.msk $0x1, v0  }
0x44c: {  	v0 =	vld [tilespmem:s0+$0x60B8];
	_ =	sdelay $0x2  }
0x44d: {  	s31 =	sshll.u32 s3, $0x7  }
0x44e: {  	s1 =	sshra.s32 s31, $0x2  }
0x44f: {  	[tilespmem:s1+$0x60B8] =	vst v0  }
0x450: {  	v0 =	vld [tilespmem:s0+$0x60C8];
	_ =	sdelay $0x4  }
0x451: {  	s3 =	sadd.s32 $0x1, s3;
	[tilespmem:s1+$0x60C8] =	vst v0  }
.LBB2_37:
0x452: {  	s11 =	sadd.s32 $0x1, s11  }
0x453: {  	p1 =	sne.s32 s11, $0x20  }
.Ltmp25:
0x454: {  	_ = 	snop;
	(pc) =	sbr.rel @!p1 .LBB2_38-.Ltmp25, $1  }
0x455: {  	_ =	sdelay $0x3  }
.LBB2_30:
0x456: {  	v0 =	vld.msk [tilespmem:s11+$0x6098], $0x1;
	_ =	sdelay $0x4  }
0x457: {  	(v2sf) =	vpush v0, $0x0;
	_ =	sdelay $0xe  }
0x458: {  	s12 =	spop (v2sf)  }
0x459: {  	p1 =	seq.s32 s12, $0xFFFFFFFF  }
.Ltmp26:
0x45a: {  	_ = 	snop;
	(pc) =	sbr.rel @p1 .LBB2_37-.Ltmp26, $1  }
0x45b: {  	_ =	sdelay $0x3  }
0x45c: {  	p1 =	slt.s32 s3, $0x1  }
.Ltmp27:
0x45d: {  	_ = 	snop;
	(pc) =	sbr.rel @p1 .LBB2_36-.Ltmp27, $1  }
0x45e: {  	_ =	sdelay $0x3  }
0x45f: {  	s0 =	simm.s32 $0x6098;
	p1 =	por $0x0, $0x0  }
0x460: {  	v1 =	vld.msk @!p1 [tilespmem:s0+$0x0], $0x1;
	_ =	sdelay $0x4  }
0x461: {  	(v2sf) =	vpush @!p1 v1, $0x0;
	_ =	sdelay $0xd  }
0x462: {  	p3 =	sne.s32 s3, $0x1  }
.Ltmp28:
0x463: {  	s1 =	spop @!p1 (v2sf);
	(pc) =	sbr.rel @!p3 .LBB2_34-.Ltmp28, $4  }
0x464: {  	p2 =	seq.s32 @!p1 s12, s1  }
0x465: {  	s13 =	simm.s32 $0x0;
	p2 =	por !p2, p1  }
0x466: {  	s2 =	simm.s32 $0xFFFFFFFF;
	s13 =	simm.s32 @p2 $0xFFFFFFFF  }
0x467: {  	s1 =	simm.s32 $0x1;
	s13 =	smov.u32 @p1 s2  }
.LBB2_33:
0x468: {  	s2 =	smov.u32 s13;
	p1 =	sne.s32 s13, $0xFFFFFFFF  }
0x469: {  	s0 =	sadd.s32 $0x1, s0;
	s13 =	smov.u32 s1;
	s1 =	sadd.s32 $0x1, s1  }
0x46a: {  	p2 =	sne.s32 s3, s1;
	v1 =	vld.msk @!p1 [tilespmem:s0+$0x0], $0x1;
	_ =	sdelay $0x4  }
0x46b: {  	(v2sf) =	vpush @!p1 v1, $0x0;
	_ =	sdelay $0xe  }
.Ltmp29:
0x46c: {  	s5 =	spop @!p1 (v2sf);
	(pc) =	sbr.rel @p2 .LBB2_33-.Ltmp29, $4  }
0x46d: {  	p3 =	seq.s32 @!p1 s12, s5  }
0x46e: {  	p3 =	por !p3, p1  }
0x46f: {  	s13 =	simm.s32 @p3 $0xFFFFFFFF  }
0x470: {  	s13 =	smov.u32 @p1 s2  }
.LBB2_34:
0x471: {  	p1 =	seq.s32 s13, $0xFFFFFFFF  }
.Ltmp30:
0x472: {  	_ = 	snop;
	(pc) =	sbr.rel @p1 .LBB2_36-.Ltmp30, $1  }
0x473: {  	_ =	sdelay $0x3  }
0x474: {  	s0 =	sshll.u32 s11, $0x5  }
0x475: {  	s1 =	sshll.u32 s13, $0x7;
	s0 =	sand.u32 $0x3FFFFFE0, s0  }
0x476: {  	s1 =	sshra.s32 s1, $0x2;
	v0 =	vld [tilespmem:s0+$0x60B8]  }
0x477: {  	v1 =	vld [tilespmem:s1+$0x60B8];
	_ =	sdelay $0x4  }
0x478: {  	v0 =	vmax.f32 v0, v1  }
0x479: {  	v63 =	vld [tilespmem:s1+$0x60C8];
	[tilespmem:s1+$0x60B8] =	vst v0  }
0x47a: {  	v0 =	vld [tilespmem:s0+$0x60C8];
	_ =	sdelay $0x1  }
.Ltmp31:
0x47b: {  	_ = 	snop;
	(pc) =	sbr.rel .LBB2_37-.Ltmp31, $3  }
0x47c: {  	_ =	sdelay $0x1  }
0x47d: {  	v0 =	vmax.f32 v0, v63  }
0x47e: {  	[tilespmem:s1+$0x60C8] =	vst v0  }
.LBB2_38:
0x47f: {  	s0 =	simm.s32 $0x6;
	p1 =	seq.s32 s3, $0x0  }
0x480: {  	[sflag:s0] =	ssyncpa.u1 $0x1;
	v0 =	vimm.s32 @p1 $0xFFFFFFFF  }
0x481: {  	s0 =	sadd.s32 $0xFFFFFFFF, s3;
	[tilespmem:$0x64B8] =	vst @p1 v0  }
0x482: {  	v0 =	vld.msk @!p1 [tilespmem:s0+$0x6098], $0x1;
	_ =	sdelay $0x1  }
0x483: {  	v1 =	vld.msk @!p1 [tilespmem:$0x6098], $0x1;
	_ =	sdelay $0x2  }
0x484: {  	p2 =	seq.s32 @!p1 s0, $0x0;
	v0 =	vbroadcast @!p1 v0, $0x0  }
0x485: {  	vm0 =	vmmov @!p1 $0x1;
	p2 =	por !p2, p1  }
0x486: {  	v1 =	vnsel @!p1 vm0, $0xFFFFFFFF, v1;
	vm0 =	vcmask @!p1 $0x308;
	v0 =	vpsel !p2, $0xFFFFFFFF, v0  }
0x487: {  	p2 =	sne.s32 @!p1 s8, s7;
	v0 =	vsel @!p1 vm0, v1, v0  }
0x488: {  	s1 =	simm.s32 @!p1 $0x60B8;
	s2 =	simm.s32 @!p1 $0x0;
	p3 =	por !p2, p1;
	[tilespmem:$0x64B8] =	vst @!p1 v0  }
0x489: {  	[spmem:s2] =	stream.linear.scatter @!p1 [tilespmem:s1], [sflag:$0x1], $0x20, $0x38;
	[tilespmem:$0x1EC48] =	vst v63  }
0x48a: {  	s1 =	sshll.u32 @!p3 s0, $0x7  }
0x48b: {  	s1 =	sshra.s32 @!p3 s1, $0x2  }
0x48c: {  	s2 =	simm.s32 @!p3 $0x20;
	s1 =	sadd.s32 @!p3 $0x60B8, s1  }
0x48d: {  	[spmem:s2] =	stream.linear.scatter @!p3 [tilespmem:s1], [sflag:$0x1], $0x20, $0x38;
	[tilespmem:$0x1EC48] =	vst v63  }
0x48e: {  	s1 =	simm.s32 @!p3 $0x1  }
0x48f: {  	_ =	swait.ge @!p3 [sflag:s1], $0x40  }
0x490: {  	p1 =	por p2, p1;
	[sflag:s1] =	ssyncset.done @!p3 $0x0  }
0x491: {  	[sflag:s1] =	ssyncadd.s32 @!p3 $0xFFFFFFC0;
	s1 =	simm.s32 @!p1 $0x1  }
0x492: {  	_ =	swait.ge @!p1 [sflag:s1], $0x20  }
0x493: {  	s29 =	simm.s32 $0x64B8;
	[sflag:s1] =	ssyncset.done @!p1 $0x0  }
0x494: {  	s30 =	simm.s32 $0x400;
	s31 =	simm.s32 $0x1;
	[sflag:s1] =	ssyncadd.s32 @!p1 $0xFFFFFFE0  }
0x495: {  	[spmem:s30] =	stream.linear.scatter [tilespmem:s29], [sflag:$0x1], $0x10, $0x38;
	[tilespmem:$0x1EC48] =	vst v63  }
0x496: {  	_ =	swait.ge [sflag:s31], $0x10  }
0x497: {  	[sflag:s31] =	ssyncset.done $0x0  }
0x498: {  	p1 =	seq.s32 s15, $0x0;
	s9 =	rddreg [dreg:$0x1];
	[sflag:s31] =	ssyncadd.s32 $0xFFFFFFF0  }
0x499: {  	s2 =	sshll.u32 @p1 s9, $0xE;
	s8 =	rddreg [dreg:$0x2]  }
0x49a: {  	s1 =	sadd.s32 @p1 $0x15C3C, s2;
	s2 =	sshll.u32 @p1 s8, $0x11  }
0x49b: {  	_ =	sfence.stream.spmem;
	s1 =	sor.u32 @p1 s2, s1  }
0x49c: {  	[sflag:s1] =	ssyncadd.remote.s32 @p1 $0x1;
	s1 =	simm.s32 @p1 $0x4  }
0x49d: {  	s5 =	simm.s32 @!p1 $0x3C;
	s2 =	sand.u32 $0xFFFFFFFE, s9;
	_ =	swait.ge @p1 [sflag:s1], $0xA  }
0x49e: {  	s6 =	simm.s32 @!p1 $0x0;
	s2 =	sadd.s32 @!p1 $0x4, s2;
	[sflag:s1] =	ssyncset.done @p1 $0x0  }
0x49f: {  	s7 =	simm.s32 @!p1 $0x40;
	[sflag:s1] =	ssyncadd.s32 @p1 $0xFFFFFFF6;
	s1 =	sshll.u32 @!p1 s2, $0x1A  }
0x4a0: {  	s2 =	sshll.u32 @!p1 s2, $0xD;
	s1 =	sor.u32 @!p1 s1, s8;
	_ =	swait.eq @!p1 [sflag:s5], $0x1  }
0x4a1: {  	s2 =	sor.u32 @!p1 $0x1C04, s2;
	s5 =	simm.s32 @!p1 $0x1C03;
	s1 =	sor.u32 @!p1 $0x80004000, s1  }
0x4a2: {  	[spmem:s7], [sflag:s2] =	dma.general @!p1 [spmem:s6], [sflag:s5], length:$0x8, [dreg:$0x0], stride_count:$0x0, ici_dest:s1, dma_misc:DstOpCode:WRITE  }
0x4a3: {  	p2 =	slt.s32 s0, $0x2;
	s6 =	simm.s32 @!p1 $0x80;
	s7 =	simm.s32 @!p1 $0x82  }
0x4a4: {  	[spmem:s7], [sflag:s2] =	dma.general @!p1 [spmem:s6], [sflag:s5], length:$0x2, [dreg:$0x0], stride_count:$0x0, ici_dest:s1, dma_misc:DstOpCode:WRITE  }
.Ltmp32:
0x4a5: {  	s1 =	simm.s32 @!p1 $0x3;
	(pc) =	sbr.rel @p2 .LBB2_42-.Ltmp32, $4  }
0x4a6: {  	s2 =	sshll.u32 @!p1 s9, $0xE;
	_ =	swait.ge @!p1 [sflag:s1], $0xA  }
0x4a7: {  	s5 =	sshll.u32 @!p1 s8, $0x11;
	s2 =	sadd.s32 @!p1 $0x11C3C, s2;
	[sflag:s1] =	ssyncset.done @!p1 $0x0  }
0x4a8: {  	[sflag:s1] =	ssyncadd.s32 @!p1 $0xFFFFFFF6;
	s1 =	sor.u32 @!p1 s5, s2  }
0x4a9: {  	s0 =	simm.s32 $0x0;
	[sflag:s1] =	ssyncadd.remote.s32 @!p1 $0xFFFFFFFF  }
0x4aa: {  	s0 =	simm.s32 $0x6099  }
0x4ab: {  	v0 =	vld.msk [tilespmem:s0+$0x0], $0x1;
	_ =	sdelay $0x4  }
0x4ac: {  	(v2sf) =	vpush v0, $0x0;
	_ =	sdelay $0xc  }
0x4ad: {  	s1 =	sadd.s32 $0xFFFFFFFE, s3  }
0x4ae: {  	s1 =	sadd.s32 $0xFFFFFFFF, s1  }
0x4af: {  	p2 =	sne.s32 s1, $0x0;
	s2 =	spop (v2sf)  }
.Ltmp33:
0x4b0: {  	p1 =	sgt.u32 s2, $0x1869FC;
	(pc) =	sbr.rel @!p2 .LBB2_41-.Ltmp33, $4  }
0x4b1: {  	s6 =	simm.s32 $0x0;
	s3 =	sand.u32 @!p1 $0x1FFFF8, s2  }
0x4b2: {  	s0 =	simm.s32 $0x60D8;
	s2 =	sand.u32 @!p1 $0x7, s2;
	s3 =	sadd.s32 @!p1 s4, s3  }
0x4b3: {  	[hbm4b:s3+s2] =	stream.linear.scatter @!p1 [tilespmem:s0], [sflag:$0x5], $0x20, $0x38;
	[tilespmem:$0x1EC48] =	vst v63  }
0x4b4: {  	s6 =	simm.s32 @!p1 $0x80;
	s2 =	simm.s32 $0x0;
	s3 =	simm.s32 $0x609A  }
.LBB2_40:
0x4b5: {  	v0 =	vld.msk [tilespmem:s3+$0x0], $0x1;
	s1 =	sadd.s32 $0xFFFFFFFF, s1;
	s2 =	sadd.s32 s2, s6  }
0x4b6: {  	p1 =	sne.s32 s1, $0x0;
	_ =	sdelay $0x3  }
0x4b7: {  	(v2sf) =	vpush v0, $0x0;
	_ =	sdelay $0xe  }
.Ltmp34:
0x4b8: {  	s5 =	spop (v2sf);
	(pc) =	sbr.rel @p1 .LBB2_40-.Ltmp34, $4  }
0x4b9: {  	s6 =	simm.s32 $0x0;
	p2 =	sgt.u32 s5, $0x1869FC  }
0x4ba: {  	s0 =	sadd.s32 $0x20, s0;
	s6 =	simm.s32 @!p2 $0x80;
	s7 =	sand.u32 @!p2 $0x1FFFF8, s5  }
0x4bb: {  	s3 =	sadd.s32 $0x1, s3;
	s5 =	sand.u32 @!p2 $0x7, s5;
	s7 =	sadd.s32 @!p2 s4, s7  }
0x4bc: {  	[hbm4b:s7+s5] =	stream.linear.scatter @!p2 [tilespmem:s0], [sflag:$0x5], $0x20, $0x38;
	[tilespmem:$0x1EC48] =	vst v63  }
.LBB2_41:
0x4bd: {  	s0 =	sadd.s32 s2, s6  }
0x4be: {  	s0 =	sshrl.u32 s0, $0x2  }
.LBB2_42:
0x4bf: {  	s1 =	simm.s32 $0x5  }
0x4c0: {  	_ =	swait.ge [sflag:s1], s0  }
0x4c1: {  	s31 =	ssub.s32 $0x0, s0;
	[sflag:s1] =	ssyncset.done $0x0  }
0x4c2: {  	[sflag:s1] =	ssyncadd.s32 s31  }
0x4c3: {  	[sflag:s1] =	ssyncpa.u1 $0x1  }
.LBB2_43:
0x4c4: {  	s0 =	sor.u32 s15, s14  }
0x4c5: {  	p1 =	sne.s32 s0, $0x0  }
.Ltmp35:
0x4c6: {  	_ = 	snop;
	(pc) =	sbr.rel @p1 .LBB2_58-.Ltmp35, $3  }
0x4c7: {  	_ =	sdelay $0x1  }
0x4c8: {  	[bflag:$0x0] =	sbarrier.arrive $0xFFFF  }
0x4c9: {  	_ =	sfence  }
0x4ca: {  	s0 =	simm.s32 $0x7  }
0x4cb: {  	s1 =	simm.s32 $0x400;
	s2 =	simm.s32 $0x6098;
	[sflag:s0] =	ssyncpa.u1 $0x0  }
0x4cc: {  	[tilespmem:s2], [sflag:$0x7] =	stream.linear.gather [spmem:s1], $0x20, $0x38;
	[tilespmem:$0x1EC48] =	vst v63  }
0x4cd: {  	s30 =	simm.s32 $0x60B8;
	s1 =	simm.s32 $0x0  }
0x4ce: {  	[tilespmem:s30], [sflag:$0x7] =	stream.linear.gather [spmem:s1], $0x400, $0x38;
	[tilespmem:$0x1EC48] =	vst v63  }
.Ltmp36:
0x4cf: {  	_ = 	snop;
	(pc) =	sbr.rel .LBB2_45-.Ltmp36, $4  }
0x4d0: {  	_ =	swait.ge [sflag:s0], $0x420  }
0x4d1: {  	[sflag:s0] =	ssyncset.done $0x0  }
0x4d2: {  	s31 =	simm.s32 $0x8;
	[sflag:s0] =	ssyncadd.s32 $0xFFFFFBE0  }
0x4d3: {  	s2 =	simm.s32 $0x0;
	[sflag:s31] =	ssyncpa.u1 $0x0  }
.LBB2_51:
0x4d4: {  	p1 =	slt.u32 s0, $0x1869FD  }
0x4d5: {  	s3 =	sand.u32 @p1 $0x1FFFF8, s0  }
0x4d6: {  	s0 =	sand.u32 @p1 $0x7, s0;
	s5 =	simm.s32 @p1 $0x6068;
	s3 =	sadd.s32 @p1 s4, s3  }
0x4d7: {  	[tilespmem:s5], [sflag:$0x8] =	stream.linear.gather @p1 [hbm4b:s3+s0], $0x20, $0x38;
	[tilespmem:$0x1EC48] =	vst v63  }
0x4d8: {  	s0 =	simm.s32 @p1 $0x8  }
0x4d9: {  	_ =	swait.ge @p1 [sflag:s0], $0x20  }
0x4da: {  	[sflag:s0] =	ssyncset.done @p1 $0x0  }
0x4db: {  	[sflag:s0] =	ssyncadd.s32 @p1 $0xFFFFFFE0;
	s0 =	sshll.u32 @p1 s2, $0x7  }
0x4dc: {  	s3 =	sshrl.u32 @p1 s0, $0x2;
	v1 =	vld @p1 [tilespmem:$0x6068]  }
0x4dd: {  	v2 =	vld @p1 [tilespmem:s3+$0x60B8];
	_ =	sdelay $0x4  }
0x4de: {  	v1 =	vmax.f32 @p1 v1, v2  }
0x4df: {  	v2 =	vld @p1 [tilespmem:s3+$0x60C8];
	[tilespmem:s3+$0x60B8] =	vst @p1 v1  }
0x4e0: {  	v1 =	vld @p1 [tilespmem:$0x6078];
	_ =	sdelay $0x4  }
0x4e1: {  	s5 =	sshll.u32 @!p1 s2, $0x7;
	v1 =	vmax.f32 @p1 v1, v2  }
0x4e2: {  	s5 =	smov.u32 @p1 s0;
	[tilespmem:s3+$0x60C8] =	vst @p1 v1  }
0x4e3: {  	s0 =	sshrl.u32 s5, $0x2;
	[tilespmem:s1+$0x6098] =	vst.msk $0x1, v0  }
0x4e4: {  	v0 =	vld [tilespmem:s0+$0x60B8];
	_ =	sdelay $0x2  }
0x4e5: {  	s31 =	sshll.u32 s1, $0x7  }
0x4e6: {  	s3 =	sshra.s32 s31, $0x2  }
0x4e7: {  	[tilespmem:s3+$0x60B8] =	vst v0  }
0x4e8: {  	v0 =	vld [tilespmem:s0+$0x60C8];
	_ =	sdelay $0x4  }
0x4e9: {  	s1 =	sadd.s32 $0x1, s1;
	[tilespmem:s3+$0x60C8] =	vst v0  }
.LBB2_52:
0x4ea: {  	s2 =	sadd.s32 $0x1, s2  }
0x4eb: {  	p1 =	sne.s32 s2, $0x20  }
.Ltmp37:
0x4ec: {  	_ = 	snop;
	(pc) =	sbr.rel @!p1 .LBB2_53-.Ltmp37, $1  }
0x4ed: {  	_ =	sdelay $0x3  }
.LBB2_45:
0x4ee: {  	v0 =	vld.msk [tilespmem:s2+$0x6098], $0x1;
	_ =	sdelay $0x4  }
0x4ef: {  	(v2sf) =	vpush v0, $0x0;
	_ =	sdelay $0xe  }
0x4f0: {  	s0 =	spop (v2sf)  }
0x4f1: {  	p1 =	seq.s32 s0, $0xFFFFFFFF  }
.Ltmp38:
0x4f2: {  	_ = 	snop;
	(pc) =	sbr.rel @p1 .LBB2_52-.Ltmp38, $1  }
0x4f3: {  	_ =	sdelay $0x3  }
0x4f4: {  	p1 =	slt.s32 s1, $0x1  }
.Ltmp39:
0x4f5: {  	_ = 	snop;
	(pc) =	sbr.rel @p1 .LBB2_51-.Ltmp39, $1  }
0x4f6: {  	_ =	sdelay $0x3  }
0x4f7: {  	s3 =	simm.s32 $0x6098;
	p1 =	por $0x0, $0x0  }
0x4f8: {  	v1 =	vld.msk @!p1 [tilespmem:s3+$0x0], $0x1;
	_ =	sdelay $0x4  }
0x4f9: {  	(v2sf) =	vpush @!p1 v1, $0x0;
	_ =	sdelay $0xd  }
0x4fa: {  	p3 =	sne.s32 s1, $0x1  }
.Ltmp40:
0x4fb: {  	s5 =	spop @!p1 (v2sf);
	(pc) =	sbr.rel @!p3 .LBB2_49-.Ltmp40, $4  }
0x4fc: {  	p2 =	seq.s32 @!p1 s0, s5  }
0x4fd: {  	s5 =	simm.s32 $0x0;
	p2 =	por !p2, p1  }
0x4fe: {  	s7 =	simm.s32 $0xFFFFFFFF;
	s5 =	simm.s32 @p2 $0xFFFFFFFF  }
0x4ff: {  	s6 =	simm.s32 $0x1;
	s5 =	smov.u32 @p1 s7  }
.LBB2_48:
0x500: {  	s7 =	smov.u32 s5;
	p1 =	sne.s32 s5, $0xFFFFFFFF  }
0x501: {  	s3 =	sadd.s32 $0x1, s3;
	s5 =	smov.u32 s6;
	s6 =	sadd.s32 $0x1, s6  }
0x502: {  	p2 =	sne.s32 s1, s6;
	v1 =	vld.msk @!p1 [tilespmem:s3+$0x0], $0x1;
	_ =	sdelay $0x4  }
0x503: {  	(v2sf) =	vpush @!p1 v1, $0x0;
	_ =	sdelay $0xe  }
.Ltmp41:
0x504: {  	s8 =	spop @!p1 (v2sf);
	(pc) =	sbr.rel @p2 .LBB2_48-.Ltmp41, $4  }
0x505: {  	p3 =	seq.s32 @!p1 s0, s8  }
0x506: {  	p3 =	por !p3, p1  }
0x507: {  	s5 =	simm.s32 @p3 $0xFFFFFFFF  }
0x508: {  	s5 =	smov.u32 @p1 s7  }
.LBB2_49:
0x509: {  	p1 =	seq.s32 s5, $0xFFFFFFFF  }
.Ltmp42:
0x50a: {  	_ = 	snop;
	(pc) =	sbr.rel @p1 .LBB2_51-.Ltmp42, $1  }
0x50b: {  	_ =	sdelay $0x3  }
0x50c: {  	s0 =	sshll.u32 s2, $0x5  }
0x50d: {  	s3 =	sshll.u32 s5, $0x7;
	s0 =	sand.u32 $0x3FFFFFE0, s0  }
0x50e: {  	s3 =	sshra.s32 s3, $0x2;
	v0 =	vld [tilespmem:s0+$0x60B8]  }
0x50f: {  	v1 =	vld [tilespmem:s3+$0x60B8];
	_ =	sdelay $0x4  }
0x510: {  	v0 =	vmax.f32 v0, v1  }
0x511: {  	v63 =	vld [tilespmem:s3+$0x60C8];
	[tilespmem:s3+$0x60B8] =	vst v0  }
0x512: {  	v0 =	vld [tilespmem:s0+$0x60C8];
	_ =	sdelay $0x1  }
.Ltmp43:
0x513: {  	_ = 	snop;
	(pc) =	sbr.rel .LBB2_52-.Ltmp43, $3  }
0x514: {  	_ =	sdelay $0x1  }
0x515: {  	v0 =	vmax.f32 v0, v63  }
0x516: {  	[tilespmem:s3+$0x60C8] =	vst v0  }
.LBB2_53:
0x517: {  	p1 =	slt.s32 s1, $0x1  }
.Ltmp44:
0x518: {  	_ = 	snop;
	(pc) =	sbr.rel @p1 .LBB2_57-.Ltmp44, $3  }
0x519: {  	_ =	sdelay $0x1  }
0x51a: {  	s0 =	simm.s32 $0x8  }
0x51b: {  	[sflag:s0] =	ssyncpa.u1 $0x1;
	s0 =	simm.s32 $0x0  }
0x51c: {  	s2 =	simm.s32 $0x6098  }
0x51d: {  	v0 =	vld.msk [tilespmem:s2+$0x0], $0x1;
	_ =	sdelay $0x4  }
0x51e: {  	(v2sf) =	vpush v0, $0x0;
	_ =	sdelay $0xe  }
0x51f: {  	s1 =	sadd.s32 $0xFFFFFFFF, s1;
	s3 =	spop (v2sf)  }
0x520: {  	p2 =	sne.s32 s1, $0x0;
	p1 =	sgt.u32 s3, $0x1869FC  }
.Ltmp45:
0x521: {  	s5 =	sand.u32 @!p1 $0x1FFFF8, s3;
	(pc) =	sbr.rel @!p2 .LBB2_56-.Ltmp45, $4  }
0x522: {  	s2 =	simm.s32 $0x60B8;
	s3 =	sand.u32 @!p1 $0x7, s3;
	s5 =	sadd.s32 @!p1 s4, s5  }
0x523: {  	[hbm4b:s5+s3] =	stream.linear.scatter @!p1 [tilespmem:s2], [sflag:$0x7], $0x20, $0x38;
	[tilespmem:$0x1EC48] =	vst v63  }
0x524: {  	s5 =	simm.s32 $0x0  }
0x525: {  	s3 =	simm.s32 $0x6099;
	s5 =	simm.s32 @!p1 $0x80  }
.LBB2_55:
0x526: {  	v0 =	vld.msk [tilespmem:s3+$0x0], $0x1;
	s1 =	sadd.s32 $0xFFFFFFFF, s1;
	s0 =	sadd.s32 s0, s5  }
0x527: {  	p1 =	sne.s32 s1, $0x0;
	_ =	sdelay $0x3  }
0x528: {  	(v2sf) =	vpush v0, $0x0;
	_ =	sdelay $0xe  }
.Ltmp46:
0x529: {  	s6 =	spop (v2sf);
	(pc) =	sbr.rel @p1 .LBB2_55-.Ltmp46, $4  }
0x52a: {  	s5 =	simm.s32 $0x0;
	p2 =	sgt.u32 s6, $0x1869FC  }
0x52b: {  	s2 =	sadd.s32 $0x20, s2;
	s5 =	simm.s32 @!p2 $0x80;
	s7 =	sand.u32 @!p2 $0x1FFFF8, s6  }
0x52c: {  	s3 =	sadd.s32 $0x1, s3;
	s6 =	sand.u32 @!p2 $0x7, s6;
	s7 =	sadd.s32 @!p2 s4, s7  }
0x52d: {  	[hbm4b:s7+s6] =	stream.linear.scatter @!p2 [tilespmem:s2], [sflag:$0x7], $0x20, $0x38;
	[tilespmem:$0x1EC48] =	vst v63  }
.LBB2_56:
0x52e: {  	s0 =	sadd.s32 s0, s5  }
0x52f: {  	s0 =	sshrl.u32 s0, $0x2  }
.LBB2_57:
0x530: {  	s1 =	simm.s32 $0x7  }
0x531: {  	_ =	swait.ge [sflag:s1], s0  }
0x532: {  	s31 =	ssub.s32 $0x0, s0;
	[sflag:s1] =	ssyncset.done $0x0  }
0x533: {  	[sflag:s1] =	ssyncadd.s32 s31  }
0x534: {  	[sflag:s1] =	ssyncpa.u1 $0x1  }
.LBB2_58:
0x535: {  	_ =	sfence;
	s0 =	simm.s32 $0x1  }
0x536: {  	[sflag:s0] =	ssyncpa.u1 $0x1  }
0x537: {  	_ =	strace $0x9000004A  }
0x538: {  	[bflag:$0x2] =	sbarrier.arrive $0xFFFF  }
0x539: {  	s0 =	rddreg [dreg:$0x3]  }
0x53a: {  	s0 =	sadd.s32 @!p0 $0x100000, s0  }
0x53b: {  	[sflag:s0] =	ssyncadd.tile.s32 @!p0 $0x1;
	_ =	shalt  }
.Lfunc_end2:
_tile_overlayer_lowered:
.L_overlay_start_2:
0x53c: {  	(tag) =	ssettag $0x2  }
0x53d: {  	s0 =	rddreg [dreg:$0x0];
	s2 =	stileid.u32  }
0x53e: {  	s1 =	rddreg [dreg:$0x1];
	p0 =	sne.s32 s2, $0x0  }
0x53f: {  	s3 =	rddreg [dreg:$0x2];
	[bflag:$0x3] =	sbarrier.arrive $0xFFFF;
	s2 =	simm.s32 @!p0 $0x1C01  }
0x540: {  	[timem:s3], [sflag:s2] =	dma.local @!p0 [hbm:s0], s1  }
0x541: {  	s0 =	simm.s32 @!p0 $0x1  }
0x542: {  	_ =	swait.ge @!p0 [sflag:s0], s1  }
0x543: {  	s1 =	ssub.s32 @!p0 $0x0, s1;
	[sflag:s0] =	ssyncset.done @!p0 $0x0  }
0x544: {  	[sflag:s0] =	ssyncadd.s32 @!p0 s1  }
0x545: {  	[bflag:$0x3] =	sbarrier.arrive $0xFFFF  }
0x546: {  	_ =	shalt  }

</sc_bundles>
